<compile_context>
chip_gen: v7x
topology: tpu7x:2x2x1
jax: 0.10.2.dev20260603
libtpu: 0.0.44.dev20260713+nightly
codegen_flags: <defaults>
</compile_context>

<pallas_src>
import functools
import math

import jax
import jax.numpy as jnp
from jax import lax
from jax.experimental import pallas as pl
from jax.experimental.pallas import tpu as pltpu
from jax.experimental.pallas import tpu_sc as plsc

D_MODEL = 64
_SCALE = math.sqrt(D_MODEL)
_LANES = 128


@functools.lru_cache(maxsize=None)
def _build(V, D, B):
    info = plsc.get_sparse_core_info()
    NC, NS, L = info.num_cores, info.num_subcores, info.num_lanes
    NW = NC * NS
    assert B % NW == 0
    b_per_w = B // NW
    C = 128
    assert b_per_w % C == 0
    n_chunks = b_per_w // C
    NG = 4
    NWB = 2
    LOOK = 2
    assert n_chunks % NG == 0
    mesh = plsc.VectorSubcoreMesh(core_axis_name="c", subcore_axis_name="s")

    @functools.partial(
        pl.kernel,
        mesh=mesh,
        out_type=jax.ShapeDtypeStruct((B, D), jnp.float32),
        compiler_params=pltpu.CompilerParams(use_tc_tiling_on_sc=True),
        scratch_types=[
            pltpu.VMEM((n_chunks, C), jnp.int32),
            pltpu.VMEM((NG, C, _LANES), jnp.float32),
            pltpu.VMEM((NWB, C, D), jnp.float32),
            [pltpu.SemaphoreType.DMA] * NG,
            [pltpu.SemaphoreType.DMA] * NWB,
        ],
    )
    def emb_kernel(table_hbm, x_hbm, out_hbm, idx_v, gbuf, wbuf, gsems, wsems):
        wid = lax.axis_index("s") * NC + lax.axis_index("c")
        base = wid * b_per_w
        pltpu.sync_copy(x_hbm.at[wid], idx_v)

        def start_gather(ci, b):
            pltpu.async_copy(table_hbm.at[idx_v.at[ci]], gbuf.at[b], gsems[b])

        def wait_gather(ci, b):
            pltpu.make_async_copy(
                table_hbm.at[idx_v.at[ci]], gbuf.at[b], gsems[b]
            ).wait()

        def wait_write(b):
            pltpu.make_async_copy(
                wbuf.at[b], out_hbm.at[pl.ds(base, C)], wsems[b]
            ).wait()

        def start_write(ci, b):
            pltpu.async_copy(
                wbuf.at[b], out_hbm.at[pl.ds(base + ci * C, C)], wsems[b]
            )

        def scale(gb, wb):
            @plsc.parallel_loop(0, C, unroll=8)
            def _scale_body(r):
                for d in range(D // L):
                    sl = pl.ds(d * L, L)
                    wbuf[wb, r, sl] = gbuf[gb, r, sl] * _SCALE

        for ci in range(LOOK):
            start_gather(ci, ci % NG)

        for ci in range(NWB):
            start_gather(ci + LOOK, (ci + LOOK) % NG)
            wait_gather(ci, ci % NG)
            scale(ci % NG, ci % NWB)
            start_write(ci, ci % NWB)

        def steady(ci0, carry):
            for k in range(NG):
                ci = ci0 + k
                gb = (NWB + k) % NG
                gb_next = (NWB + k + LOOK) % NG
                wb = (NWB + k) % NWB
                start_gather(ci + LOOK, gb_next)
                wait_gather(ci, gb)
                wait_write(wb)
                scale(gb, wb)
                start_write(ci, wb)
            return carry

        n_steady = (n_chunks - NWB - LOOK) // NG
        lax.fori_loop(0, n_steady, lambda g, c: steady(NWB + g * NG, c), 0)

        for k in range(LOOK):
            ci = n_chunks - LOOK + k
            wait_gather(ci, ci % NG)
            wait_write(ci % NWB)
            scale(ci % NG, ci % NWB)
            start_write(ci, ci % NWB)
        for b in range(NWB):
            wait_write(b)

    def run(table, x):
        table_p = jnp.pad(table, ((0, 0), (0, _LANES - D)))
        x3 = x.reshape(NW, n_chunks, C)
        return emb_kernel(table_p, x3)

    return run


def kernel(x, table):
    Bdim, T = x.shape
    V, D = table.shape
    run = _build(V, D, Bdim * T)
    out = run(table, x.reshape(-1).astype(jnp.int32))
    return out.reshape(Bdim, T, D)

# --- scband reference (transcript-rebuilt; emitter-appended) ---
"""Pipeline reference for scband-embeddings-22711787061896 (READ-ONLY COPY).

The authoritative reference and input builder live on the scoring server;
editing this copy changes nothing except your own understanding.
"""

import math
import jax, jax.numpy as jnp
import numpy as np

VOCAB = 1000000
D_MODEL = 64

def setup_inputs(seed: int = 0) -> dict:
    key = jax.random.key(seed)
    k1, k2 = jax.random.split(key)
    x = jax.random.randint(k1, (4096, 200), 0, VOCAB, dtype=jnp.int64 if jax.config.jax_enable_x64 else jnp.int32)
    table = jax.random.normal(k2, (VOCAB, D_MODEL), dtype=jnp.float32)
    return {"x": x, "table": table}

def reference(x, table):
    # Faithful to Embeddings.forward: self.emb(x) * math.sqrt(self.d_model)
    emb = jnp.take(table, x, axis=0)
    return emb * math.sqrt(D_MODEL)

if __name__ == "__main__":
    import jax
    _d = setup_inputs()
    print(jax.jit(kernel)(*tuple(_d.values())))

</pallas_src>

<mosaic_0001>
#map = affine_map<(d0, d1) -> (0, 0)>
#map1 = affine_map<(d0, d1) -> (0, 0, 0)>
module attributes {stable_mosaic.version = 14 : i64} {
  func.func @emb_kernel(%arg0: i32, %arg1: i32, %arg2: memref<1000000x128xf32, #tpu.memory_space<hbm>>, %arg3: memref<32x200x128xi32, #tpu.memory_space<hbm>>, %arg4: memref<819200x64xf32, #tpu.memory_space<hbm>>, %arg5: memref<200x128xi32, #tpu.memory_space<vmem>>, %arg6: memref<4x128x128xf32, #tpu.memory_space<vmem>>, %arg7: memref<2x128x64xf32, #tpu.memory_space<vmem>>, %arg8: memref<!tpu.dma_semaphore, #tpu.memory_space<semaphore_mem>>, %arg9: memref<!tpu.dma_semaphore, #tpu.memory_space<semaphore_mem>>, %arg10: memref<!tpu.dma_semaphore, #tpu.memory_space<semaphore_mem>>, %arg11: memref<!tpu.dma_semaphore, #tpu.memory_space<semaphore_mem>>, %arg12: memref<!tpu.dma_semaphore, #tpu.memory_space<semaphore_mem>>, %arg13: memref<!tpu.dma_semaphore, #tpu.memory_space<semaphore_mem>>) attributes {dimension_semantics = [#tpu.dimension_semantics<core_parallel>, #tpu.dimension_semantics<subcore_parallel>], iteration_bounds = array<i64: 2, 16>, scalar_prefetch = 0 : i64, scratch_operands = 9 : i64, tpu.core_type = #tpu.core_type<sc_vector_subcore>, window_params = [{transform_indices = #map}, {transform_indices = #map1}, {transform_indices = #map}]} {
    %mul3A = arith.constant 2 : i32
    %mul3A_0 = arith.muli %arg1, %mul3A : i32
    %add3A = arith.addi %mul3A_0, %arg0 : i32
    %mul3A_1 = arith.constant 25600 : i32
    %mul3A_2 = arith.muli %add3A, %mul3A_1 : i32
    "tpu.region"() ({
      %run_scoped3A = tpu.sem_alloc : memref<!tpu.dma_semaphore, #tpu.memory_space<semaphore_mem>>
      %dma_start3A_225 = arith.constant 0 : i32
      %dma_start3A_226 = arith.constant 0 : i32
      %dma_start3A_227 = tpu.memref_slice %arg3[%add3A, %dma_start3A_225, %dma_start3A_226] : memref<32x200x128xi32, #tpu.memory_space<hbm>> -> memref<1x200x128xi32, #tpu.memory_space<hbm>>
      %dma_start3A_228 = tpu.memref_squeeze %dma_start3A_227 : memref<1x200x128xi32, #tpu.memory_space<hbm>> -> memref<200x128xi32, #tpu.memory_space<hbm>>
      %dma_start3A_229 = arith.constant 0 : i32
      %dma_start3A_230 = arith.constant 0 : i32
      %dma_start3A_231 = tpu.memref_slice %arg3[%add3A, %dma_start3A_229, %dma_start3A_230] : memref<32x200x128xi32, #tpu.memory_space<hbm>> -> memref<1x200x128xi32, #tpu.memory_space<hbm>>
      %dma_start3A_232 = tpu.memref_squeeze %dma_start3A_231 : memref<1x200x128xi32, #tpu.memory_space<hbm>> -> memref<200x128xi32, #tpu.memory_space<hbm>>
      tpu.enqueue_dma source(%dma_start3A_232 : memref<200x128xi32, #tpu.memory_space<hbm>>) target(%arg5 : memref<200x128xi32, #tpu.memory_space<vmem>>) target_semaphore(%run_scoped3A : memref<!tpu.dma_semaphore, #tpu.memory_space<semaphore_mem>>)
      %dma_wait3A_233 = arith.constant 0 : i32
      %dma_wait3A_234 = arith.constant 0 : i32
      %dma_wait3A_235 = tpu.memref_slice %arg3[%add3A, %dma_wait3A_233, %dma_wait3A_234] : memref<32x200x128xi32, #tpu.memory_space<hbm>> -> memref<1x200x128xi32, #tpu.memory_space<hbm>>
      %dma_wait3A_236 = tpu.memref_squeeze %dma_wait3A_235 : memref<1x200x128xi32, #tpu.memory_space<hbm>> -> memref<200x128xi32, #tpu.memory_space<hbm>>
      %dma_wait3A_237 = arith.constant 0 : i32
      %dma_wait3A_238 = arith.constant 0 : i32
      %dma_wait3A_239 = tpu.memref_slice %arg3[%add3A, %dma_wait3A_237, %dma_wait3A_238] : memref<32x200x128xi32, #tpu.memory_space<hbm>> -> memref<1x200x128xi32, #tpu.memory_space<hbm>>
      %dma_wait3A_240 = tpu.memref_squeeze %dma_wait3A_239 : memref<1x200x128xi32, #tpu.memory_space<hbm>> -> memref<200x128xi32, #tpu.memory_space<hbm>>
      tpu.wait_dma2 semaphore(%run_scoped3A : memref<!tpu.dma_semaphore, #tpu.memory_space<semaphore_mem>>) src(%dma_wait3A_240 : memref<200x128xi32, #tpu.memory_space<hbm>>) dst(%arg5 : memref<200x128xi32, #tpu.memory_space<vmem>>)
      tpu.yield
    }) : () -> ()
    %dma_start3A = arith.constant 0 : i32
    %dma_start3A_3 = arith.constant 0 : i32
    %dma_start3A_4 = arith.constant 0 : i32
    %dma_start3A_5 = arith.constant 0 : i32
    %dma_start3A_6 = tpu.memref_slice %arg6[%dma_start3A_3, %dma_start3A_4, %dma_start3A_5] : memref<4x128x128xf32, #tpu.memory_space<vmem>> -> memref<1x128x128xf32, #tpu.memory_space<vmem>>
    %dma_start3A_7 = tpu.memref_squeeze %dma_start3A_6 : memref<1x128x128xf32, #tpu.memory_space<vmem>> -> memref<128x128xf32, #tpu.memory_space<vmem>>
    %dma_start3A_8 = arith.constant 0 : i32
    %dma_start3A_9 = tpu.memref_slice %arg5[%dma_start3A, %dma_start3A_8] : memref<200x128xi32, #tpu.memory_space<vmem>> -> memref<1x128xi32, #tpu.memory_space<vmem>>
    %dma_start3A_10 = tpu.memref_squeeze %dma_start3A_9 : memref<1x128xi32, #tpu.memory_space<vmem>> -> memref<128xi32, #tpu.memory_space<vmem>>
    %dma_start3A_11 = arith.constant 0 : i32
    %dma_start3A_12 = arith.constant 0 : i32
    %dma_start3A_13 = tpu.memref_slice %arg2[%dma_start3A_11, %dma_start3A_12] : memref<1000000x128xf32, #tpu.memory_space<hbm>> -> memref<1000000x128xf32, #tpu.memory_space<hbm>>
    tpu.enqueue_indirect_dma source(%dma_start3A_13 : memref<1000000x128xf32, #tpu.memory_space<hbm>>) target(%dma_start3A_7 : memref<128x128xf32, #tpu.memory_space<vmem>>) offsets(%dma_start3A_10 : memref<128xi32, #tpu.memory_space<vmem>>) semaphore(%arg8 : memref<!tpu.dma_semaphore, #tpu.memory_space<semaphore_mem>>)
    %dma_start3A_14 = arith.constant 1 : i32
    %dma_start3A_15 = arith.constant 1 : i32
    %dma_start3A_16 = arith.constant 0 : i32
    %dma_start3A_17 = arith.constant 0 : i32
    %dma_start3A_18 = tpu.memref_slice %arg6[%dma_start3A_15, %dma_start3A_16, %dma_start3A_17] : memref<4x128x128xf32, #tpu.memory_space<vmem>> -> memref<1x128x128xf32, #tpu.memory_space<vmem>>
    %dma_start3A_19 = tpu.memref_squeeze %dma_start3A_18 : memref<1x128x128xf32, #tpu.memory_space<vmem>> -> memref<128x128xf32, #tpu.memory_space<vmem>>
    %dma_start3A_20 = arith.constant 0 : i32
    %dma_start3A_21 = tpu.memref_slice %arg5[%dma_start3A_14, %dma_start3A_20] : memref<200x128xi32, #tpu.memory_space<vmem>> -> memref<1x128xi32, #tpu.memory_space<vmem>>
    %dma_start3A_22 = tpu.memref_squeeze %dma_start3A_21 : memref<1x128xi32, #tpu.memory_space<vmem>> -> memref<128xi32, #tpu.memory_space<vmem>>
    %dma_start3A_23 = arith.constant 0 : i32
    %dma_start3A_24 = arith.constant 0 : i32
    %dma_start3A_25 = tpu.memref_slice %arg2[%dma_start3A_23, %dma_start3A_24] : memref<1000000x128xf32, #tpu.memory_space<hbm>> -> memref<1000000x128xf32, #tpu.memory_space<hbm>>
    tpu.enqueue_indirect_dma source(%dma_start3A_25 : memref<1000000x128xf32, #tpu.memory_space<hbm>>) target(%dma_start3A_19 : memref<128x128xf32, #tpu.memory_space<vmem>>) offsets(%dma_start3A_22 : memref<128xi32, #tpu.memory_space<vmem>>) semaphore(%arg9 : memref<!tpu.dma_semaphore, #tpu.memory_space<semaphore_mem>>)
    %dma_start3A_26 = arith.constant 2 : i32
    %dma_start3A_27 = arith.constant 2 : i32
    %dma_start3A_28 = arith.constant 0 : i32
    %dma_start3A_29 = arith.constant 0 : i32
    %dma_start3A_30 = tpu.memref_slice %arg6[%dma_start3A_27, %dma_start3A_28, %dma_start3A_29] : memref<4x128x128xf32, #tpu.memory_space<vmem>> -> memref<1x128x128xf32, #tpu.memory_space<vmem>>
    %dma_start3A_31 = tpu.memref_squeeze %dma_start3A_30 : memref<1x128x128xf32, #tpu.memory_space<vmem>> -> memref<128x128xf32, #tpu.memory_space<vmem>>
    %dma_start3A_32 = arith.constant 0 : i32
    %dma_start3A_33 = tpu.memref_slice %arg5[%dma_start3A_26, %dma_start3A_32] : memref<200x128xi32, #tpu.memory_space<vmem>> -> memref<1x128xi32, #tpu.memory_space<vmem>>
    %dma_start3A_34 = tpu.memref_squeeze %dma_start3A_33 : memref<1x128xi32, #tpu.memory_space<vmem>> -> memref<128xi32, #tpu.memory_space<vmem>>
    %dma_start3A_35 = arith.constant 0 : i32
    %dma_start3A_36 = arith.constant 0 : i32
    %dma_start3A_37 = tpu.memref_slice %arg2[%dma_start3A_35, %dma_start3A_36] : memref<1000000x128xf32, #tpu.memory_space<hbm>> -> memref<1000000x128xf32, #tpu.memory_space<hbm>>
    tpu.enqueue_indirect_dma source(%dma_start3A_37 : memref<1000000x128xf32, #tpu.memory_space<hbm>>) target(%dma_start3A_31 : memref<128x128xf32, #tpu.memory_space<vmem>>) offsets(%dma_start3A_34 : memref<128xi32, #tpu.memory_space<vmem>>) semaphore(%arg10 : memref<!tpu.dma_semaphore, #tpu.memory_space<semaphore_mem>>)
    %dma_wait3A = arith.constant 0 : i32
    %dma_wait3A_38 = arith.constant 0 : i32
    %dma_wait3A_39 = arith.constant 0 : i32
    %dma_wait3A_40 = arith.constant 0 : i32
    %dma_wait3A_41 = tpu.memref_slice %arg6[%dma_wait3A_38, %dma_wait3A_39, %dma_wait3A_40] : memref<4x128x128xf32, #tpu.memory_space<vmem>> -> memref<1x128x128xf32, #tpu.memory_space<vmem>>
    %dma_wait3A_42 = tpu.memref_squeeze %dma_wait3A_41 : memref<1x128x128xf32, #tpu.memory_space<vmem>> -> memref<128x128xf32, #tpu.memory_space<vmem>>
    %dma_wait3A_43 = arith.constant 0 : i32
    %dma_wait3A_44 = tpu.memref_slice %arg5[%dma_wait3A, %dma_wait3A_43] : memref<200x128xi32, #tpu.memory_space<vmem>> -> memref<1x128xi32, #tpu.memory_space<vmem>>
    %dma_wait3A_45 = tpu.memref_squeeze %dma_wait3A_44 : memref<1x128xi32, #tpu.memory_space<vmem>> -> memref<128xi32, #tpu.memory_space<vmem>>
    %dma_wait3A_46 = arith.constant 0 : i32
    %dma_wait3A_47 = arith.constant 0 : i32
    %dma_wait3A_48 = tpu.memref_slice %arg2[%dma_wait3A_46, %dma_wait3A_47] : memref<1000000x128xf32, #tpu.memory_space<hbm>> -> memref<1000000x128xf32, #tpu.memory_space<hbm>>
    tpu.wait_indirect_dma semaphore(%arg8 : memref<!tpu.dma_semaphore, #tpu.memory_space<semaphore_mem>>) src(%dma_wait3A_48 : memref<1000000x128xf32, #tpu.memory_space<hbm>>) dst(%dma_wait3A_42 : memref<128x128xf32, #tpu.memory_space<vmem>>)
    %parallel_loop3A = arith.constant 0 : i32
    %parallel_loop3A_49 = arith.constant 128 : i32
    %parallel_loop3A_50 = arith.constant 1 : i32
    scf.for %parallel_loop3A_225 = %parallel_loop3A to %parallel_loop3A_49 step %parallel_loop3A_50  : i32 {
      %parallel_loop3A_226 = arith.constant 0 : i32
      %parallel_loop3A_227 = arith.index_cast %parallel_loop3A_226 : i32 to index
      %parallel_loop3A_228 = arith.index_cast %parallel_loop3A_225 : i32 to index
      %parallel_loop3A_229 = arith.constant 0 : index
      %parallel_loop3A_230 = tpu.vector_load %arg6[%parallel_loop3A_227, %parallel_loop3A_228, %parallel_loop3A_229] {strides = array<i32>} : memref<4x128x128xf32, #tpu.memory_space<vmem>>, vector<1x1x16xf32>,
      %parallel_loop3A_231 = vector.shape_cast %parallel_loop3A_230 : vector<1x1x16xf32> to vector<16xf32>
      %parallel_loop3A_232 = arith.constant 8.000000e+00 : f32
      %parallel_loop3A_233 = vector.broadcast %parallel_loop3A_232 : f32 to vector<16xf32>
      %parallel_loop3A_234 = arith.mulf %parallel_loop3A_231, %parallel_loop3A_233 : vector<16xf32>
      %parallel_loop3A_235 = arith.constant 0 : i32
      %parallel_loop3A_236 = arith.index_cast %parallel_loop3A_235 : i32 to index
      %parallel_loop3A_237 = arith.index_cast %parallel_loop3A_225 : i32 to index
      %parallel_loop3A_238 = arith.constant 0 : index
      %parallel_loop3A_239 = tpu.vector_load %arg7[%parallel_loop3A_236, %parallel_loop3A_237, %parallel_loop3A_238] {strides = array<i32>} : memref<2x128x64xf32, #tpu.memory_space<vmem>>, vector<1x1x16xf32>,
      %parallel_loop3A_240 = vector.shape_cast %parallel_loop3A_239 : vector<1x1x16xf32> to vector<16xf32>
      %parallel_loop3A_241 = vector.shape_cast %parallel_loop3A_234 : vector<16xf32> to vector<1x1x16xf32>
      tpu.vector_store %arg7[%parallel_loop3A_236, %parallel_loop3A_237, %parallel_loop3A_238], %parallel_loop3A_241 {strides = array<i32>} : memref<2x128x64xf32, #tpu.memory_space<vmem>>, vector<1x1x16xf32>,
      %parallel_loop3A_242 = arith.constant 0 : i32
      %parallel_loop3A_243 = arith.index_cast %parallel_loop3A_242 : i32 to index
      %parallel_loop3A_244 = arith.index_cast %parallel_loop3A_225 : i32 to index
      %parallel_loop3A_245 = arith.constant 16 : index
      %parallel_loop3A_246 = tpu.vector_load %arg6[%parallel_loop3A_243, %parallel_loop3A_244, %parallel_loop3A_245] {strides = array<i32>} : memref<4x128x128xf32, #tpu.memory_space<vmem>>, vector<1x1x16xf32>,
      %parallel_loop3A_247 = vector.shape_cast %parallel_loop3A_246 : vector<1x1x16xf32> to vector<16xf32>
      %parallel_loop3A_248 = arith.constant 8.000000e+00 : f32
      %parallel_loop3A_249 = vector.broadcast %parallel_loop3A_248 : f32 to vector<16xf32>
      %parallel_loop3A_250 = arith.mulf %parallel_loop3A_247, %parallel_loop3A_249 : vector<16xf32>
      %parallel_loop3A_251 = arith.constant 0 : i32
      %parallel_loop3A_252 = arith.index_cast %parallel_loop3A_251 : i32 to index
      %parallel_loop3A_253 = arith.index_cast %parallel_loop3A_225 : i32 to index
      %parallel_loop3A_254 = arith.constant 16 : index
      %parallel_loop3A_255 = tpu.vector_load %arg7[%parallel_loop3A_252, %parallel_loop3A_253, %parallel_loop3A_254] {strides = array<i32>} : memref<2x128x64xf32, #tpu.memory_space<vmem>>, vector<1x1x16xf32>,
      %parallel_loop3A_256 = vector.shape_cast %parallel_loop3A_255 : vector<1x1x16xf32> to vector<16xf32>
      %parallel_loop3A_257 = vector.shape_cast %parallel_loop3A_250 : vector<16xf32> to vector<1x1x16xf32>
      tpu.vector_store %arg7[%parallel_loop3A_252, %parallel_loop3A_253, %parallel_loop3A_254], %parallel_loop3A_257 {strides = array<i32>} : memref<2x128x64xf32, #tpu.memory_space<vmem>>, vector<1x1x16xf32>,
      %parallel_loop3A_258 = arith.constant 0 : i32
      %parallel_loop3A_259 = arith.index_cast %parallel_loop3A_258 : i32 to index
      %parallel_loop3A_260 = arith.index_cast %parallel_loop3A_225 : i32 to index
      %parallel_loop3A_261 = arith.constant 32 : index
      %parallel_loop3A_262 = tpu.vector_load %arg6[%parallel_loop3A_259, %parallel_loop3A_260, %parallel_loop3A_261] {strides = array<i32>} : memref<4x128x128xf32, #tpu.memory_space<vmem>>, vector<1x1x16xf32>,
      %parallel_loop3A_263 = vector.shape_cast %parallel_loop3A_262 : vector<1x1x16xf32> to vector<16xf32>
      %parallel_loop3A_264 = arith.constant 8.000000e+00 : f32
      %parallel_loop3A_265 = vector.broadcast %parallel_loop3A_264 : f32 to vector<16xf32>
      %parallel_loop3A_266 = arith.mulf %parallel_loop3A_263, %parallel_loop3A_265 : vector<16xf32>
      %parallel_loop3A_267 = arith.constant 0 : i32
      %parallel_loop3A_268 = arith.index_cast %parallel_loop3A_267 : i32 to index
      %parallel_loop3A_269 = arith.index_cast %parallel_loop3A_225 : i32 to index
      %parallel_loop3A_270 = arith.constant 32 : index
      %parallel_loop3A_271 = tpu.vector_load %arg7[%parallel_loop3A_268, %parallel_loop3A_269, %parallel_loop3A_270] {strides = array<i32>} : memref<2x128x64xf32, #tpu.memory_space<vmem>>, vector<1x1x16xf32>,
      %parallel_loop3A_272 = vector.shape_cast %parallel_loop3A_271 : vector<1x1x16xf32> to vector<16xf32>
      %parallel_loop3A_273 = vector.shape_cast %parallel_loop3A_266 : vector<16xf32> to vector<1x1x16xf32>
      tpu.vector_store %arg7[%parallel_loop3A_268, %parallel_loop3A_269, %parallel_loop3A_270], %parallel_loop3A_273 {strides = array<i32>} : memref<2x128x64xf32, #tpu.memory_space<vmem>>, vector<1x1x16xf32>,
      %parallel_loop3A_274 = arith.constant 0 : i32
      %parallel_loop3A_275 = arith.index_cast %parallel_loop3A_274 : i32 to index
      %parallel_loop3A_276 = arith.index_cast %parallel_loop3A_225 : i32 to index
      %parallel_loop3A_277 = arith.constant 48 : index
      %parallel_loop3A_278 = tpu.vector_load %arg6[%parallel_loop3A_275, %parallel_loop3A_276, %parallel_loop3A_277] {strides = array<i32>} : memref<4x128x128xf32, #tpu.memory_space<vmem>>, vector<1x1x16xf32>,
      %parallel_loop3A_279 = vector.shape_cast %parallel_loop3A_278 : vector<1x1x16xf32> to vector<16xf32>
      %parallel_loop3A_280 = arith.constant 8.000000e+00 : f32
      %parallel_loop3A_281 = vector.broadcast %parallel_loop3A_280 : f32 to vector<16xf32>
      %parallel_loop3A_282 = arith.mulf %parallel_loop3A_279, %parallel_loop3A_281 : vector<16xf32>
      %parallel_loop3A_283 = arith.constant 0 : i32
      %parallel_loop3A_284 = arith.index_cast %parallel_loop3A_283 : i32 to index
      %parallel_loop3A_285 = arith.index_cast %parallel_loop3A_225 : i32 to index
      %parallel_loop3A_286 = arith.constant 48 : index
      %parallel_loop3A_287 = tpu.vector_load %arg7[%parallel_loop3A_284, %parallel_loop3A_285, %parallel_loop3A_286] {strides = array<i32>} : memref<2x128x64xf32, #tpu.memory_space<vmem>>, vector<1x1x16xf32>,
      %parallel_loop3A_288 = vector.shape_cast %parallel_loop3A_287 : vector<1x1x16xf32> to vector<16xf32>
      %parallel_loop3A_289 = vector.shape_cast %parallel_loop3A_282 : vector<16xf32> to vector<1x1x16xf32>
      tpu.vector_store %arg7[%parallel_loop3A_284, %parallel_loop3A_285, %parallel_loop3A_286], %parallel_loop3A_289 {strides = array<i32>} : memref<2x128x64xf32, #tpu.memory_space<vmem>>, vector<1x1x16xf32>,
    } {sc.loop_unroll_factor = 8 : i64, sc.parallel_access}
    %add3A_51 = arith.constant 0 : i32
    %add3A_52 = arith.addi %mul3A_2, %add3A_51 : i32
    %dma_start3A_53 = arith.constant 0 : i32
    %dma_start3A_54 = arith.constant 0 : i32
    %dma_start3A_55 = arith.constant 0 : i32
    %dma_start3A_56 = tpu.memref_slice %arg7[%dma_start3A_53, %dma_start3A_54, %dma_start3A_55] : memref<2x128x64xf32, #tpu.memory_space<vmem>> -> memref<1x128x64xf32, #tpu.memory_space<vmem>>
    %dma_start3A_57 = tpu.memref_squeeze %dma_start3A_56 : memref<1x128x64xf32, #tpu.memory_space<vmem>> -> memref<128x64xf32, #tpu.memory_space<vmem>>
    %dma_start3A_58 = arith.constant 0 : i32
    %dma_start3A_59 = tpu.memref_slice %arg4[%add3A_52, %dma_start3A_58] : memref<819200x64xf32, #tpu.memory_space<hbm>> -> memref<128x64xf32, #tpu.memory_space<hbm>>
    %dma_start3A_60 = arith.constant 0 : i32
    %dma_start3A_61 = tpu.memref_slice %arg4[%add3A_52, %dma_start3A_60] : memref<819200x64xf32, #tpu.memory_space<hbm>> -> memref<128x64xf32, #tpu.memory_space<hbm>>
    %dma_start3A_62 = arith.constant 0 : i32
    %dma_start3A_63 = arith.constant 0 : i32
    %dma_start3A_64 = tpu.memref_slice %arg7[%dma_start3A_53, %dma_start3A_62, %dma_start3A_63] : memref<2x128x64xf32, #tpu.memory_space<vmem>> -> memref<1x128x64xf32, #tpu.memory_space<vmem>>
    %dma_start3A_65 = tpu.memref_squeeze %dma_start3A_64 : memref<1x128x64xf32, #tpu.memory_space<vmem>> -> memref<128x64xf32, #tpu.memory_space<vmem>>
    tpu.enqueue_dma source(%dma_start3A_65 : memref<128x64xf32, #tpu.memory_space<vmem>>) target(%dma_start3A_61 : memref<128x64xf32, #tpu.memory_space<hbm>>) target_semaphore(%arg12 : memref<!tpu.dma_semaphore, #tpu.memory_space<semaphore_mem>>)
    %dma_start3A_66 = arith.constant 3 : i32
    %dma_start3A_67 = arith.constant 3 : i32
    %dma_start3A_68 = arith.constant 0 : i32
    %dma_start3A_69 = arith.constant 0 : i32
    %dma_start3A_70 = tpu.memref_slice %arg6[%dma_start3A_67, %dma_start3A_68, %dma_start3A_69] : memref<4x128x128xf32, #tpu.memory_space<vmem>> -> memref<1x128x128xf32, #tpu.memory_space<vmem>>
    %dma_start3A_71 = tpu.memref_squeeze %dma_start3A_70 : memref<1x128x128xf32, #tpu.memory_space<vmem>> -> memref<128x128xf32, #tpu.memory_space<vmem>>
    %dma_start3A_72 = arith.constant 0 : i32
    %dma_start3A_73 = tpu.memref_slice %arg5[%dma_start3A_66, %dma_start3A_72] : memref<200x128xi32, #tpu.memory_space<vmem>> -> memref<1x128xi32, #tpu.memory_space<vmem>>
    %dma_start3A_74 = tpu.memref_squeeze %dma_start3A_73 : memref<1x128xi32, #tpu.memory_space<vmem>> -> memref<128xi32, #tpu.memory_space<vmem>>
    %dma_start3A_75 = arith.constant 0 : i32
    %dma_start3A_76 = arith.constant 0 : i32
    %dma_start3A_77 = tpu.memref_slice %arg2[%dma_start3A_75, %dma_start3A_76] : memref<1000000x128xf32, #tpu.memory_space<hbm>> -> memref<1000000x128xf32, #tpu.memory_space<hbm>>
    tpu.enqueue_indirect_dma source(%dma_start3A_77 : memref<1000000x128xf32, #tpu.memory_space<hbm>>) target(%dma_start3A_71 : memref<128x128xf32, #tpu.memory_space<vmem>>) offsets(%dma_start3A_74 : memref<128xi32, #tpu.memory_space<vmem>>) semaphore(%arg11 : memref<!tpu.dma_semaphore, #tpu.memory_space<semaphore_mem>>)
    %dma_wait3A_78 = arith.constant 1 : i32
    %dma_wait3A_79 = arith.constant 1 : i32
    %dma_wait3A_80 = arith.constant 0 : i32
    %dma_wait3A_81 = arith.constant 0 : i32
    %dma_wait3A_82 = tpu.memref_slice %arg6[%dma_wait3A_79, %dma_wait3A_80, %dma_wait3A_81] : memref<4x128x128xf32, #tpu.memory_space<vmem>> -> memref<1x128x128xf32, #tpu.memory_space<vmem>>
    %dma_wait3A_83 = tpu.memref_squeeze %dma_wait3A_82 : memref<1x128x128xf32, #tpu.memory_space<vmem>> -> memref<128x128xf32, #tpu.memory_space<vmem>>
    %dma_wait3A_84 = arith.constant 0 : i32
    %dma_wait3A_85 = tpu.memref_slice %arg5[%dma_wait3A_78, %dma_wait3A_84] : memref<200x128xi32, #tpu.memory_space<vmem>> -> memref<1x128xi32, #tpu.memory_space<vmem>>
    %dma_wait3A_86 = tpu.memref_squeeze %dma_wait3A_85 : memref<1x128xi32, #tpu.memory_space<vmem>> -> memref<128xi32, #tpu.memory_space<vmem>>
    %dma_wait3A_87 = arith.constant 0 : i32
    %dma_wait3A_88 = arith.constant 0 : i32
    %dma_wait3A_89 = tpu.memref_slice %arg2[%dma_wait3A_87, %dma_wait3A_88] : memref<1000000x128xf32, #tpu.memory_space<hbm>> -> memref<1000000x128xf32, #tpu.memory_space<hbm>>
    tpu.wait_indirect_dma semaphore(%arg9 : memref<!tpu.dma_semaphore, #tpu.memory_space<semaphore_mem>>) src(%dma_wait3A_89 : memref<1000000x128xf32, #tpu.memory_space<hbm>>) dst(%dma_wait3A_83 : memref<128x128xf32, #tpu.memory_space<vmem>>)
    %parallel_loop3A_90 = arith.constant 0 : i32
    %parallel_loop3A_91 = arith.constant 128 : i32
    %parallel_loop3A_92 = arith.constant 1 : i32
    scf.for %parallel_loop3A_225 = %parallel_loop3A_90 to %parallel_loop3A_91 step %parallel_loop3A_92  : i32 {
      %parallel_loop3A_226 = arith.constant 1 : i32
      %parallel_loop3A_227 = arith.index_cast %parallel_loop3A_226 : i32 to index
      %parallel_loop3A_228 = arith.index_cast %parallel_loop3A_225 : i32 to index
      %parallel_loop3A_229 = arith.constant 0 : index
      %parallel_loop3A_230 = tpu.vector_load %arg6[%parallel_loop3A_227, %parallel_loop3A_228, %parallel_loop3A_229] {strides = array<i32>} : memref<4x128x128xf32, #tpu.memory_space<vmem>>, vector<1x1x16xf32>,
      %parallel_loop3A_231 = vector.shape_cast %parallel_loop3A_230 : vector<1x1x16xf32> to vector<16xf32>
      %parallel_loop3A_232 = arith.constant 8.000000e+00 : f32
      %parallel_loop3A_233 = vector.broadcast %parallel_loop3A_232 : f32 to vector<16xf32>
      %parallel_loop3A_234 = arith.mulf %parallel_loop3A_231, %parallel_loop3A_233 : vector<16xf32>
      %parallel_loop3A_235 = arith.constant 1 : i32
      %parallel_loop3A_236 = arith.index_cast %parallel_loop3A_235 : i32 to index
      %parallel_loop3A_237 = arith.index_cast %parallel_loop3A_225 : i32 to index
      %parallel_loop3A_238 = arith.constant 0 : index
      %parallel_loop3A_239 = tpu.vector_load %arg7[%parallel_loop3A_236, %parallel_loop3A_237, %parallel_loop3A_238] {strides = array<i32>} : memref<2x128x64xf32, #tpu.memory_space<vmem>>, vector<1x1x16xf32>,
      %parallel_loop3A_240 = vector.shape_cast %parallel_loop3A_239 : vector<1x1x16xf32> to vector<16xf32>
      %parallel_loop3A_241 = vector.shape_cast %parallel_loop3A_234 : vector<16xf32> to vector<1x1x16xf32>
      tpu.vector_store %arg7[%parallel_loop3A_236, %parallel_loop3A_237, %parallel_loop3A_238], %parallel_loop3A_241 {strides = array<i32>} : memref<2x128x64xf32, #tpu.memory_space<vmem>>, vector<1x1x16xf32>,
      %parallel_loop3A_242 = arith.constant 1 : i32
      %parallel_loop3A_243 = arith.index_cast %parallel_loop3A_242 : i32 to index
      %parallel_loop3A_244 = arith.index_cast %parallel_loop3A_225 : i32 to index
      %parallel_loop3A_245 = arith.constant 16 : index
      %parallel_loop3A_246 = tpu.vector_load %arg6[%parallel_loop3A_243, %parallel_loop3A_244, %parallel_loop3A_245] {strides = array<i32>} : memref<4x128x128xf32, #tpu.memory_space<vmem>>, vector<1x1x16xf32>,
      %parallel_loop3A_247 = vector.shape_cast %parallel_loop3A_246 : vector<1x1x16xf32> to vector<16xf32>
      %parallel_loop3A_248 = arith.constant 8.000000e+00 : f32
      %parallel_loop3A_249 = vector.broadcast %parallel_loop3A_248 : f32 to vector<16xf32>
      %parallel_loop3A_250 = arith.mulf %parallel_loop3A_247, %parallel_loop3A_249 : vector<16xf32>
      %parallel_loop3A_251 = arith.constant 1 : i32
      %parallel_loop3A_252 = arith.index_cast %parallel_loop3A_251 : i32 to index
      %parallel_loop3A_253 = arith.index_cast %parallel_loop3A_225 : i32 to index
      %parallel_loop3A_254 = arith.constant 16 : index
      %parallel_loop3A_255 = tpu.vector_load %arg7[%parallel_loop3A_252, %parallel_loop3A_253, %parallel_loop3A_254] {strides = array<i32>} : memref<2x128x64xf32, #tpu.memory_space<vmem>>, vector<1x1x16xf32>,
      %parallel_loop3A_256 = vector.shape_cast %parallel_loop3A_255 : vector<1x1x16xf32> to vector<16xf32>
      %parallel_loop3A_257 = vector.shape_cast %parallel_loop3A_250 : vector<16xf32> to vector<1x1x16xf32>
      tpu.vector_store %arg7[%parallel_loop3A_252, %parallel_loop3A_253, %parallel_loop3A_254], %parallel_loop3A_257 {strides = array<i32>} : memref<2x128x64xf32, #tpu.memory_space<vmem>>, vector<1x1x16xf32>,
      %parallel_loop3A_258 = arith.constant 1 : i32
      %parallel_loop3A_259 = arith.index_cast %parallel_loop3A_258 : i32 to index
      %parallel_loop3A_260 = arith.index_cast %parallel_loop3A_225 : i32 to index
      %parallel_loop3A_261 = arith.constant 32 : index
      %parallel_loop3A_262 = tpu.vector_load %arg6[%parallel_loop3A_259, %parallel_loop3A_260, %parallel_loop3A_261] {strides = array<i32>} : memref<4x128x128xf32, #tpu.memory_space<vmem>>, vector<1x1x16xf32>,
      %parallel_loop3A_263 = vector.shape_cast %parallel_loop3A_262 : vector<1x1x16xf32> to vector<16xf32>
      %parallel_loop3A_264 = arith.constant 8.000000e+00 : f32
      %parallel_loop3A_265 = vector.broadcast %parallel_loop3A_264 : f32 to vector<16xf32>
      %parallel_loop3A_266 = arith.mulf %parallel_loop3A_263, %parallel_loop3A_265 : vector<16xf32>
      %parallel_loop3A_267 = arith.constant 1 : i32
      %parallel_loop3A_268 = arith.index_cast %parallel_loop3A_267 : i32 to index
      %parallel_loop3A_269 = arith.index_cast %parallel_loop3A_225 : i32 to index
      %parallel_loop3A_270 = arith.constant 32 : index
      %parallel_loop3A_271 = tpu.vector_load %arg7[%parallel_loop3A_268, %parallel_loop3A_269, %parallel_loop3A_270] {strides = array<i32>} : memref<2x128x64xf32, #tpu.memory_space<vmem>>, vector<1x1x16xf32>,
      %parallel_loop3A_272 = vector.shape_cast %parallel_loop3A_271 : vector<1x1x16xf32> to vector<16xf32>
      %parallel_loop3A_273 = vector.shape_cast %parallel_loop3A_266 : vector<16xf32> to vector<1x1x16xf32>
      tpu.vector_store %arg7[%parallel_loop3A_268, %parallel_loop3A_269, %parallel_loop3A_270], %parallel_loop3A_273 {strides = array<i32>} : memref<2x128x64xf32, #tpu.memory_space<vmem>>, vector<1x1x16xf32>,
      %parallel_loop3A_274 = arith.constant 1 : i32
      %parallel_loop3A_275 = arith.index_cast %parallel_loop3A_274 : i32 to index
      %parallel_loop3A_276 = arith.index_cast %parallel_loop3A_225 : i32 to index
      %parallel_loop3A_277 = arith.constant 48 : index
      %parallel_loop3A_278 = tpu.vector_load %arg6[%parallel_loop3A_275, %parallel_loop3A_276, %parallel_loop3A_277] {strides = array<i32>} : memref<4x128x128xf32, #tpu.memory_space<vmem>>, vector<1x1x16xf32>,
      %parallel_loop3A_279 = vector.shape_cast %parallel_loop3A_278 : vector<1x1x16xf32> to vector<16xf32>
      %parallel_loop3A_280 = arith.constant 8.000000e+00 : f32
      %parallel_loop3A_281 = vector.broadcast %parallel_loop3A_280 : f32 to vector<16xf32>
      %parallel_loop3A_282 = arith.mulf %parallel_loop3A_279, %parallel_loop3A_281 : vector<16xf32>
      %parallel_loop3A_283 = arith.constant 1 : i32
      %parallel_loop3A_284 = arith.index_cast %parallel_loop3A_283 : i32 to index
      %parallel_loop3A_285 = arith.index_cast %parallel_loop3A_225 : i32 to index
      %parallel_loop3A_286 = arith.constant 48 : index
      %parallel_loop3A_287 = tpu.vector_load %arg7[%parallel_loop3A_284, %parallel_loop3A_285, %parallel_loop3A_286] {strides = array<i32>} : memref<2x128x64xf32, #tpu.memory_space<vmem>>, vector<1x1x16xf32>,
      %parallel_loop3A_288 = vector.shape_cast %parallel_loop3A_287 : vector<1x1x16xf32> to vector<16xf32>
      %parallel_loop3A_289 = vector.shape_cast %parallel_loop3A_282 : vector<16xf32> to vector<1x1x16xf32>
      tpu.vector_store %arg7[%parallel_loop3A_284, %parallel_loop3A_285, %parallel_loop3A_286], %parallel_loop3A_289 {strides = array<i32>} : memref<2x128x64xf32, #tpu.memory_space<vmem>>, vector<1x1x16xf32>,
    } {sc.loop_unroll_factor = 8 : i64, sc.parallel_access}
    %add3A_93 = arith.constant 128 : i32
    %add3A_94 = arith.addi %mul3A_2, %add3A_93 : i32
    %dma_start3A_95 = arith.constant 1 : i32
    %dma_start3A_96 = arith.constant 0 : i32
    %dma_start3A_97 = arith.constant 0 : i32
    %dma_start3A_98 = tpu.memref_slice %arg7[%dma_start3A_95, %dma_start3A_96, %dma_start3A_97] : memref<2x128x64xf32, #tpu.memory_space<vmem>> -> memref<1x128x64xf32, #tpu.memory_space<vmem>>
    %dma_start3A_99 = tpu.memref_squeeze %dma_start3A_98 : memref<1x128x64xf32, #tpu.memory_space<vmem>> -> memref<128x64xf32, #tpu.memory_space<vmem>>
    %dma_start3A_100 = arith.constant 0 : i32
    %dma_start3A_101 = tpu.memref_slice %arg4[%add3A_94, %dma_start3A_100] : memref<819200x64xf32, #tpu.memory_space<hbm>> -> memref<128x64xf32, #tpu.memory_space<hbm>>
    %dma_start3A_102 = arith.constant 0 : i32
    %dma_start3A_103 = tpu.memref_slice %arg4[%add3A_94, %dma_start3A_102] : memref<819200x64xf32, #tpu.memory_space<hbm>> -> memref<128x64xf32, #tpu.memory_space<hbm>>
    %dma_start3A_104 = arith.constant 0 : i32
    %dma_start3A_105 = arith.constant 0 : i32
    %dma_start3A_106 = tpu.memref_slice %arg7[%dma_start3A_95, %dma_start3A_104, %dma_start3A_105] : memref<2x128x64xf32, #tpu.memory_space<vmem>> -> memref<1x128x64xf32, #tpu.memory_space<vmem>>
    %dma_start3A_107 = tpu.memref_squeeze %dma_start3A_106 : memref<1x128x64xf32, #tpu.memory_space<vmem>> -> memref<128x64xf32, #tpu.memory_space<vmem>>
    tpu.enqueue_dma source(%dma_start3A_107 : memref<128x64xf32, #tpu.memory_space<vmem>>) target(%dma_start3A_103 : memref<128x64xf32, #tpu.memory_space<hbm>>) target_semaphore(%arg13 : memref<!tpu.dma_semaphore, #tpu.memory_space<semaphore_mem>>)
    %scan3A = arith.constant 0 : i32
    %scan3A_108 = arith.constant 0 : i32
    %scan3A_109 = arith.constant 49 : i32
    %scan3A_110 = arith.addi %scan3A_108, %scan3A_109 : i32
    %scan3A_111 = arith.constant 1 : i32
    scf.for %scan3A_225 = %scan3A_108 to %scan3A_110 step %scan3A_111  : i32 {
      %mul3A_226 = arith.constant 4 : i32
      %mul3A_227 = arith.muli %scan3A_225, %mul3A_226 : i32
      %add3A_228 = arith.constant 2 : i32
      %add3A_229 = arith.addi %add3A_228, %mul3A_227 : i32
      %add3A_230 = arith.constant 0 : i32
      %add3A_231 = arith.addi %add3A_229, %add3A_230 : i32
      %add3A_232 = arith.constant 2 : i32
      %add3A_233 = arith.addi %add3A_231, %add3A_232 : i32
      %dma_start3A_234 = arith.constant 0 : i32
      %dma_start3A_235 = arith.constant 0 : i32
      %dma_start3A_236 = arith.constant 0 : i32
      %dma_start3A_237 = tpu.memref_slice %arg6[%dma_start3A_234, %dma_start3A_235, %dma_start3A_236] : memref<4x128x128xf32, #tpu.memory_space<vmem>> -> memref<1x128x128xf32, #tpu.memory_space<vmem>>
      %dma_start3A_238 = tpu.memref_squeeze %dma_start3A_237 : memref<1x128x128xf32, #tpu.memory_space<vmem>> -> memref<128x128xf32, #tpu.memory_space<vmem>>
      %dma_start3A_239 = arith.constant 0 : i32
      %dma_start3A_240 = tpu.memref_slice %arg5[%add3A_233, %dma_start3A_239] : memref<200x128xi32, #tpu.memory_space<vmem>> -> memref<1x128xi32, #tpu.memory_space<vmem>>
      %dma_start3A_241 = tpu.memref_squeeze %dma_start3A_240 : memref<1x128xi32, #tpu.memory_space<vmem>> -> memref<128xi32, #tpu.memory_space<vmem>>
      %dma_start3A_242 = arith.constant 0 : i32
      %dma_start3A_243 = arith.constant 0 : i32
      %dma_start3A_244 = tpu.memref_slice %arg2[%dma_start3A_242, %dma_start3A_243] : memref<1000000x128xf32, #tpu.memory_space<hbm>> -> memref<1000000x128xf32, #tpu.memory_space<hbm>>
      tpu.enqueue_indirect_dma source(%dma_start3A_244 : memref<1000000x128xf32, #tpu.memory_space<hbm>>) target(%dma_start3A_238 : memref<128x128xf32, #tpu.memory_space<vmem>>) offsets(%dma_start3A_241 : memref<128xi32, #tpu.memory_space<vmem>>) semaphore(%arg8 : memref<!tpu.dma_semaphore, #tpu.memory_space<semaphore_mem>>)
      %dma_wait3A_245 = arith.constant 2 : i32
      %dma_wait3A_246 = arith.constant 0 : i32
      %dma_wait3A_247 = arith.constant 0 : i32
      %dma_wait3A_248 = tpu.memref_slice %arg6[%dma_wait3A_245, %dma_wait3A_246, %dma_wait3A_247] : memref<4x128x128xf32, #tpu.memory_space<vmem>> -> memref<1x128x128xf32, #tpu.memory_space<vmem>>
      %dma_wait3A_249 = tpu.memref_squeeze %dma_wait3A_248 : memref<1x128x128xf32, #tpu.memory_space<vmem>> -> memref<128x128xf32, #tpu.memory_space<vmem>>
      %dma_wait3A_250 = arith.constant 0 : i32
      %dma_wait3A_251 = tpu.memref_slice %arg5[%add3A_231, %dma_wait3A_250] : memref<200x128xi32, #tpu.memory_space<vmem>> -> memref<1x128xi32, #tpu.memory_space<vmem>>
      %dma_wait3A_252 = tpu.memref_squeeze %dma_wait3A_251 : memref<1x128xi32, #tpu.memory_space<vmem>> -> memref<128xi32, #tpu.memory_space<vmem>>
      %dma_wait3A_253 = arith.constant 0 : i32
      %dma_wait3A_254 = arith.constant 0 : i32
      %dma_wait3A_255 = tpu.memref_slice %arg2[%dma_wait3A_253, %dma_wait3A_254] : memref<1000000x128xf32, #tpu.memory_space<hbm>> -> memref<1000000x128xf32, #tpu.memory_space<hbm>>
      tpu.wait_indirect_dma semaphore(%arg10 : memref<!tpu.dma_semaphore, #tpu.memory_space<semaphore_mem>>) src(%dma_wait3A_255 : memref<1000000x128xf32, #tpu.memory_space<hbm>>) dst(%dma_wait3A_249 : memref<128x128xf32, #tpu.memory_space<vmem>>)
      %dma_wait3A_256 = arith.constant 0 : i32
      %dma_wait3A_257 = arith.constant 0 : i32
      %dma_wait3A_258 = arith.constant 0 : i32
      %dma_wait3A_259 = tpu.memref_slice %arg7[%dma_wait3A_256, %dma_wait3A_257, %dma_wait3A_258] : memref<2x128x64xf32, #tpu.memory_space<vmem>> -> memref<1x128x64xf32, #tpu.memory_space<vmem>>
      %dma_wait3A_260 = tpu.memref_squeeze %dma_wait3A_259 : memref<1x128x64xf32, #tpu.memory_space<vmem>> -> memref<128x64xf32, #tpu.memory_space<vmem>>
      %dma_wait3A_261 = arith.constant 0 : i32
      %dma_wait3A_262 = tpu.memref_slice %arg4[%mul3A_2, %dma_wait3A_261] : memref<819200x64xf32, #tpu.memory_space<hbm>> -> memref<128x64xf32, #tpu.memory_space<hbm>>
      %dma_wait3A_263 = arith.constant 0 : i32
      %dma_wait3A_264 = tpu.memref_slice %arg4[%mul3A_2, %dma_wait3A_263] : memref<819200x64xf32, #tpu.memory_space<hbm>> -> memref<128x64xf32, #tpu.memory_space<hbm>>
      %dma_wait3A_265 = arith.constant 0 : i32
      %dma_wait3A_266 = arith.constant 0 : i32
      %dma_wait3A_267 = tpu.memref_slice %arg7[%dma_wait3A_256, %dma_wait3A_265, %dma_wait3A_266] : memref<2x128x64xf32, #tpu.memory_space<vmem>> -> memref<1x128x64xf32, #tpu.memory_space<vmem>>
      %dma_wait3A_268 = tpu.memref_squeeze %dma_wait3A_267 : memref<1x128x64xf32, #tpu.memory_space<vmem>> -> memref<128x64xf32, #tpu.memory_space<vmem>>
      tpu.wait_dma2 semaphore(%arg12 : memref<!tpu.dma_semaphore, #tpu.memory_space<semaphore_mem>>) src(%dma_wait3A_268 : memref<128x64xf32, #tpu.memory_space<vmem>>) dst(%dma_wait3A_264 : memref<128x64xf32, #tpu.memory_space<hbm>>)
      %parallel_loop3A_269 = arith.constant 0 : i32
      %parallel_loop3A_270 = arith.constant 128 : i32
      %parallel_loop3A_271 = arith.constant 1 : i32
      scf.for %parallel_loop3A_462 = %parallel_loop3A_269 to %parallel_loop3A_270 step %parallel_loop3A_271  : i32 {
        %parallel_loop3A_463 = arith.constant 2 : i32
        %parallel_loop3A_464 = arith.index_cast %parallel_loop3A_463 : i32 to index
        %parallel_loop3A_465 = arith.index_cast %parallel_loop3A_462 : i32 to index
        %parallel_loop3A_466 = arith.constant 0 : index
        %parallel_loop3A_467 = tpu.vector_load %arg6[%parallel_loop3A_464, %parallel_loop3A_465, %parallel_loop3A_466] {strides = array<i32>} : memref<4x128x128xf32, #tpu.memory_space<vmem>>, vector<1x1x16xf32>,
        %parallel_loop3A_468 = vector.shape_cast %parallel_loop3A_467 : vector<1x1x16xf32> to vector<16xf32>
        %parallel_loop3A_469 = arith.constant 8.000000e+00 : f32
        %parallel_loop3A_470 = vector.broadcast %parallel_loop3A_469 : f32 to vector<16xf32>
        %parallel_loop3A_471 = arith.mulf %parallel_loop3A_468, %parallel_loop3A_470 : vector<16xf32>
        %parallel_loop3A_472 = arith.constant 0 : i32
        %parallel_loop3A_473 = arith.index_cast %parallel_loop3A_472 : i32 to index
        %parallel_loop3A_474 = arith.index_cast %parallel_loop3A_462 : i32 to index
        %parallel_loop3A_475 = arith.constant 0 : index
        %parallel_loop3A_476 = tpu.vector_load %arg7[%parallel_loop3A_473, %parallel_loop3A_474, %parallel_loop3A_475] {strides = array<i32>} : memref<2x128x64xf32, #tpu.memory_space<vmem>>, vector<1x1x16xf32>,
        %parallel_loop3A_477 = vector.shape_cast %parallel_loop3A_476 : vector<1x1x16xf32> to vector<16xf32>
        %parallel_loop3A_478 = vector.shape_cast %parallel_loop3A_471 : vector<16xf32> to vector<1x1x16xf32>
        tpu.vector_store %arg7[%parallel_loop3A_473, %parallel_loop3A_474, %parallel_loop3A_475], %parallel_loop3A_478 {strides = array<i32>} : memref<2x128x64xf32, #tpu.memory_space<vmem>>, vector<1x1x16xf32>,
        %parallel_loop3A_479 = arith.constant 2 : i32
        %parallel_loop3A_480 = arith.index_cast %parallel_loop3A_479 : i32 to index
        %parallel_loop3A_481 = arith.index_cast %parallel_loop3A_462 : i32 to index
        %parallel_loop3A_482 = arith.constant 16 : index
        %parallel_loop3A_483 = tpu.vector_load %arg6[%parallel_loop3A_480, %parallel_loop3A_481, %parallel_loop3A_482] {strides = array<i32>} : memref<4x128x128xf32, #tpu.memory_space<vmem>>, vector<1x1x16xf32>,
        %parallel_loop3A_484 = vector.shape_cast %parallel_loop3A_483 : vector<1x1x16xf32> to vector<16xf32>
        %parallel_loop3A_485 = arith.constant 8.000000e+00 : f32
        %parallel_loop3A_486 = vector.broadcast %parallel_loop3A_485 : f32 to vector<16xf32>
        %parallel_loop3A_487 = arith.mulf %parallel_loop3A_484, %parallel_loop3A_486 : vector<16xf32>
        %parallel_loop3A_488 = arith.constant 0 : i32
        %parallel_loop3A_489 = arith.index_cast %parallel_loop3A_488 : i32 to index
        %parallel_loop3A_490 = arith.index_cast %parallel_loop3A_462 : i32 to index
        %parallel_loop3A_491 = arith.constant 16 : index
        %parallel_loop3A_492 = tpu.vector_load %arg7[%parallel_loop3A_489, %parallel_loop3A_490, %parallel_loop3A_491] {strides = array<i32>} : memref<2x128x64xf32, #tpu.memory_space<vmem>>, vector<1x1x16xf32>,
        %parallel_loop3A_493 = vector.shape_cast %parallel_loop3A_492 : vector<1x1x16xf32> to vector<16xf32>
        %parallel_loop3A_494 = vector.shape_cast %parallel_loop3A_487 : vector<16xf32> to vector<1x1x16xf32>
        tpu.vector_store %arg7[%parallel_loop3A_489, %parallel_loop3A_490, %parallel_loop3A_491], %parallel_loop3A_494 {strides = array<i32>} : memref<2x128x64xf32, #tpu.memory_space<vmem>>, vector<1x1x16xf32>,
        %parallel_loop3A_495 = arith.constant 2 : i32
        %parallel_loop3A_496 = arith.index_cast %parallel_loop3A_495 : i32 to index
        %parallel_loop3A_497 = arith.index_cast %parallel_loop3A_462 : i32 to index
        %parallel_loop3A_498 = arith.constant 32 : index
        %parallel_loop3A_499 = tpu.vector_load %arg6[%parallel_loop3A_496, %parallel_loop3A_497, %parallel_loop3A_498] {strides = array<i32>} : memref<4x128x128xf32, #tpu.memory_space<vmem>>, vector<1x1x16xf32>,
        %parallel_loop3A_500 = vector.shape_cast %parallel_loop3A_499 : vector<1x1x16xf32> to vector<16xf32>
        %parallel_loop3A_501 = arith.constant 8.000000e+00 : f32
        %parallel_loop3A_502 = vector.broadcast %parallel_loop3A_501 : f32 to vector<16xf32>
        %parallel_loop3A_503 = arith.mulf %parallel_loop3A_500, %parallel_loop3A_502 : vector<16xf32>
        %parallel_loop3A_504 = arith.constant 0 : i32
        %parallel_loop3A_505 = arith.index_cast %parallel_loop3A_504 : i32 to index
        %parallel_loop3A_506 = arith.index_cast %parallel_loop3A_462 : i32 to index
        %parallel_loop3A_507 = arith.constant 32 : index
        %parallel_loop3A_508 = tpu.vector_load %arg7[%parallel_loop3A_505, %parallel_loop3A_506, %parallel_loop3A_507] {strides = array<i32>} : memref<2x128x64xf32, #tpu.memory_space<vmem>>, vector<1x1x16xf32>,
        %parallel_loop3A_509 = vector.shape_cast %parallel_loop3A_508 : vector<1x1x16xf32> to vector<16xf32>
        %parallel_loop3A_510 = vector.shape_cast %parallel_loop3A_503 : vector<16xf32> to vector<1x1x16xf32>
        tpu.vector_store %arg7[%parallel_loop3A_505, %parallel_loop3A_506, %parallel_loop3A_507], %parallel_loop3A_510 {strides = array<i32>} : memref<2x128x64xf32, #tpu.memory_space<vmem>>, vector<1x1x16xf32>,
        %parallel_loop3A_511 = arith.constant 2 : i32
        %parallel_loop3A_512 = arith.index_cast %parallel_loop3A_511 : i32 to index
        %parallel_loop3A_513 = arith.index_cast %parallel_loop3A_462 : i32 to index
        %parallel_loop3A_514 = arith.constant 48 : index
        %parallel_loop3A_515 = tpu.vector_load %arg6[%parallel_loop3A_512, %parallel_loop3A_513, %parallel_loop3A_514] {strides = array<i32>} : memref<4x128x128xf32, #tpu.memory_space<vmem>>, vector<1x1x16xf32>,
        %parallel_loop3A_516 = vector.shape_cast %parallel_loop3A_515 : vector<1x1x16xf32> to vector<16xf32>
        %parallel_loop3A_517 = arith.constant 8.000000e+00 : f32
        %parallel_loop3A_518 = vector.broadcast %parallel_loop3A_517 : f32 to vector<16xf32>
        %parallel_loop3A_519 = arith.mulf %parallel_loop3A_516, %parallel_loop3A_518 : vector<16xf32>
        %parallel_loop3A_520 = arith.constant 0 : i32
        %parallel_loop3A_521 = arith.index_cast %parallel_loop3A_520 : i32 to index
        %parallel_loop3A_522 = arith.index_cast %parallel_loop3A_462 : i32 to index
        %parallel_loop3A_523 = arith.constant 48 : index
        %parallel_loop3A_524 = tpu.vector_load %arg7[%parallel_loop3A_521, %parallel_loop3A_522, %parallel_loop3A_523] {strides = array<i32>} : memref<2x128x64xf32, #tpu.memory_space<vmem>>, vector<1x1x16xf32>,
        %parallel_loop3A_525 = vector.shape_cast %parallel_loop3A_524 : vector<1x1x16xf32> to vector<16xf32>
        %parallel_loop3A_526 = vector.shape_cast %parallel_loop3A_519 : vector<16xf32> to vector<1x1x16xf32>
        tpu.vector_store %arg7[%parallel_loop3A_521, %parallel_loop3A_522, %parallel_loop3A_523], %parallel_loop3A_526 {strides = array<i32>} : memref<2x128x64xf32, #tpu.memory_space<vmem>>, vector<1x1x16xf32>,
      } {sc.loop_unroll_factor = 8 : i64, sc.parallel_access}
      %mul3A_272 = arith.constant 128 : i32
      %mul3A_273 = arith.muli %add3A_231, %mul3A_272 : i32
      %add3A_274 = arith.addi %mul3A_2, %mul3A_273 : i32
      %dma_start3A_275 = arith.constant 0 : i32
      %dma_start3A_276 = arith.constant 0 : i32
      %dma_start3A_277 = arith.constant 0 : i32
      %dma_start3A_278 = tpu.memref_slice %arg7[%dma_start3A_275, %dma_start3A_276, %dma_start3A_277] : memref<2x128x64xf32, #tpu.memory_space<vmem>> -> memref<1x128x64xf32, #tpu.memory_space<vmem>>
      %dma_start3A_279 = tpu.memref_squeeze %dma_start3A_278 : memref<1x128x64xf32, #tpu.memory_space<vmem>> -> memref<128x64xf32, #tpu.memory_space<vmem>>
      %dma_start3A_280 = arith.constant 0 : i32
      %dma_start3A_281 = tpu.memref_slice %arg4[%add3A_274, %dma_start3A_280] : memref<819200x64xf32, #tpu.memory_space<hbm>> -> memref<128x64xf32, #tpu.memory_space<hbm>>
      %dma_start3A_282 = arith.constant 0 : i32
      %dma_start3A_283 = tpu.memref_slice %arg4[%add3A_274, %dma_start3A_282] : memref<819200x64xf32, #tpu.memory_space<hbm>> -> memref<128x64xf32, #tpu.memory_space<hbm>>
      %dma_start3A_284 = arith.constant 0 : i32
      %dma_start3A_285 = arith.constant 0 : i32
      %dma_start3A_286 = tpu.memref_slice %arg7[%dma_start3A_275, %dma_start3A_284, %dma_start3A_285] : memref<2x128x64xf32, #tpu.memory_space<vmem>> -> memref<1x128x64xf32, #tpu.memory_space<vmem>>
      %dma_start3A_287 = tpu.memref_squeeze %dma_start3A_286 : memref<1x128x64xf32, #tpu.memory_space<vmem>> -> memref<128x64xf32, #tpu.memory_space<vmem>>
      tpu.enqueue_dma source(%dma_start3A_287 : memref<128x64xf32, #tpu.memory_space<vmem>>) target(%dma_start3A_283 : memref<128x64xf32, #tpu.memory_space<hbm>>) target_semaphore(%arg12 : memref<!tpu.dma_semaphore, #tpu.memory_space<semaphore_mem>>)
      %add3A_288 = arith.constant 1 : i32
      %add3A_289 = arith.addi %add3A_229, %add3A_288 : i32
      %add3A_290 = arith.constant 2 : i32
      %add3A_291 = arith.addi %add3A_289, %add3A_290 : i32
      %dma_start3A_292 = arith.constant 1 : i32
      %dma_start3A_293 = arith.constant 0 : i32
      %dma_start3A_294 = arith.constant 0 : i32
      %dma_start3A_295 = tpu.memref_slice %arg6[%dma_start3A_292, %dma_start3A_293, %dma_start3A_294] : memref<4x128x128xf32, #tpu.memory_space<vmem>> -> memref<1x128x128xf32, #tpu.memory_space<vmem>>
      %dma_start3A_296 = tpu.memref_squeeze %dma_start3A_295 : memref<1x128x128xf32, #tpu.memory_space<vmem>> -> memref<128x128xf32, #tpu.memory_space<vmem>>
      %dma_start3A_297 = arith.constant 0 : i32
      %dma_start3A_298 = tpu.memref_slice %arg5[%add3A_291, %dma_start3A_297] : memref<200x128xi32, #tpu.memory_space<vmem>> -> memref<1x128xi32, #tpu.memory_space<vmem>>
      %dma_start3A_299 = tpu.memref_squeeze %dma_start3A_298 : memref<1x128xi32, #tpu.memory_space<vmem>> -> memref<128xi32, #tpu.memory_space<vmem>>
      %dma_start3A_300 = arith.constant 0 : i32
      %dma_start3A_301 = arith.constant 0 : i32
      %dma_start3A_302 = tpu.memref_slice %arg2[%dma_start3A_300, %dma_start3A_301] : memref<1000000x128xf32, #tpu.memory_space<hbm>> -> memref<1000000x128xf32, #tpu.memory_space<hbm>>
      tpu.enqueue_indirect_dma source(%dma_start3A_302 : memref<1000000x128xf32, #tpu.memory_space<hbm>>) target(%dma_start3A_296 : memref<128x128xf32, #tpu.memory_space<vmem>>) offsets(%dma_start3A_299 : memref<128xi32, #tpu.memory_space<vmem>>) semaphore(%arg9 : memref<!tpu.dma_semaphore, #tpu.memory_space<semaphore_mem>>)
      %dma_wait3A_303 = arith.constant 3 : i32
      %dma_wait3A_304 = arith.constant 0 : i32
      %dma_wait3A_305 = arith.constant 0 : i32
      %dma_wait3A_306 = tpu.memref_slice %arg6[%dma_wait3A_303, %dma_wait3A_304, %dma_wait3A_305] : memref<4x128x128xf32, #tpu.memory_space<vmem>> -> memref<1x128x128xf32, #tpu.memory_space<vmem>>
      %dma_wait3A_307 = tpu.memref_squeeze %dma_wait3A_306 : memref<1x128x128xf32, #tpu.memory_space<vmem>> -> memref<128x128xf32, #tpu.memory_space<vmem>>
      %dma_wait3A_308 = arith.constant 0 : i32
      %dma_wait3A_309 = tpu.memref_slice %arg5[%add3A_289, %dma_wait3A_308] : memref<200x128xi32, #tpu.memory_space<vmem>> -> memref<1x128xi32, #tpu.memory_space<vmem>>
      %dma_wait3A_310 = tpu.memref_squeeze %dma_wait3A_309 : memref<1x128xi32, #tpu.memory_space<vmem>> -> memref<128xi32, #tpu.memory_space<vmem>>
      %dma_wait3A_311 = arith.constant 0 : i32
      %dma_wait3A_312 = arith.constant 0 : i32
      %dma_wait3A_313 = tpu.memref_slice %arg2[%dma_wait3A_311, %dma_wait3A_312] : memref<1000000x128xf32, #tpu.memory_space<hbm>> -> memref<1000000x128xf32, #tpu.memory_space<hbm>>
      tpu.wait_indirect_dma semaphore(%arg11 : memref<!tpu.dma_semaphore, #tpu.memory_space<semaphore_mem>>) src(%dma_wait3A_313 : memref<1000000x128xf32, #tpu.memory_space<hbm>>) dst(%dma_wait3A_307 : memref<128x128xf32, #tpu.memory_space<vmem>>)
      %dma_wait3A_314 = arith.constant 1 : i32
      %dma_wait3A_315 = arith.constant 0 : i32
      %dma_wait3A_316 = arith.constant 0 : i32
      %dma_wait3A_317 = tpu.memref_slice %arg7[%dma_wait3A_314, %dma_wait3A_315, %dma_wait3A_316] : memref<2x128x64xf32, #tpu.memory_space<vmem>> -> memref<1x128x64xf32, #tpu.memory_space<vmem>>
      %dma_wait3A_318 = tpu.memref_squeeze %dma_wait3A_317 : memref<1x128x64xf32, #tpu.memory_space<vmem>> -> memref<128x64xf32, #tpu.memory_space<vmem>>
      %dma_wait3A_319 = arith.constant 0 : i32
      %dma_wait3A_320 = tpu.memref_slice %arg4[%mul3A_2, %dma_wait3A_319] : memref<819200x64xf32, #tpu.memory_space<hbm>> -> memref<128x64xf32, #tpu.memory_space<hbm>>
      %dma_wait3A_321 = arith.constant 0 : i32
      %dma_wait3A_322 = tpu.memref_slice %arg4[%mul3A_2, %dma_wait3A_321] : memref<819200x64xf32, #tpu.memory_space<hbm>> -> memref<128x64xf32, #tpu.memory_space<hbm>>
      %dma_wait3A_323 = arith.constant 0 : i32
      %dma_wait3A_324 = arith.constant 0 : i32
      %dma_wait3A_325 = tpu.memref_slice %arg7[%dma_wait3A_314, %dma_wait3A_323, %dma_wait3A_324] : memref<2x128x64xf32, #tpu.memory_space<vmem>> -> memref<1x128x64xf32, #tpu.memory_space<vmem>>
      %dma_wait3A_326 = tpu.memref_squeeze %dma_wait3A_325 : memref<1x128x64xf32, #tpu.memory_space<vmem>> -> memref<128x64xf32, #tpu.memory_space<vmem>>
      tpu.wait_dma2 semaphore(%arg13 : memref<!tpu.dma_semaphore, #tpu.memory_space<semaphore_mem>>) src(%dma_wait3A_326 : memref<128x64xf32, #tpu.memory_space<vmem>>) dst(%dma_wait3A_322 : memref<128x64xf32, #tpu.memory_space<hbm>>)
      %parallel_loop3A_327 = arith.constant 0 : i32
      %parallel_loop3A_328 = arith.constant 128 : i32
      %parallel_loop3A_329 = arith.constant 1 : i32
      scf.for %parallel_loop3A_462 = %parallel_loop3A_327 to %parallel_loop3A_328 step %parallel_loop3A_329  : i32 {
        %parallel_loop3A_463 = arith.constant 3 : i32
        %parallel_loop3A_464 = arith.index_cast %parallel_loop3A_463 : i32 to index
        %parallel_loop3A_465 = arith.index_cast %parallel_loop3A_462 : i32 to index
        %parallel_loop3A_466 = arith.constant 0 : index
        %parallel_loop3A_467 = tpu.vector_load %arg6[%parallel_loop3A_464, %parallel_loop3A_465, %parallel_loop3A_466] {strides = array<i32>} : memref<4x128x128xf32, #tpu.memory_space<vmem>>, vector<1x1x16xf32>,
        %parallel_loop3A_468 = vector.shape_cast %parallel_loop3A_467 : vector<1x1x16xf32> to vector<16xf32>
        %parallel_loop3A_469 = arith.constant 8.000000e+00 : f32
        %parallel_loop3A_470 = vector.broadcast %parallel_loop3A_469 : f32 to vector<16xf32>
        %parallel_loop3A_471 = arith.mulf %parallel_loop3A_468, %parallel_loop3A_470 : vector<16xf32>
        %parallel_loop3A_472 = arith.constant 1 : i32
        %parallel_loop3A_473 = arith.index_cast %parallel_loop3A_472 : i32 to index
        %parallel_loop3A_474 = arith.index_cast %parallel_loop3A_462 : i32 to index
        %parallel_loop3A_475 = arith.constant 0 : index
        %parallel_loop3A_476 = tpu.vector_load %arg7[%parallel_loop3A_473, %parallel_loop3A_474, %parallel_loop3A_475] {strides = array<i32>} : memref<2x128x64xf32, #tpu.memory_space<vmem>>, vector<1x1x16xf32>,
        %parallel_loop3A_477 = vector.shape_cast %parallel_loop3A_476 : vector<1x1x16xf32> to vector<16xf32>
        %parallel_loop3A_478 = vector.shape_cast %parallel_loop3A_471 : vector<16xf32> to vector<1x1x16xf32>
        tpu.vector_store %arg7[%parallel_loop3A_473, %parallel_loop3A_474, %parallel_loop3A_475], %parallel_loop3A_478 {strides = array<i32>} : memref<2x128x64xf32, #tpu.memory_space<vmem>>, vector<1x1x16xf32>,
        %parallel_loop3A_479 = arith.constant 3 : i32
        %parallel_loop3A_480 = arith.index_cast %parallel_loop3A_479 : i32 to index
        %parallel_loop3A_481 = arith.index_cast %parallel_loop3A_462 : i32 to index
        %parallel_loop3A_482 = arith.constant 16 : index
        %parallel_loop3A_483 = tpu.vector_load %arg6[%parallel_loop3A_480, %parallel_loop3A_481, %parallel_loop3A_482] {strides = array<i32>} : memref<4x128x128xf32, #tpu.memory_space<vmem>>, vector<1x1x16xf32>,
        %parallel_loop3A_484 = vector.shape_cast %parallel_loop3A_483 : vector<1x1x16xf32> to vector<16xf32>
        %parallel_loop3A_485 = arith.constant 8.000000e+00 : f32
        %parallel_loop3A_486 = vector.broadcast %parallel_loop3A_485 : f32 to vector<16xf32>
        %parallel_loop3A_487 = arith.mulf %parallel_loop3A_484, %parallel_loop3A_486 : vector<16xf32>
        %parallel_loop3A_488 = arith.constant 1 : i32
        %parallel_loop3A_489 = arith.index_cast %parallel_loop3A_488 : i32 to index
        %parallel_loop3A_490 = arith.index_cast %parallel_loop3A_462 : i32 to index
        %parallel_loop3A_491 = arith.constant 16 : index
        %parallel_loop3A_492 = tpu.vector_load %arg7[%parallel_loop3A_489, %parallel_loop3A_490, %parallel_loop3A_491] {strides = array<i32>} : memref<2x128x64xf32, #tpu.memory_space<vmem>>, vector<1x1x16xf32>,
        %parallel_loop3A_493 = vector.shape_cast %parallel_loop3A_492 : vector<1x1x16xf32> to vector<16xf32>
        %parallel_loop3A_494 = vector.shape_cast %parallel_loop3A_487 : vector<16xf32> to vector<1x1x16xf32>
        tpu.vector_store %arg7[%parallel_loop3A_489, %parallel_loop3A_490, %parallel_loop3A_491], %parallel_loop3A_494 {strides = array<i32>} : memref<2x128x64xf32, #tpu.memory_space<vmem>>, vector<1x1x16xf32>,
        %parallel_loop3A_495 = arith.constant 3 : i32
        %parallel_loop3A_496 = arith.index_cast %parallel_loop3A_495 : i32 to index
        %parallel_loop3A_497 = arith.index_cast %parallel_loop3A_462 : i32 to index
        %parallel_loop3A_498 = arith.constant 32 : index
        %parallel_loop3A_499 = tpu.vector_load %arg6[%parallel_loop3A_496, %parallel_loop3A_497, %parallel_loop3A_498] {strides = array<i32>} : memref<4x128x128xf32, #tpu.memory_space<vmem>>, vector<1x1x16xf32>,
        %parallel_loop3A_500 = vector.shape_cast %parallel_loop3A_499 : vector<1x1x16xf32> to vector<16xf32>
        %parallel_loop3A_501 = arith.constant 8.000000e+00 : f32
        %parallel_loop3A_502 = vector.broadcast %parallel_loop3A_501 : f32 to vector<16xf32>
        %parallel_loop3A_503 = arith.mulf %parallel_loop3A_500, %parallel_loop3A_502 : vector<16xf32>
        %parallel_loop3A_504 = arith.constant 1 : i32
        %parallel_loop3A_505 = arith.index_cast %parallel_loop3A_504 : i32 to index
        %parallel_loop3A_506 = arith.index_cast %parallel_loop3A_462 : i32 to index
        %parallel_loop3A_507 = arith.constant 32 : index
        %parallel_loop3A_508 = tpu.vector_load %arg7[%parallel_loop3A_505, %parallel_loop3A_506, %parallel_loop3A_507] {strides = array<i32>} : memref<2x128x64xf32, #tpu.memory_space<vmem>>, vector<1x1x16xf32>,
        %parallel_loop3A_509 = vector.shape_cast %parallel_loop3A_508 : vector<1x1x16xf32> to vector<16xf32>
        %parallel_loop3A_510 = vector.shape_cast %parallel_loop3A_503 : vector<16xf32> to vector<1x1x16xf32>
        tpu.vector_store %arg7[%parallel_loop3A_505, %parallel_loop3A_506, %parallel_loop3A_507], %parallel_loop3A_510 {strides = array<i32>} : memref<2x128x64xf32, #tpu.memory_space<vmem>>, vector<1x1x16xf32>,
        %parallel_loop3A_511 = arith.constant 3 : i32
        %parallel_loop3A_512 = arith.index_cast %parallel_loop3A_511 : i32 to index
        %parallel_loop3A_513 = arith.index_cast %parallel_loop3A_462 : i32 to index
        %parallel_loop3A_514 = arith.constant 48 : index
        %parallel_loop3A_515 = tpu.vector_load %arg6[%parallel_loop3A_512, %parallel_loop3A_513, %parallel_loop3A_514] {strides = array<i32>} : memref<4x128x128xf32, #tpu.memory_space<vmem>>, vector<1x1x16xf32>,
        %parallel_loop3A_516 = vector.shape_cast %parallel_loop3A_515 : vector<1x1x16xf32> to vector<16xf32>
        %parallel_loop3A_517 = arith.constant 8.000000e+00 : f32
        %parallel_loop3A_518 = vector.broadcast %parallel_loop3A_517 : f32 to vector<16xf32>
        %parallel_loop3A_519 = arith.mulf %parallel_loop3A_516, %parallel_loop3A_518 : vector<16xf32>
        %parallel_loop3A_520 = arith.constant 1 : i32
        %parallel_loop3A_521 = arith.index_cast %parallel_loop3A_520 : i32 to index
        %parallel_loop3A_522 = arith.index_cast %parallel_loop3A_462 : i32 to index
        %parallel_loop3A_523 = arith.constant 48 : index
        %parallel_loop3A_524 = tpu.vector_load %arg7[%parallel_loop3A_521, %parallel_loop3A_522, %parallel_loop3A_523] {strides = array<i32>} : memref<2x128x64xf32, #tpu.memory_space<vmem>>, vector<1x1x16xf32>,
        %parallel_loop3A_525 = vector.shape_cast %parallel_loop3A_524 : vector<1x1x16xf32> to vector<16xf32>
        %parallel_loop3A_526 = vector.shape_cast %parallel_loop3A_519 : vector<16xf32> to vector<1x1x16xf32>
        tpu.vector_store %arg7[%parallel_loop3A_521, %parallel_loop3A_522, %parallel_loop3A_523], %parallel_loop3A_526 {strides = array<i32>} : memref<2x128x64xf32, #tpu.memory_space<vmem>>, vector<1x1x16xf32>,
      } {sc.loop_unroll_factor = 8 : i64, sc.parallel_access}
      %mul3A_330 = arith.constant 128 : i32
      %mul3A_331 = arith.muli %add3A_289, %mul3A_330 : i32
      %add3A_332 = arith.addi %mul3A_2, %mul3A_331 : i32
      %dma_start3A_333 = arith.constant 1 : i32
      %dma_start3A_334 = arith.constant 0 : i32
      %dma_start3A_335 = arith.constant 0 : i32
      %dma_start3A_336 = tpu.memref_slice %arg7[%dma_start3A_333, %dma_start3A_334, %dma_start3A_335] : memref<2x128x64xf32, #tpu.memory_space<vmem>> -> memref<1x128x64xf32, #tpu.memory_space<vmem>>
      %dma_start3A_337 = tpu.memref_squeeze %dma_start3A_336 : memref<1x128x64xf32, #tpu.memory_space<vmem>> -> memref<128x64xf32, #tpu.memory_space<vmem>>
      %dma_start3A_338 = arith.constant 0 : i32
      %dma_start3A_339 = tpu.memref_slice %arg4[%add3A_332, %dma_start3A_338] : memref<819200x64xf32, #tpu.memory_space<hbm>> -> memref<128x64xf32, #tpu.memory_space<hbm>>
      %dma_start3A_340 = arith.constant 0 : i32
      %dma_start3A_341 = tpu.memref_slice %arg4[%add3A_332, %dma_start3A_340] : memref<819200x64xf32, #tpu.memory_space<hbm>> -> memref<128x64xf32, #tpu.memory_space<hbm>>
      %dma_start3A_342 = arith.constant 0 : i32
      %dma_start3A_343 = arith.constant 0 : i32
      %dma_start3A_344 = tpu.memref_slice %arg7[%dma_start3A_333, %dma_start3A_342, %dma_start3A_343] : memref<2x128x64xf32, #tpu.memory_space<vmem>> -> memref<1x128x64xf32, #tpu.memory_space<vmem>>
      %dma_start3A_345 = tpu.memref_squeeze %dma_start3A_344 : memref<1x128x64xf32, #tpu.memory_space<vmem>> -> memref<128x64xf32, #tpu.memory_space<vmem>>
      tpu.enqueue_dma source(%dma_start3A_345 : memref<128x64xf32, #tpu.memory_space<vmem>>) target(%dma_start3A_341 : memref<128x64xf32, #tpu.memory_space<hbm>>) target_semaphore(%arg13 : memref<!tpu.dma_semaphore, #tpu.memory_space<semaphore_mem>>)
      %add3A_346 = arith.constant 2 : i32
      %add3A_347 = arith.addi %add3A_229, %add3A_346 : i32
      %add3A_348 = arith.constant 2 : i32
      %add3A_349 = arith.addi %add3A_347, %add3A_348 : i32
      %dma_start3A_350 = arith.constant 2 : i32
      %dma_start3A_351 = arith.constant 0 : i32
      %dma_start3A_352 = arith.constant 0 : i32
      %dma_start3A_353 = tpu.memref_slice %arg6[%dma_start3A_350, %dma_start3A_351, %dma_start3A_352] : memref<4x128x128xf32, #tpu.memory_space<vmem>> -> memref<1x128x128xf32, #tpu.memory_space<vmem>>
      %dma_start3A_354 = tpu.memref_squeeze %dma_start3A_353 : memref<1x128x128xf32, #tpu.memory_space<vmem>> -> memref<128x128xf32, #tpu.memory_space<vmem>>
      %dma_start3A_355 = arith.constant 0 : i32
      %dma_start3A_356 = tpu.memref_slice %arg5[%add3A_349, %dma_start3A_355] : memref<200x128xi32, #tpu.memory_space<vmem>> -> memref<1x128xi32, #tpu.memory_space<vmem>>
      %dma_start3A_357 = tpu.memref_squeeze %dma_start3A_356 : memref<1x128xi32, #tpu.memory_space<vmem>> -> memref<128xi32, #tpu.memory_space<vmem>>
      %dma_start3A_358 = arith.constant 0 : i32
      %dma_start3A_359 = arith.constant 0 : i32
      %dma_start3A_360 = tpu.memref_slice %arg2[%dma_start3A_358, %dma_start3A_359] : memref<1000000x128xf32, #tpu.memory_space<hbm>> -> memref<1000000x128xf32, #tpu.memory_space<hbm>>
      tpu.enqueue_indirect_dma source(%dma_start3A_360 : memref<1000000x128xf32, #tpu.memory_space<hbm>>) target(%dma_start3A_354 : memref<128x128xf32, #tpu.memory_space<vmem>>) offsets(%dma_start3A_357 : memref<128xi32, #tpu.memory_space<vmem>>) semaphore(%arg10 : memref<!tpu.dma_semaphore, #tpu.memory_space<semaphore_mem>>)
      %dma_wait3A_361 = arith.constant 0 : i32
      %dma_wait3A_362 = arith.constant 0 : i32
      %dma_wait3A_363 = arith.constant 0 : i32
      %dma_wait3A_364 = tpu.memref_slice %arg6[%dma_wait3A_361, %dma_wait3A_362, %dma_wait3A_363] : memref<4x128x128xf32, #tpu.memory_space<vmem>> -> memref<1x128x128xf32, #tpu.memory_space<vmem>>
      %dma_wait3A_365 = tpu.memref_squeeze %dma_wait3A_364 : memref<1x128x128xf32, #tpu.memory_space<vmem>> -> memref<128x128xf32, #tpu.memory_space<vmem>>
      %dma_wait3A_366 = arith.constant 0 : i32
      %dma_wait3A_367 = tpu.memref_slice %arg5[%add3A_347, %dma_wait3A_366] : memref<200x128xi32, #tpu.memory_space<vmem>> -> memref<1x128xi32, #tpu.memory_space<vmem>>
      %dma_wait3A_368 = tpu.memref_squeeze %dma_wait3A_367 : memref<1x128xi32, #tpu.memory_space<vmem>> -> memref<128xi32, #tpu.memory_space<vmem>>
      %dma_wait3A_369 = arith.constant 0 : i32
      %dma_wait3A_370 = arith.constant 0 : i32
      %dma_wait3A_371 = tpu.memref_slice %arg2[%dma_wait3A_369, %dma_wait3A_370] : memref<1000000x128xf32, #tpu.memory_space<hbm>> -> memref<1000000x128xf32, #tpu.memory_space<hbm>>
      tpu.wait_indirect_dma semaphore(%arg8 : memref<!tpu.dma_semaphore, #tpu.memory_space<semaphore_mem>>) src(%dma_wait3A_371 : memref<1000000x128xf32, #tpu.memory_space<hbm>>) dst(%dma_wait3A_365 : memref<128x128xf32, #tpu.memory_space<vmem>>)
      %dma_wait3A_372 = arith.constant 0 : i32
      %dma_wait3A_373 = arith.constant 0 : i32
      %dma_wait3A_374 = arith.constant 0 : i32
      %dma_wait3A_375 = tpu.memref_slice %arg7[%dma_wait3A_372, %dma_wait3A_373, %dma_wait3A_374] : memref<2x128x64xf32, #tpu.memory_space<vmem>> -> memref<1x128x64xf32, #tpu.memory_space<vmem>>
      %dma_wait3A_376 = tpu.memref_squeeze %dma_wait3A_375 : memref<1x128x64xf32, #tpu.memory_space<vmem>> -> memref<128x64xf32, #tpu.memory_space<vmem>>
      %dma_wait3A_377 = arith.constant 0 : i32
      %dma_wait3A_378 = tpu.memref_slice %arg4[%mul3A_2, %dma_wait3A_377] : memref<819200x64xf32, #tpu.memory_space<hbm>> -> memref<128x64xf32, #tpu.memory_space<hbm>>
      %dma_wait3A_379 = arith.constant 0 : i32
      %dma_wait3A_380 = tpu.memref_slice %arg4[%mul3A_2, %dma_wait3A_379] : memref<819200x64xf32, #tpu.memory_space<hbm>> -> memref<128x64xf32, #tpu.memory_space<hbm>>
      %dma_wait3A_381 = arith.constant 0 : i32
      %dma_wait3A_382 = arith.constant 0 : i32
      %dma_wait3A_383 = tpu.memref_slice %arg7[%dma_wait3A_372, %dma_wait3A_381, %dma_wait3A_382] : memref<2x128x64xf32, #tpu.memory_space<vmem>> -> memref<1x128x64xf32, #tpu.memory_space<vmem>>
      %dma_wait3A_384 = tpu.memref_squeeze %dma_wait3A_383 : memref<1x128x64xf32, #tpu.memory_space<vmem>> -> memref<128x64xf32, #tpu.memory_space<vmem>>
      tpu.wait_dma2 semaphore(%arg12 : memref<!tpu.dma_semaphore, #tpu.memory_space<semaphore_mem>>) src(%dma_wait3A_384 : memref<128x64xf32, #tpu.memory_space<vmem>>) dst(%dma_wait3A_380 : memref<128x64xf32, #tpu.memory_space<hbm>>)
      %parallel_loop3A_385 = arith.constant 0 : i32
      %parallel_loop3A_386 = arith.constant 128 : i32
      %parallel_loop3A_387 = arith.constant 1 : i32
      scf.for %parallel_loop3A_462 = %parallel_loop3A_385 to %parallel_loop3A_386 step %parallel_loop3A_387  : i32 {
        %parallel_loop3A_463 = arith.constant 0 : i32
        %parallel_loop3A_464 = arith.index_cast %parallel_loop3A_463 : i32 to index
        %parallel_loop3A_465 = arith.index_cast %parallel_loop3A_462 : i32 to index
        %parallel_loop3A_466 = arith.constant 0 : index
        %parallel_loop3A_467 = tpu.vector_load %arg6[%parallel_loop3A_464, %parallel_loop3A_465, %parallel_loop3A_466] {strides = array<i32>} : memref<4x128x128xf32, #tpu.memory_space<vmem>>, vector<1x1x16xf32>,
        %parallel_loop3A_468 = vector.shape_cast %parallel_loop3A_467 : vector<1x1x16xf32> to vector<16xf32>
        %parallel_loop3A_469 = arith.constant 8.000000e+00 : f32
        %parallel_loop3A_470 = vector.broadcast %parallel_loop3A_469 : f32 to vector<16xf32>
        %parallel_loop3A_471 = arith.mulf %parallel_loop3A_468, %parallel_loop3A_470 : vector<16xf32>
        %parallel_loop3A_472 = arith.constant 0 : i32
        %parallel_loop3A_473 = arith.index_cast %parallel_loop3A_472 : i32 to index
        %parallel_loop3A_474 = arith.index_cast %parallel_loop3A_462 : i32 to index
        %parallel_loop3A_475 = arith.constant 0 : index
        %parallel_loop3A_476 = tpu.vector_load %arg7[%parallel_loop3A_473, %parallel_loop3A_474, %parallel_loop3A_475] {strides = array<i32>} : memref<2x128x64xf32, #tpu.memory_space<vmem>>, vector<1x1x16xf32>,
        %parallel_loop3A_477 = vector.shape_cast %parallel_loop3A_476 : vector<1x1x16xf32> to vector<16xf32>
        %parallel_loop3A_478 = vector.shape_cast %parallel_loop3A_471 : vector<16xf32> to vector<1x1x16xf32>
        tpu.vector_store %arg7[%parallel_loop3A_473, %parallel_loop3A_474, %parallel_loop3A_475], %parallel_loop3A_478 {strides = array<i32>} : memref<2x128x64xf32, #tpu.memory_space<vmem>>, vector<1x1x16xf32>,
        %parallel_loop3A_479 = arith.constant 0 : i32
        %parallel_loop3A_480 = arith.index_cast %parallel_loop3A_479 : i32 to index
        %parallel_loop3A_481 = arith.index_cast %parallel_loop3A_462 : i32 to index
        %parallel_loop3A_482 = arith.constant 16 : index
        %parallel_loop3A_483 = tpu.vector_load %arg6[%parallel_loop3A_480, %parallel_loop3A_481, %parallel_loop3A_482] {strides = array<i32>} : memref<4x128x128xf32, #tpu.memory_space<vmem>>, vector<1x1x16xf32>,
        %parallel_loop3A_484 = vector.shape_cast %parallel_loop3A_483 : vector<1x1x16xf32> to vector<16xf32>
        %parallel_loop3A_485 = arith.constant 8.000000e+00 : f32
        %parallel_loop3A_486 = vector.broadcast %parallel_loop3A_485 : f32 to vector<16xf32>
        %parallel_loop3A_487 = arith.mulf %parallel_loop3A_484, %parallel_loop3A_486 : vector<16xf32>
        %parallel_loop3A_488 = arith.constant 0 : i32
        %parallel_loop3A_489 = arith.index_cast %parallel_loop3A_488 : i32 to index
        %parallel_loop3A_490 = arith.index_cast %parallel_loop3A_462 : i32 to index
        %parallel_loop3A_491 = arith.constant 16 : index
        %parallel_loop3A_492 = tpu.vector_load %arg7[%parallel_loop3A_489, %parallel_loop3A_490, %parallel_loop3A_491] {strides = array<i32>} : memref<2x128x64xf32, #tpu.memory_space<vmem>>, vector<1x1x16xf32>,
        %parallel_loop3A_493 = vector.shape_cast %parallel_loop3A_492 : vector<1x1x16xf32> to vector<16xf32>
        %parallel_loop3A_494 = vector.shape_cast %parallel_loop3A_487 : vector<16xf32> to vector<1x1x16xf32>
        tpu.vector_store %arg7[%parallel_loop3A_489, %parallel_loop3A_490, %parallel_loop3A_491], %parallel_loop3A_494 {strides = array<i32>} : memref<2x128x64xf32, #tpu.memory_space<vmem>>, vector<1x1x16xf32>,
        %parallel_loop3A_495 = arith.constant 0 : i32
        %parallel_loop3A_496 = arith.index_cast %parallel_loop3A_495 : i32 to index
        %parallel_loop3A_497 = arith.index_cast %parallel_loop3A_462 : i32 to index
        %parallel_loop3A_498 = arith.constant 32 : index
        %parallel_loop3A_499 = tpu.vector_load %arg6[%parallel_loop3A_496, %parallel_loop3A_497, %parallel_loop3A_498] {strides = array<i32>} : memref<4x128x128xf32, #tpu.memory_space<vmem>>, vector<1x1x16xf32>,
        %parallel_loop3A_500 = vector.shape_cast %parallel_loop3A_499 : vector<1x1x16xf32> to vector<16xf32>
        %parallel_loop3A_501 = arith.constant 8.000000e+00 : f32
        %parallel_loop3A_502 = vector.broadcast %parallel_loop3A_501 : f32 to vector<16xf32>
        %parallel_loop3A_503 = arith.mulf %parallel_loop3A_500, %parallel_loop3A_502 : vector<16xf32>
        %parallel_loop3A_504 = arith.constant 0 : i32
        %parallel_loop3A_505 = arith.index_cast %parallel_loop3A_504 : i32 to index
        %parallel_loop3A_506 = arith.index_cast %parallel_loop3A_462 : i32 to index
        %parallel_loop3A_507 = arith.constant 32 : index
        %parallel_loop3A_508 = tpu.vector_load %arg7[%parallel_loop3A_505, %parallel_loop3A_506, %parallel_loop3A_507] {strides = array<i32>} : memref<2x128x64xf32, #tpu.memory_space<vmem>>, vector<1x1x16xf32>,
        %parallel_loop3A_509 = vector.shape_cast %parallel_loop3A_508 : vector<1x1x16xf32> to vector<16xf32>
        %parallel_loop3A_510 = vector.shape_cast %parallel_loop3A_503 : vector<16xf32> to vector<1x1x16xf32>
        tpu.vector_store %arg7[%parallel_loop3A_505, %parallel_loop3A_506, %parallel_loop3A_507], %parallel_loop3A_510 {strides = array<i32>} : memref<2x128x64xf32, #tpu.memory_space<vmem>>, vector<1x1x16xf32>,
        %parallel_loop3A_511 = arith.constant 0 : i32
        %parallel_loop3A_512 = arith.index_cast %parallel_loop3A_511 : i32 to index
        %parallel_loop3A_513 = arith.index_cast %parallel_loop3A_462 : i32 to index
        %parallel_loop3A_514 = arith.constant 48 : index
        %parallel_loop3A_515 = tpu.vector_load %arg6[%parallel_loop3A_512, %parallel_loop3A_513, %parallel_loop3A_514] {strides = array<i32>} : memref<4x128x128xf32, #tpu.memory_space<vmem>>, vector<1x1x16xf32>,
        %parallel_loop3A_516 = vector.shape_cast %parallel_loop3A_515 : vector<1x1x16xf32> to vector<16xf32>
        %parallel_loop3A_517 = arith.constant 8.000000e+00 : f32
        %parallel_loop3A_518 = vector.broadcast %parallel_loop3A_517 : f32 to vector<16xf32>
        %parallel_loop3A_519 = arith.mulf %parallel_loop3A_516, %parallel_loop3A_518 : vector<16xf32>
        %parallel_loop3A_520 = arith.constant 0 : i32
        %parallel_loop3A_521 = arith.index_cast %parallel_loop3A_520 : i32 to index
        %parallel_loop3A_522 = arith.index_cast %parallel_loop3A_462 : i32 to index
        %parallel_loop3A_523 = arith.constant 48 : index
        %parallel_loop3A_524 = tpu.vector_load %arg7[%parallel_loop3A_521, %parallel_loop3A_522, %parallel_loop3A_523] {strides = array<i32>} : memref<2x128x64xf32, #tpu.memory_space<vmem>>, vector<1x1x16xf32>,
        %parallel_loop3A_525 = vector.shape_cast %parallel_loop3A_524 : vector<1x1x16xf32> to vector<16xf32>
        %parallel_loop3A_526 = vector.shape_cast %parallel_loop3A_519 : vector<16xf32> to vector<1x1x16xf32>
        tpu.vector_store %arg7[%parallel_loop3A_521, %parallel_loop3A_522, %parallel_loop3A_523], %parallel_loop3A_526 {strides = array<i32>} : memref<2x128x64xf32, #tpu.memory_space<vmem>>, vector<1x1x16xf32>,
      } {sc.loop_unroll_factor = 8 : i64, sc.parallel_access}
      %mul3A_388 = arith.constant 128 : i32
      %mul3A_389 = arith.muli %add3A_347, %mul3A_388 : i32
      %add3A_390 = arith.addi %mul3A_2, %mul3A_389 : i32
      %dma_start3A_391 = arith.constant 0 : i32
      %dma_start3A_392 = arith.constant 0 : i32
      %dma_start3A_393 = arith.constant 0 : i32
      %dma_start3A_394 = tpu.memref_slice %arg7[%dma_start3A_391, %dma_start3A_392, %dma_start3A_393] : memref<2x128x64xf32, #tpu.memory_space<vmem>> -> memref<1x128x64xf32, #tpu.memory_space<vmem>>
      %dma_start3A_395 = tpu.memref_squeeze %dma_start3A_394 : memref<1x128x64xf32, #tpu.memory_space<vmem>> -> memref<128x64xf32, #tpu.memory_space<vmem>>
      %dma_start3A_396 = arith.constant 0 : i32
      %dma_start3A_397 = tpu.memref_slice %arg4[%add3A_390, %dma_start3A_396] : memref<819200x64xf32, #tpu.memory_space<hbm>> -> memref<128x64xf32, #tpu.memory_space<hbm>>
      %dma_start3A_398 = arith.constant 0 : i32
      %dma_start3A_399 = tpu.memref_slice %arg4[%add3A_390, %dma_start3A_398] : memref<819200x64xf32, #tpu.memory_space<hbm>> -> memref<128x64xf32, #tpu.memory_space<hbm>>
      %dma_start3A_400 = arith.constant 0 : i32
      %dma_start3A_401 = arith.constant 0 : i32
      %dma_start3A_402 = tpu.memref_slice %arg7[%dma_start3A_391, %dma_start3A_400, %dma_start3A_401] : memref<2x128x64xf32, #tpu.memory_space<vmem>> -> memref<1x128x64xf32, #tpu.memory_space<vmem>>
      %dma_start3A_403 = tpu.memref_squeeze %dma_start3A_402 : memref<1x128x64xf32, #tpu.memory_space<vmem>> -> memref<128x64xf32, #tpu.memory_space<vmem>>
      tpu.enqueue_dma source(%dma_start3A_403 : memref<128x64xf32, #tpu.memory_space<vmem>>) target(%dma_start3A_399 : memref<128x64xf32, #tpu.memory_space<hbm>>) target_semaphore(%arg12 : memref<!tpu.dma_semaphore, #tpu.memory_space<semaphore_mem>>)
      %add3A_404 = arith.constant 3 : i32
      %add3A_405 = arith.addi %add3A_229, %add3A_404 : i32
      %add3A_406 = arith.constant 2 : i32
      %add3A_407 = arith.addi %add3A_405, %add3A_406 : i32
      %dma_start3A_408 = arith.constant 3 : i32
      %dma_start3A_409 = arith.constant 0 : i32
      %dma_start3A_410 = arith.constant 0 : i32
      %dma_start3A_411 = tpu.memref_slice %arg6[%dma_start3A_408, %dma_start3A_409, %dma_start3A_410] : memref<4x128x128xf32, #tpu.memory_space<vmem>> -> memref<1x128x128xf32, #tpu.memory_space<vmem>>
      %dma_start3A_412 = tpu.memref_squeeze %dma_start3A_411 : memref<1x128x128xf32, #tpu.memory_space<vmem>> -> memref<128x128xf32, #tpu.memory_space<vmem>>
      %dma_start3A_413 = arith.constant 0 : i32
      %dma_start3A_414 = tpu.memref_slice %arg5[%add3A_407, %dma_start3A_413] : memref<200x128xi32, #tpu.memory_space<vmem>> -> memref<1x128xi32, #tpu.memory_space<vmem>>
      %dma_start3A_415 = tpu.memref_squeeze %dma_start3A_414 : memref<1x128xi32, #tpu.memory_space<vmem>> -> memref<128xi32, #tpu.memory_space<vmem>>
      %dma_start3A_416 = arith.constant 0 : i32
      %dma_start3A_417 = arith.constant 0 : i32
      %dma_start3A_418 = tpu.memref_slice %arg2[%dma_start3A_416, %dma_start3A_417] : memref<1000000x128xf32, #tpu.memory_space<hbm>> -> memref<1000000x128xf32, #tpu.memory_space<hbm>>
      tpu.enqueue_indirect_dma source(%dma_start3A_418 : memref<1000000x128xf32, #tpu.memory_space<hbm>>) target(%dma_start3A_412 : memref<128x128xf32, #tpu.memory_space<vmem>>) offsets(%dma_start3A_415 : memref<128xi32, #tpu.memory_space<vmem>>) semaphore(%arg11 : memref<!tpu.dma_semaphore, #tpu.memory_space<semaphore_mem>>)
      %dma_wait3A_419 = arith.constant 1 : i32
      %dma_wait3A_420 = arith.constant 0 : i32
      %dma_wait3A_421 = arith.constant 0 : i32
      %dma_wait3A_422 = tpu.memref_slice %arg6[%dma_wait3A_419, %dma_wait3A_420, %dma_wait3A_421] : memref<4x128x128xf32, #tpu.memory_space<vmem>> -> memref<1x128x128xf32, #tpu.memory_space<vmem>>
      %dma_wait3A_423 = tpu.memref_squeeze %dma_wait3A_422 : memref<1x128x128xf32, #tpu.memory_space<vmem>> -> memref<128x128xf32, #tpu.memory_space<vmem>>
      %dma_wait3A_424 = arith.constant 0 : i32
      %dma_wait3A_425 = tpu.memref_slice %arg5[%add3A_405, %dma_wait3A_424] : memref<200x128xi32, #tpu.memory_space<vmem>> -> memref<1x128xi32, #tpu.memory_space<vmem>>
      %dma_wait3A_426 = tpu.memref_squeeze %dma_wait3A_425 : memref<1x128xi32, #tpu.memory_space<vmem>> -> memref<128xi32, #tpu.memory_space<vmem>>
      %dma_wait3A_427 = arith.constant 0 : i32
      %dma_wait3A_428 = arith.constant 0 : i32
      %dma_wait3A_429 = tpu.memref_slice %arg2[%dma_wait3A_427, %dma_wait3A_428] : memref<1000000x128xf32, #tpu.memory_space<hbm>> -> memref<1000000x128xf32, #tpu.memory_space<hbm>>
      tpu.wait_indirect_dma semaphore(%arg9 : memref<!tpu.dma_semaphore, #tpu.memory_space<semaphore_mem>>) src(%dma_wait3A_429 : memref<1000000x128xf32, #tpu.memory_space<hbm>>) dst(%dma_wait3A_423 : memref<128x128xf32, #tpu.memory_space<vmem>>)
      %dma_wait3A_430 = arith.constant 1 : i32
      %dma_wait3A_431 = arith.constant 0 : i32
      %dma_wait3A_432 = arith.constant 0 : i32
      %dma_wait3A_433 = tpu.memref_slice %arg7[%dma_wait3A_430, %dma_wait3A_431, %dma_wait3A_432] : memref<2x128x64xf32, #tpu.memory_space<vmem>> -> memref<1x128x64xf32, #tpu.memory_space<vmem>>
      %dma_wait3A_434 = tpu.memref_squeeze %dma_wait3A_433 : memref<1x128x64xf32, #tpu.memory_space<vmem>> -> memref<128x64xf32, #tpu.memory_space<vmem>>
      %dma_wait3A_435 = arith.constant 0 : i32
      %dma_wait3A_436 = tpu.memref_slice %arg4[%mul3A_2, %dma_wait3A_435] : memref<819200x64xf32, #tpu.memory_space<hbm>> -> memref<128x64xf32, #tpu.memory_space<hbm>>
      %dma_wait3A_437 = arith.constant 0 : i32
      %dma_wait3A_438 = tpu.memref_slice %arg4[%mul3A_2, %dma_wait3A_437] : memref<819200x64xf32, #tpu.memory_space<hbm>> -> memref<128x64xf32, #tpu.memory_space<hbm>>
      %dma_wait3A_439 = arith.constant 0 : i32
      %dma_wait3A_440 = arith.constant 0 : i32
      %dma_wait3A_441 = tpu.memref_slice %arg7[%dma_wait3A_430, %dma_wait3A_439, %dma_wait3A_440] : memref<2x128x64xf32, #tpu.memory_space<vmem>> -> memref<1x128x64xf32, #tpu.memory_space<vmem>>
      %dma_wait3A_442 = tpu.memref_squeeze %dma_wait3A_441 : memref<1x128x64xf32, #tpu.memory_space<vmem>> -> memref<128x64xf32, #tpu.memory_space<vmem>>
      tpu.wait_dma2 semaphore(%arg13 : memref<!tpu.dma_semaphore, #tpu.memory_space<semaphore_mem>>) src(%dma_wait3A_442 : memref<128x64xf32, #tpu.memory_space<vmem>>) dst(%dma_wait3A_438 : memref<128x64xf32, #tpu.memory_space<hbm>>)
      %parallel_loop3A_443 = arith.constant 0 : i32
      %parallel_loop3A_444 = arith.constant 128 : i32
      %parallel_loop3A_445 = arith.constant 1 : i32
      scf.for %parallel_loop3A_462 = %parallel_loop3A_443 to %parallel_loop3A_444 step %parallel_loop3A_445  : i32 {
        %parallel_loop3A_463 = arith.constant 1 : i32
        %parallel_loop3A_464 = arith.index_cast %parallel_loop3A_463 : i32 to index
        %parallel_loop3A_465 = arith.index_cast %parallel_loop3A_462 : i32 to index
        %parallel_loop3A_466 = arith.constant 0 : index
        %parallel_loop3A_467 = tpu.vector_load %arg6[%parallel_loop3A_464, %parallel_loop3A_465, %parallel_loop3A_466] {strides = array<i32>} : memref<4x128x128xf32, #tpu.memory_space<vmem>>, vector<1x1x16xf32>,
        %parallel_loop3A_468 = vector.shape_cast %parallel_loop3A_467 : vector<1x1x16xf32> to vector<16xf32>
        %parallel_loop3A_469 = arith.constant 8.000000e+00 : f32
        %parallel_loop3A_470 = vector.broadcast %parallel_loop3A_469 : f32 to vector<16xf32>
        %parallel_loop3A_471 = arith.mulf %parallel_loop3A_468, %parallel_loop3A_470 : vector<16xf32>
        %parallel_loop3A_472 = arith.constant 1 : i32
        %parallel_loop3A_473 = arith.index_cast %parallel_loop3A_472 : i32 to index
        %parallel_loop3A_474 = arith.index_cast %parallel_loop3A_462 : i32 to index
        %parallel_loop3A_475 = arith.constant 0 : index
        %parallel_loop3A_476 = tpu.vector_load %arg7[%parallel_loop3A_473, %parallel_loop3A_474, %parallel_loop3A_475] {strides = array<i32>} : memref<2x128x64xf32, #tpu.memory_space<vmem>>, vector<1x1x16xf32>,
        %parallel_loop3A_477 = vector.shape_cast %parallel_loop3A_476 : vector<1x1x16xf32> to vector<16xf32>
        %parallel_loop3A_478 = vector.shape_cast %parallel_loop3A_471 : vector<16xf32> to vector<1x1x16xf32>
        tpu.vector_store %arg7[%parallel_loop3A_473, %parallel_loop3A_474, %parallel_loop3A_475], %parallel_loop3A_478 {strides = array<i32>} : memref<2x128x64xf32, #tpu.memory_space<vmem>>, vector<1x1x16xf32>,
        %parallel_loop3A_479 = arith.constant 1 : i32
        %parallel_loop3A_480 = arith.index_cast %parallel_loop3A_479 : i32 to index
        %parallel_loop3A_481 = arith.index_cast %parallel_loop3A_462 : i32 to index
        %parallel_loop3A_482 = arith.constant 16 : index
        %parallel_loop3A_483 = tpu.vector_load %arg6[%parallel_loop3A_480, %parallel_loop3A_481, %parallel_loop3A_482] {strides = array<i32>} : memref<4x128x128xf32, #tpu.memory_space<vmem>>, vector<1x1x16xf32>,
        %parallel_loop3A_484 = vector.shape_cast %parallel_loop3A_483 : vector<1x1x16xf32> to vector<16xf32>
        %parallel_loop3A_485 = arith.constant 8.000000e+00 : f32
        %parallel_loop3A_486 = vector.broadcast %parallel_loop3A_485 : f32 to vector<16xf32>
        %parallel_loop3A_487 = arith.mulf %parallel_loop3A_484, %parallel_loop3A_486 : vector<16xf32>
        %parallel_loop3A_488 = arith.constant 1 : i32
        %parallel_loop3A_489 = arith.index_cast %parallel_loop3A_488 : i32 to index
        %parallel_loop3A_490 = arith.index_cast %parallel_loop3A_462 : i32 to index
        %parallel_loop3A_491 = arith.constant 16 : index
        %parallel_loop3A_492 = tpu.vector_load %arg7[%parallel_loop3A_489, %parallel_loop3A_490, %parallel_loop3A_491] {strides = array<i32>} : memref<2x128x64xf32, #tpu.memory_space<vmem>>, vector<1x1x16xf32>,
        %parallel_loop3A_493 = vector.shape_cast %parallel_loop3A_492 : vector<1x1x16xf32> to vector<16xf32>
        %parallel_loop3A_494 = vector.shape_cast %parallel_loop3A_487 : vector<16xf32> to vector<1x1x16xf32>
        tpu.vector_store %arg7[%parallel_loop3A_489, %parallel_loop3A_490, %parallel_loop3A_491], %parallel_loop3A_494 {strides = array<i32>} : memref<2x128x64xf32, #tpu.memory_space<vmem>>, vector<1x1x16xf32>,
        %parallel_loop3A_495 = arith.constant 1 : i32
        %parallel_loop3A_496 = arith.index_cast %parallel_loop3A_495 : i32 to index
        %parallel_loop3A_497 = arith.index_cast %parallel_loop3A_462 : i32 to index
        %parallel_loop3A_498 = arith.constant 32 : index
        %parallel_loop3A_499 = tpu.vector_load %arg6[%parallel_loop3A_496, %parallel_loop3A_497, %parallel_loop3A_498] {strides = array<i32>} : memref<4x128x128xf32, #tpu.memory_space<vmem>>, vector<1x1x16xf32>,
        %parallel_loop3A_500 = vector.shape_cast %parallel_loop3A_499 : vector<1x1x16xf32> to vector<16xf32>
        %parallel_loop3A_501 = arith.constant 8.000000e+00 : f32
        %parallel_loop3A_502 = vector.broadcast %parallel_loop3A_501 : f32 to vector<16xf32>
        %parallel_loop3A_503 = arith.mulf %parallel_loop3A_500, %parallel_loop3A_502 : vector<16xf32>
        %parallel_loop3A_504 = arith.constant 1 : i32
        %parallel_loop3A_505 = arith.index_cast %parallel_loop3A_504 : i32 to index
        %parallel_loop3A_506 = arith.index_cast %parallel_loop3A_462 : i32 to index
        %parallel_loop3A_507 = arith.constant 32 : index
        %parallel_loop3A_508 = tpu.vector_load %arg7[%parallel_loop3A_505, %parallel_loop3A_506, %parallel_loop3A_507] {strides = array<i32>} : memref<2x128x64xf32, #tpu.memory_space<vmem>>, vector<1x1x16xf32>,
        %parallel_loop3A_509 = vector.shape_cast %parallel_loop3A_508 : vector<1x1x16xf32> to vector<16xf32>
        %parallel_loop3A_510 = vector.shape_cast %parallel_loop3A_503 : vector<16xf32> to vector<1x1x16xf32>
        tpu.vector_store %arg7[%parallel_loop3A_505, %parallel_loop3A_506, %parallel_loop3A_507], %parallel_loop3A_510 {strides = array<i32>} : memref<2x128x64xf32, #tpu.memory_space<vmem>>, vector<1x1x16xf32>,
        %parallel_loop3A_511 = arith.constant 1 : i32
        %parallel_loop3A_512 = arith.index_cast %parallel_loop3A_511 : i32 to index
        %parallel_loop3A_513 = arith.index_cast %parallel_loop3A_462 : i32 to index
        %parallel_loop3A_514 = arith.constant 48 : index
        %parallel_loop3A_515 = tpu.vector_load %arg6[%parallel_loop3A_512, %parallel_loop3A_513, %parallel_loop3A_514] {strides = array<i32>} : memref<4x128x128xf32, #tpu.memory_space<vmem>>, vector<1x1x16xf32>,
        %parallel_loop3A_516 = vector.shape_cast %parallel_loop3A_515 : vector<1x1x16xf32> to vector<16xf32>
        %parallel_loop3A_517 = arith.constant 8.000000e+00 : f32
        %parallel_loop3A_518 = vector.broadcast %parallel_loop3A_517 : f32 to vector<16xf32>
        %parallel_loop3A_519 = arith.mulf %parallel_loop3A_516, %parallel_loop3A_518 : vector<16xf32>
        %parallel_loop3A_520 = arith.constant 1 : i32
        %parallel_loop3A_521 = arith.index_cast %parallel_loop3A_520 : i32 to index
        %parallel_loop3A_522 = arith.index_cast %parallel_loop3A_462 : i32 to index
        %parallel_loop3A_523 = arith.constant 48 : index
        %parallel_loop3A_524 = tpu.vector_load %arg7[%parallel_loop3A_521, %parallel_loop3A_522, %parallel_loop3A_523] {strides = array<i32>} : memref<2x128x64xf32, #tpu.memory_space<vmem>>, vector<1x1x16xf32>,
        %parallel_loop3A_525 = vector.shape_cast %parallel_loop3A_524 : vector<1x1x16xf32> to vector<16xf32>
        %parallel_loop3A_526 = vector.shape_cast %parallel_loop3A_519 : vector<16xf32> to vector<1x1x16xf32>
        tpu.vector_store %arg7[%parallel_loop3A_521, %parallel_loop3A_522, %parallel_loop3A_523], %parallel_loop3A_526 {strides = array<i32>} : memref<2x128x64xf32, #tpu.memory_space<vmem>>, vector<1x1x16xf32>,
      } {sc.loop_unroll_factor = 8 : i64, sc.parallel_access}
      %mul3A_446 = arith.constant 128 : i32
      %mul3A_447 = arith.muli %add3A_405, %mul3A_446 : i32
      %add3A_448 = arith.addi %mul3A_2, %mul3A_447 : i32
      %dma_start3A_449 = arith.constant 1 : i32
      %dma_start3A_450 = arith.constant 0 : i32
      %dma_start3A_451 = arith.constant 0 : i32
      %dma_start3A_452 = tpu.memref_slice %arg7[%dma_start3A_449, %dma_start3A_450, %dma_start3A_451] : memref<2x128x64xf32, #tpu.memory_space<vmem>> -> memref<1x128x64xf32, #tpu.memory_space<vmem>>
      %dma_start3A_453 = tpu.memref_squeeze %dma_start3A_452 : memref<1x128x64xf32, #tpu.memory_space<vmem>> -> memref<128x64xf32, #tpu.memory_space<vmem>>
      %dma_start3A_454 = arith.constant 0 : i32
      %dma_start3A_455 = tpu.memref_slice %arg4[%add3A_448, %dma_start3A_454] : memref<819200x64xf32, #tpu.memory_space<hbm>> -> memref<128x64xf32, #tpu.memory_space<hbm>>
      %dma_start3A_456 = arith.constant 0 : i32
      %dma_start3A_457 = tpu.memref_slice %arg4[%add3A_448, %dma_start3A_456] : memref<819200x64xf32, #tpu.memory_space<hbm>> -> memref<128x64xf32, #tpu.memory_space<hbm>>
      %dma_start3A_458 = arith.constant 0 : i32
      %dma_start3A_459 = arith.constant 0 : i32
      %dma_start3A_460 = tpu.memref_slice %arg7[%dma_start3A_449, %dma_start3A_458, %dma_start3A_459] : memref<2x128x64xf32, #tpu.memory_space<vmem>> -> memref<1x128x64xf32, #tpu.memory_space<vmem>>
      %dma_start3A_461 = tpu.memref_squeeze %dma_start3A_460 : memref<1x128x64xf32, #tpu.memory_space<vmem>> -> memref<128x64xf32, #tpu.memory_space<vmem>>
      tpu.enqueue_dma source(%dma_start3A_461 : memref<128x64xf32, #tpu.memory_space<vmem>>) target(%dma_start3A_457 : memref<128x64xf32, #tpu.memory_space<hbm>>) target_semaphore(%arg13 : memref<!tpu.dma_semaphore, #tpu.memory_space<semaphore_mem>>)
    }
    %scan3A_112 = arith.constant 49 : i32
    %dma_wait3A_113 = arith.constant 198 : i32
    %dma_wait3A_114 = arith.constant 2 : i32
    %dma_wait3A_115 = arith.constant 0 : i32
    %dma_wait3A_116 = arith.constant 0 : i32
    %dma_wait3A_117 = tpu.memref_slice %arg6[%dma_wait3A_114, %dma_wait3A_115, %dma_wait3A_116] : memref<4x128x128xf32, #tpu.memory_space<vmem>> -> memref<1x128x128xf32, #tpu.memory_space<vmem>>
    %dma_wait3A_118 = tpu.memref_squeeze %dma_wait3A_117 : memref<1x128x128xf32, #tpu.memory_space<vmem>> -> memref<128x128xf32, #tpu.memory_space<vmem>>
    %dma_wait3A_119 = arith.constant 0 : i32
    %dma_wait3A_120 = tpu.memref_slice %arg5[%dma_wait3A_113, %dma_wait3A_119] : memref<200x128xi32, #tpu.memory_space<vmem>> -> memref<1x128xi32, #tpu.memory_space<vmem>>
    %dma_wait3A_121 = tpu.memref_squeeze %dma_wait3A_120 : memref<1x128xi32, #tpu.memory_space<vmem>> -> memref<128xi32, #tpu.memory_space<vmem>>
    %dma_wait3A_122 = arith.constant 0 : i32
    %dma_wait3A_123 = arith.constant 0 : i32
    %dma_wait3A_124 = tpu.memref_slice %arg2[%dma_wait3A_122, %dma_wait3A_123] : memref<1000000x128xf32, #tpu.memory_space<hbm>> -> memref<1000000x128xf32, #tpu.memory_space<hbm>>
    tpu.wait_indirect_dma semaphore(%arg10 : memref<!tpu.dma_semaphore, #tpu.memory_space<semaphore_mem>>) src(%dma_wait3A_124 : memref<1000000x128xf32, #tpu.memory_space<hbm>>) dst(%dma_wait3A_118 : memref<128x128xf32, #tpu.memory_space<vmem>>)
    %dma_wait3A_125 = arith.constant 0 : i32
    %dma_wait3A_126 = arith.constant 0 : i32
    %dma_wait3A_127 = arith.constant 0 : i32
    %dma_wait3A_128 = tpu.memref_slice %arg7[%dma_wait3A_125, %dma_wait3A_126, %dma_wait3A_127] : memref<2x128x64xf32, #tpu.memory_space<vmem>> -> memref<1x128x64xf32, #tpu.memory_space<vmem>>
    %dma_wait3A_129 = tpu.memref_squeeze %dma_wait3A_128 : memref<1x128x64xf32, #tpu.memory_space<vmem>> -> memref<128x64xf32, #tpu.memory_space<vmem>>
    %dma_wait3A_130 = arith.constant 0 : i32
    %dma_wait3A_131 = tpu.memref_slice %arg4[%mul3A_2, %dma_wait3A_130] : memref<819200x64xf32, #tpu.memory_space<hbm>> -> memref<128x64xf32, #tpu.memory_space<hbm>>
    %dma_wait3A_132 = arith.constant 0 : i32
    %dma_wait3A_133 = tpu.memref_slice %arg4[%mul3A_2, %dma_wait3A_132] : memref<819200x64xf32, #tpu.memory_space<hbm>> -> memref<128x64xf32, #tpu.memory_space<hbm>>
    %dma_wait3A_134 = arith.constant 0 : i32
    %dma_wait3A_135 = arith.constant 0 : i32
    %dma_wait3A_136 = tpu.memref_slice %arg7[%dma_wait3A_125, %dma_wait3A_134, %dma_wait3A_135] : memref<2x128x64xf32, #tpu.memory_space<vmem>> -> memref<1x128x64xf32, #tpu.memory_space<vmem>>
    %dma_wait3A_137 = tpu.memref_squeeze %dma_wait3A_136 : memref<1x128x64xf32, #tpu.memory_space<vmem>> -> memref<128x64xf32, #tpu.memory_space<vmem>>
    tpu.wait_dma2 semaphore(%arg12 : memref<!tpu.dma_semaphore, #tpu.memory_space<semaphore_mem>>) src(%dma_wait3A_137 : memref<128x64xf32, #tpu.memory_space<vmem>>) dst(%dma_wait3A_133 : memref<128x64xf32, #tpu.memory_space<hbm>>)
    %parallel_loop3A_138 = arith.constant 0 : i32
    %parallel_loop3A_139 = arith.constant 128 : i32
    %parallel_loop3A_140 = arith.constant 1 : i32
    scf.for %parallel_loop3A_225 = %parallel_loop3A_138 to %parallel_loop3A_139 step %parallel_loop3A_140  : i32 {
      %parallel_loop3A_226 = arith.constant 2 : i32
      %parallel_loop3A_227 = arith.index_cast %parallel_loop3A_226 : i32 to index
      %parallel_loop3A_228 = arith.index_cast %parallel_loop3A_225 : i32 to index
      %parallel_loop3A_229 = arith.constant 0 : index
      %parallel_loop3A_230 = tpu.vector_load %arg6[%parallel_loop3A_227, %parallel_loop3A_228, %parallel_loop3A_229] {strides = array<i32>} : memref<4x128x128xf32, #tpu.memory_space<vmem>>, vector<1x1x16xf32>,
      %parallel_loop3A_231 = vector.shape_cast %parallel_loop3A_230 : vector<1x1x16xf32> to vector<16xf32>
      %parallel_loop3A_232 = arith.constant 8.000000e+00 : f32
      %parallel_loop3A_233 = vector.broadcast %parallel_loop3A_232 : f32 to vector<16xf32>
      %parallel_loop3A_234 = arith.mulf %parallel_loop3A_231, %parallel_loop3A_233 : vector<16xf32>
      %parallel_loop3A_235 = arith.constant 0 : i32
      %parallel_loop3A_236 = arith.index_cast %parallel_loop3A_235 : i32 to index
      %parallel_loop3A_237 = arith.index_cast %parallel_loop3A_225 : i32 to index
      %parallel_loop3A_238 = arith.constant 0 : index
      %parallel_loop3A_239 = tpu.vector_load %arg7[%parallel_loop3A_236, %parallel_loop3A_237, %parallel_loop3A_238] {strides = array<i32>} : memref<2x128x64xf32, #tpu.memory_space<vmem>>, vector<1x1x16xf32>,
      %parallel_loop3A_240 = vector.shape_cast %parallel_loop3A_239 : vector<1x1x16xf32> to vector<16xf32>
      %parallel_loop3A_241 = vector.shape_cast %parallel_loop3A_234 : vector<16xf32> to vector<1x1x16xf32>
      tpu.vector_store %arg7[%parallel_loop3A_236, %parallel_loop3A_237, %parallel_loop3A_238], %parallel_loop3A_241 {strides = array<i32>} : memref<2x128x64xf32, #tpu.memory_space<vmem>>, vector<1x1x16xf32>,
      %parallel_loop3A_242 = arith.constant 2 : i32
      %parallel_loop3A_243 = arith.index_cast %parallel_loop3A_242 : i32 to index
      %parallel_loop3A_244 = arith.index_cast %parallel_loop3A_225 : i32 to index
      %parallel_loop3A_245 = arith.constant 16 : index
      %parallel_loop3A_246 = tpu.vector_load %arg6[%parallel_loop3A_243, %parallel_loop3A_244, %parallel_loop3A_245] {strides = array<i32>} : memref<4x128x128xf32, #tpu.memory_space<vmem>>, vector<1x1x16xf32>,
      %parallel_loop3A_247 = vector.shape_cast %parallel_loop3A_246 : vector<1x1x16xf32> to vector<16xf32>
      %parallel_loop3A_248 = arith.constant 8.000000e+00 : f32
      %parallel_loop3A_249 = vector.broadcast %parallel_loop3A_248 : f32 to vector<16xf32>
      %parallel_loop3A_250 = arith.mulf %parallel_loop3A_247, %parallel_loop3A_249 : vector<16xf32>
      %parallel_loop3A_251 = arith.constant 0 : i32
      %parallel_loop3A_252 = arith.index_cast %parallel_loop3A_251 : i32 to index
      %parallel_loop3A_253 = arith.index_cast %parallel_loop3A_225 : i32 to index
      %parallel_loop3A_254 = arith.constant 16 : index
      %parallel_loop3A_255 = tpu.vector_load %arg7[%parallel_loop3A_252, %parallel_loop3A_253, %parallel_loop3A_254] {strides = array<i32>} : memref<2x128x64xf32, #tpu.memory_space<vmem>>, vector<1x1x16xf32>,
      %parallel_loop3A_256 = vector.shape_cast %parallel_loop3A_255 : vector<1x1x16xf32> to vector<16xf32>
      %parallel_loop3A_257 = vector.shape_cast %parallel_loop3A_250 : vector<16xf32> to vector<1x1x16xf32>
      tpu.vector_store %arg7[%parallel_loop3A_252, %parallel_loop3A_253, %parallel_loop3A_254], %parallel_loop3A_257 {strides = array<i32>} : memref<2x128x64xf32, #tpu.memory_space<vmem>>, vector<1x1x16xf32>,
      %parallel_loop3A_258 = arith.constant 2 : i32
      %parallel_loop3A_259 = arith.index_cast %parallel_loop3A_258 : i32 to index
      %parallel_loop3A_260 = arith.index_cast %parallel_loop3A_225 : i32 to index
      %parallel_loop3A_261 = arith.constant 32 : index
      %parallel_loop3A_262 = tpu.vector_load %arg6[%parallel_loop3A_259, %parallel_loop3A_260, %parallel_loop3A_261] {strides = array<i32>} : memref<4x128x128xf32, #tpu.memory_space<vmem>>, vector<1x1x16xf32>,
      %parallel_loop3A_263 = vector.shape_cast %parallel_loop3A_262 : vector<1x1x16xf32> to vector<16xf32>
      %parallel_loop3A_264 = arith.constant 8.000000e+00 : f32
      %parallel_loop3A_265 = vector.broadcast %parallel_loop3A_264 : f32 to vector<16xf32>
      %parallel_loop3A_266 = arith.mulf %parallel_loop3A_263, %parallel_loop3A_265 : vector<16xf32>
      %parallel_loop3A_267 = arith.constant 0 : i32
      %parallel_loop3A_268 = arith.index_cast %parallel_loop3A_267 : i32 to index
      %parallel_loop3A_269 = arith.index_cast %parallel_loop3A_225 : i32 to index
      %parallel_loop3A_270 = arith.constant 32 : index
      %parallel_loop3A_271 = tpu.vector_load %arg7[%parallel_loop3A_268, %parallel_loop3A_269, %parallel_loop3A_270] {strides = array<i32>} : memref<2x128x64xf32, #tpu.memory_space<vmem>>, vector<1x1x16xf32>,
      %parallel_loop3A_272 = vector.shape_cast %parallel_loop3A_271 : vector<1x1x16xf32> to vector<16xf32>
      %parallel_loop3A_273 = vector.shape_cast %parallel_loop3A_266 : vector<16xf32> to vector<1x1x16xf32>
      tpu.vector_store %arg7[%parallel_loop3A_268, %parallel_loop3A_269, %parallel_loop3A_270], %parallel_loop3A_273 {strides = array<i32>} : memref<2x128x64xf32, #tpu.memory_space<vmem>>, vector<1x1x16xf32>,
      %parallel_loop3A_274 = arith.constant 2 : i32
      %parallel_loop3A_275 = arith.index_cast %parallel_loop3A_274 : i32 to index
      %parallel_loop3A_276 = arith.index_cast %parallel_loop3A_225 : i32 to index
      %parallel_loop3A_277 = arith.constant 48 : index
      %parallel_loop3A_278 = tpu.vector_load %arg6[%parallel_loop3A_275, %parallel_loop3A_276, %parallel_loop3A_277] {strides = array<i32>} : memref<4x128x128xf32, #tpu.memory_space<vmem>>, vector<1x1x16xf32>,
      %parallel_loop3A_279 = vector.shape_cast %parallel_loop3A_278 : vector<1x1x16xf32> to vector<16xf32>
      %parallel_loop3A_280 = arith.constant 8.000000e+00 : f32
      %parallel_loop3A_281 = vector.broadcast %parallel_loop3A_280 : f32 to vector<16xf32>
      %parallel_loop3A_282 = arith.mulf %parallel_loop3A_279, %parallel_loop3A_281 : vector<16xf32>
      %parallel_loop3A_283 = arith.constant 0 : i32
      %parallel_loop3A_284 = arith.index_cast %parallel_loop3A_283 : i32 to index
      %parallel_loop3A_285 = arith.index_cast %parallel_loop3A_225 : i32 to index
      %parallel_loop3A_286 = arith.constant 48 : index
      %parallel_loop3A_287 = tpu.vector_load %arg7[%parallel_loop3A_284, %parallel_loop3A_285, %parallel_loop3A_286] {strides = array<i32>} : memref<2x128x64xf32, #tpu.memory_space<vmem>>, vector<1x1x16xf32>,
      %parallel_loop3A_288 = vector.shape_cast %parallel_loop3A_287 : vector<1x1x16xf32> to vector<16xf32>
      %parallel_loop3A_289 = vector.shape_cast %parallel_loop3A_282 : vector<16xf32> to vector<1x1x16xf32>
      tpu.vector_store %arg7[%parallel_loop3A_284, %parallel_loop3A_285, %parallel_loop3A_286], %parallel_loop3A_289 {strides = array<i32>} : memref<2x128x64xf32, #tpu.memory_space<vmem>>, vector<1x1x16xf32>,
    } {sc.loop_unroll_factor = 8 : i64, sc.parallel_access}
    %add3A_141 = arith.constant 25344 : i32
    %add3A_142 = arith.addi %mul3A_2, %add3A_141 : i32
    %dma_start3A_143 = arith.constant 0 : i32
    %dma_start3A_144 = arith.constant 0 : i32
    %dma_start3A_145 = arith.constant 0 : i32
    %dma_start3A_146 = tpu.memref_slice %arg7[%dma_start3A_143, %dma_start3A_144, %dma_start3A_145] : memref<2x128x64xf32, #tpu.memory_space<vmem>> -> memref<1x128x64xf32, #tpu.memory_space<vmem>>
    %dma_start3A_147 = tpu.memref_squeeze %dma_start3A_146 : memref<1x128x64xf32, #tpu.memory_space<vmem>> -> memref<128x64xf32, #tpu.memory_space<vmem>>
    %dma_start3A_148 = arith.constant 0 : i32
    %dma_start3A_149 = tpu.memref_slice %arg4[%add3A_142, %dma_start3A_148] : memref<819200x64xf32, #tpu.memory_space<hbm>> -> memref<128x64xf32, #tpu.memory_space<hbm>>
    %dma_start3A_150 = arith.constant 0 : i32
    %dma_start3A_151 = tpu.memref_slice %arg4[%add3A_142, %dma_start3A_150] : memref<819200x64xf32, #tpu.memory_space<hbm>> -> memref<128x64xf32, #tpu.memory_space<hbm>>
    %dma_start3A_152 = arith.constant 0 : i32
    %dma_start3A_153 = arith.constant 0 : i32
    %dma_start3A_154 = tpu.memref_slice %arg7[%dma_start3A_143, %dma_start3A_152, %dma_start3A_153] : memref<2x128x64xf32, #tpu.memory_space<vmem>> -> memref<1x128x64xf32, #tpu.memory_space<vmem>>
    %dma_start3A_155 = tpu.memref_squeeze %dma_start3A_154 : memref<1x128x64xf32, #tpu.memory_space<vmem>> -> memref<128x64xf32, #tpu.memory_space<vmem>>
    tpu.enqueue_dma source(%dma_start3A_155 : memref<128x64xf32, #tpu.memory_space<vmem>>) target(%dma_start3A_151 : memref<128x64xf32, #tpu.memory_space<hbm>>) target_semaphore(%arg12 : memref<!tpu.dma_semaphore, #tpu.memory_space<semaphore_mem>>)
    %dma_wait3A_156 = arith.constant 199 : i32
    %dma_wait3A_157 = arith.constant 3 : i32
    %dma_wait3A_158 = arith.constant 0 : i32
    %dma_wait3A_159 = arith.constant 0 : i32
    %dma_wait3A_160 = tpu.memref_slice %arg6[%dma_wait3A_157, %dma_wait3A_158, %dma_wait3A_159] : memref<4x128x128xf32, #tpu.memory_space<vmem>> -> memref<1x128x128xf32, #tpu.memory_space<vmem>>
    %dma_wait3A_161 = tpu.memref_squeeze %dma_wait3A_160 : memref<1x128x128xf32, #tpu.memory_space<vmem>> -> memref<128x128xf32, #tpu.memory_space<vmem>>
    %dma_wait3A_162 = arith.constant 0 : i32
    %dma_wait3A_163 = tpu.memref_slice %arg5[%dma_wait3A_156, %dma_wait3A_162] : memref<200x128xi32, #tpu.memory_space<vmem>> -> memref<1x128xi32, #tpu.memory_space<vmem>>
    %dma_wait3A_164 = tpu.memref_squeeze %dma_wait3A_163 : memref<1x128xi32, #tpu.memory_space<vmem>> -> memref<128xi32, #tpu.memory_space<vmem>>
    %dma_wait3A_165 = arith.constant 0 : i32
    %dma_wait3A_166 = arith.constant 0 : i32
    %dma_wait3A_167 = tpu.memref_slice %arg2[%dma_wait3A_165, %dma_wait3A_166] : memref<1000000x128xf32, #tpu.memory_space<hbm>> -> memref<1000000x128xf32, #tpu.memory_space<hbm>>
    tpu.wait_indirect_dma semaphore(%arg11 : memref<!tpu.dma_semaphore, #tpu.memory_space<semaphore_mem>>) src(%dma_wait3A_167 : memref<1000000x128xf32, #tpu.memory_space<hbm>>) dst(%dma_wait3A_161 : memref<128x128xf32, #tpu.memory_space<vmem>>)
    %dma_wait3A_168 = arith.constant 1 : i32
    %dma_wait3A_169 = arith.constant 0 : i32
    %dma_wait3A_170 = arith.constant 0 : i32
    %dma_wait3A_171 = tpu.memref_slice %arg7[%dma_wait3A_168, %dma_wait3A_169, %dma_wait3A_170] : memref<2x128x64xf32, #tpu.memory_space<vmem>> -> memref<1x128x64xf32, #tpu.memory_space<vmem>>
    %dma_wait3A_172 = tpu.memref_squeeze %dma_wait3A_171 : memref<1x128x64xf32, #tpu.memory_space<vmem>> -> memref<128x64xf32, #tpu.memory_space<vmem>>
    %dma_wait3A_173 = arith.constant 0 : i32
    %dma_wait3A_174 = tpu.memref_slice %arg4[%mul3A_2, %dma_wait3A_173] : memref<819200x64xf32, #tpu.memory_space<hbm>> -> memref<128x64xf32, #tpu.memory_space<hbm>>
    %dma_wait3A_175 = arith.constant 0 : i32
    %dma_wait3A_176 = tpu.memref_slice %arg4[%mul3A_2, %dma_wait3A_175] : memref<819200x64xf32, #tpu.memory_space<hbm>> -> memref<128x64xf32, #tpu.memory_space<hbm>>
    %dma_wait3A_177 = arith.constant 0 : i32
    %dma_wait3A_178 = arith.constant 0 : i32
    %dma_wait3A_179 = tpu.memref_slice %arg7[%dma_wait3A_168, %dma_wait3A_177, %dma_wait3A_178] : memref<2x128x64xf32, #tpu.memory_space<vmem>> -> memref<1x128x64xf32, #tpu.memory_space<vmem>>
    %dma_wait3A_180 = tpu.memref_squeeze %dma_wait3A_179 : memref<1x128x64xf32, #tpu.memory_space<vmem>> -> memref<128x64xf32, #tpu.memory_space<vmem>>
    tpu.wait_dma2 semaphore(%arg13 : memref<!tpu.dma_semaphore, #tpu.memory_space<semaphore_mem>>) src(%dma_wait3A_180 : memref<128x64xf32, #tpu.memory_space<vmem>>) dst(%dma_wait3A_176 : memref<128x64xf32, #tpu.memory_space<hbm>>)
    %parallel_loop3A_181 = arith.constant 0 : i32
    %parallel_loop3A_182 = arith.constant 128 : i32
    %parallel_loop3A_183 = arith.constant 1 : i32
    scf.for %parallel_loop3A_225 = %parallel_loop3A_181 to %parallel_loop3A_182 step %parallel_loop3A_183  : i32 {
      %parallel_loop3A_226 = arith.constant 3 : i32
      %parallel_loop3A_227 = arith.index_cast %parallel_loop3A_226 : i32 to index
      %parallel_loop3A_228 = arith.index_cast %parallel_loop3A_225 : i32 to index
      %parallel_loop3A_229 = arith.constant 0 : index
      %parallel_loop3A_230 = tpu.vector_load %arg6[%parallel_loop3A_227, %parallel_loop3A_228, %parallel_loop3A_229] {strides = array<i32>} : memref<4x128x128xf32, #tpu.memory_space<vmem>>, vector<1x1x16xf32>,
      %parallel_loop3A_231 = vector.shape_cast %parallel_loop3A_230 : vector<1x1x16xf32> to vector<16xf32>
      %parallel_loop3A_232 = arith.constant 8.000000e+00 : f32
      %parallel_loop3A_233 = vector.broadcast %parallel_loop3A_232 : f32 to vector<16xf32>
      %parallel_loop3A_234 = arith.mulf %parallel_loop3A_231, %parallel_loop3A_233 : vector<16xf32>
      %parallel_loop3A_235 = arith.constant 1 : i32
      %parallel_loop3A_236 = arith.index_cast %parallel_loop3A_235 : i32 to index
      %parallel_loop3A_237 = arith.index_cast %parallel_loop3A_225 : i32 to index
      %parallel_loop3A_238 = arith.constant 0 : index
      %parallel_loop3A_239 = tpu.vector_load %arg7[%parallel_loop3A_236, %parallel_loop3A_237, %parallel_loop3A_238] {strides = array<i32>} : memref<2x128x64xf32, #tpu.memory_space<vmem>>, vector<1x1x16xf32>,
      %parallel_loop3A_240 = vector.shape_cast %parallel_loop3A_239 : vector<1x1x16xf32> to vector<16xf32>
      %parallel_loop3A_241 = vector.shape_cast %parallel_loop3A_234 : vector<16xf32> to vector<1x1x16xf32>
      tpu.vector_store %arg7[%parallel_loop3A_236, %parallel_loop3A_237, %parallel_loop3A_238], %parallel_loop3A_241 {strides = array<i32>} : memref<2x128x64xf32, #tpu.memory_space<vmem>>, vector<1x1x16xf32>,
      %parallel_loop3A_242 = arith.constant 3 : i32
      %parallel_loop3A_243 = arith.index_cast %parallel_loop3A_242 : i32 to index
      %parallel_loop3A_244 = arith.index_cast %parallel_loop3A_225 : i32 to index
      %parallel_loop3A_245 = arith.constant 16 : index
      %parallel_loop3A_246 = tpu.vector_load %arg6[%parallel_loop3A_243, %parallel_loop3A_244, %parallel_loop3A_245] {strides = array<i32>} : memref<4x128x128xf32, #tpu.memory_space<vmem>>, vector<1x1x16xf32>,
      %parallel_loop3A_247 = vector.shape_cast %parallel_loop3A_246 : vector<1x1x16xf32> to vector<16xf32>
      %parallel_loop3A_248 = arith.constant 8.000000e+00 : f32
      %parallel_loop3A_249 = vector.broadcast %parallel_loop3A_248 : f32 to vector<16xf32>
      %parallel_loop3A_250 = arith.mulf %parallel_loop3A_247, %parallel_loop3A_249 : vector<16xf32>
      %parallel_loop3A_251 = arith.constant 1 : i32
      %parallel_loop3A_252 = arith.index_cast %parallel_loop3A_251 : i32 to index
      %parallel_loop3A_253 = arith.index_cast %parallel_loop3A_225 : i32 to index
      %parallel_loop3A_254 = arith.constant 16 : index
      %parallel_loop3A_255 = tpu.vector_load %arg7[%parallel_loop3A_252, %parallel_loop3A_253, %parallel_loop3A_254] {strides = array<i32>} : memref<2x128x64xf32, #tpu.memory_space<vmem>>, vector<1x1x16xf32>,
      %parallel_loop3A_256 = vector.shape_cast %parallel_loop3A_255 : vector<1x1x16xf32> to vector<16xf32>
      %parallel_loop3A_257 = vector.shape_cast %parallel_loop3A_250 : vector<16xf32> to vector<1x1x16xf32>
      tpu.vector_store %arg7[%parallel_loop3A_252, %parallel_loop3A_253, %parallel_loop3A_254], %parallel_loop3A_257 {strides = array<i32>} : memref<2x128x64xf32, #tpu.memory_space<vmem>>, vector<1x1x16xf32>,
      %parallel_loop3A_258 = arith.constant 3 : i32
      %parallel_loop3A_259 = arith.index_cast %parallel_loop3A_258 : i32 to index
      %parallel_loop3A_260 = arith.index_cast %parallel_loop3A_225 : i32 to index
      %parallel_loop3A_261 = arith.constant 32 : index
      %parallel_loop3A_262 = tpu.vector_load %arg6[%parallel_loop3A_259, %parallel_loop3A_260, %parallel_loop3A_261] {strides = array<i32>} : memref<4x128x128xf32, #tpu.memory_space<vmem>>, vector<1x1x16xf32>,
      %parallel_loop3A_263 = vector.shape_cast %parallel_loop3A_262 : vector<1x1x16xf32> to vector<16xf32>
      %parallel_loop3A_264 = arith.constant 8.000000e+00 : f32
      %parallel_loop3A_265 = vector.broadcast %parallel_loop3A_264 : f32 to vector<16xf32>
      %parallel_loop3A_266 = arith.mulf %parallel_loop3A_263, %parallel_loop3A_265 : vector<16xf32>
      %parallel_loop3A_267 = arith.constant 1 : i32
      %parallel_loop3A_268 = arith.index_cast %parallel_loop3A_267 : i32 to index
      %parallel_loop3A_269 = arith.index_cast %parallel_loop3A_225 : i32 to index
      %parallel_loop3A_270 = arith.constant 32 : index
      %parallel_loop3A_271 = tpu.vector_load %arg7[%parallel_loop3A_268, %parallel_loop3A_269, %parallel_loop3A_270] {strides = array<i32>} : memref<2x128x64xf32, #tpu.memory_space<vmem>>, vector<1x1x16xf32>,
      %parallel_loop3A_272 = vector.shape_cast %parallel_loop3A_271 : vector<1x1x16xf32> to vector<16xf32>
      %parallel_loop3A_273 = vector.shape_cast %parallel_loop3A_266 : vector<16xf32> to vector<1x1x16xf32>
      tpu.vector_store %arg7[%parallel_loop3A_268, %parallel_loop3A_269, %parallel_loop3A_270], %parallel_loop3A_273 {strides = array<i32>} : memref<2x128x64xf32, #tpu.memory_space<vmem>>, vector<1x1x16xf32>,
      %parallel_loop3A_274 = arith.constant 3 : i32
      %parallel_loop3A_275 = arith.index_cast %parallel_loop3A_274 : i32 to index
      %parallel_loop3A_276 = arith.index_cast %parallel_loop3A_225 : i32 to index
      %parallel_loop3A_277 = arith.constant 48 : index
      %parallel_loop3A_278 = tpu.vector_load %arg6[%parallel_loop3A_275, %parallel_loop3A_276, %parallel_loop3A_277] {strides = array<i32>} : memref<4x128x128xf32, #tpu.memory_space<vmem>>, vector<1x1x16xf32>,
      %parallel_loop3A_279 = vector.shape_cast %parallel_loop3A_278 : vector<1x1x16xf32> to vector<16xf32>
      %parallel_loop3A_280 = arith.constant 8.000000e+00 : f32
      %parallel_loop3A_281 = vector.broadcast %parallel_loop3A_280 : f32 to vector<16xf32>
      %parallel_loop3A_282 = arith.mulf %parallel_loop3A_279, %parallel_loop3A_281 : vector<16xf32>
      %parallel_loop3A_283 = arith.constant 1 : i32
      %parallel_loop3A_284 = arith.index_cast %parallel_loop3A_283 : i32 to index
      %parallel_loop3A_285 = arith.index_cast %parallel_loop3A_225 : i32 to index
      %parallel_loop3A_286 = arith.constant 48 : index
      %parallel_loop3A_287 = tpu.vector_load %arg7[%parallel_loop3A_284, %parallel_loop3A_285, %parallel_loop3A_286] {strides = array<i32>} : memref<2x128x64xf32, #tpu.memory_space<vmem>>, vector<1x1x16xf32>,
      %parallel_loop3A_288 = vector.shape_cast %parallel_loop3A_287 : vector<1x1x16xf32> to vector<16xf32>
      %parallel_loop3A_289 = vector.shape_cast %parallel_loop3A_282 : vector<16xf32> to vector<1x1x16xf32>
      tpu.vector_store %arg7[%parallel_loop3A_284, %parallel_loop3A_285, %parallel_loop3A_286], %parallel_loop3A_289 {strides = array<i32>} : memref<2x128x64xf32, #tpu.memory_space<vmem>>, vector<1x1x16xf32>,
    } {sc.loop_unroll_factor = 8 : i64, sc.parallel_access}
    %add3A_184 = arith.constant 25472 : i32
    %add3A_185 = arith.addi %mul3A_2, %add3A_184 : i32
    %dma_start3A_186 = arith.constant 1 : i32
    %dma_start3A_187 = arith.constant 0 : i32
    %dma_start3A_188 = arith.constant 0 : i32
    %dma_start3A_189 = tpu.memref_slice %arg7[%dma_start3A_186, %dma_start3A_187, %dma_start3A_188] : memref<2x128x64xf32, #tpu.memory_space<vmem>> -> memref<1x128x64xf32, #tpu.memory_space<vmem>>
    %dma_start3A_190 = tpu.memref_squeeze %dma_start3A_189 : memref<1x128x64xf32, #tpu.memory_space<vmem>> -> memref<128x64xf32, #tpu.memory_space<vmem>>
    %dma_start3A_191 = arith.constant 0 : i32
    %dma_start3A_192 = tpu.memref_slice %arg4[%add3A_185, %dma_start3A_191] : memref<819200x64xf32, #tpu.memory_space<hbm>> -> memref<128x64xf32, #tpu.memory_space<hbm>>
    %dma_start3A_193 = arith.constant 0 : i32
    %dma_start3A_194 = tpu.memref_slice %arg4[%add3A_185, %dma_start3A_193] : memref<819200x64xf32, #tpu.memory_space<hbm>> -> memref<128x64xf32, #tpu.memory_space<hbm>>
    %dma_start3A_195 = arith.constant 0 : i32
    %dma_start3A_196 = arith.constant 0 : i32
    %dma_start3A_197 = tpu.memref_slice %arg7[%dma_start3A_186, %dma_start3A_195, %dma_start3A_196] : memref<2x128x64xf32, #tpu.memory_space<vmem>> -> memref<1x128x64xf32, #tpu.memory_space<vmem>>
    %dma_start3A_198 = tpu.memref_squeeze %dma_start3A_197 : memref<1x128x64xf32, #tpu.memory_space<vmem>> -> memref<128x64xf32, #tpu.memory_space<vmem>>
    tpu.enqueue_dma source(%dma_start3A_198 : memref<128x64xf32, #tpu.memory_space<vmem>>) target(%dma_start3A_194 : memref<128x64xf32, #tpu.memory_space<hbm>>) target_semaphore(%arg13 : memref<!tpu.dma_semaphore, #tpu.memory_space<semaphore_mem>>)
    %dma_wait3A_199 = arith.constant 0 : i32
    %dma_wait3A_200 = arith.constant 0 : i32
    %dma_wait3A_201 = arith.constant 0 : i32
    %dma_wait3A_202 = tpu.memref_slice %arg7[%dma_wait3A_199, %dma_wait3A_200, %dma_wait3A_201] : memref<2x128x64xf32, #tpu.memory_space<vmem>> -> memref<1x128x64xf32, #tpu.memory_space<vmem>>
    %dma_wait3A_203 = tpu.memref_squeeze %dma_wait3A_202 : memref<1x128x64xf32, #tpu.memory_space<vmem>> -> memref<128x64xf32, #tpu.memory_space<vmem>>
    %dma_wait3A_204 = arith.constant 0 : i32
    %dma_wait3A_205 = tpu.memref_slice %arg4[%mul3A_2, %dma_wait3A_204] : memref<819200x64xf32, #tpu.memory_space<hbm>> -> memref<128x64xf32, #tpu.memory_space<hbm>>
    %dma_wait3A_206 = arith.constant 0 : i32
    %dma_wait3A_207 = tpu.memref_slice %arg4[%mul3A_2, %dma_wait3A_206] : memref<819200x64xf32, #tpu.memory_space<hbm>> -> memref<128x64xf32, #tpu.memory_space<hbm>>
    %dma_wait3A_208 = arith.constant 0 : i32
    %dma_wait3A_209 = arith.constant 0 : i32
    %dma_wait3A_210 = tpu.memref_slice %arg7[%dma_wait3A_199, %dma_wait3A_208, %dma_wait3A_209] : memref<2x128x64xf32, #tpu.memory_space<vmem>> -> memref<1x128x64xf32, #tpu.memory_space<vmem>>
    %dma_wait3A_211 = tpu.memref_squeeze %dma_wait3A_210 : memref<1x128x64xf32, #tpu.memory_space<vmem>> -> memref<128x64xf32, #tpu.memory_space<vmem>>
    tpu.wait_dma2 semaphore(%arg12 : memref<!tpu.dma_semaphore, #tpu.memory_space<semaphore_mem>>) src(%dma_wait3A_211 : memref<128x64xf32, #tpu.memory_space<vmem>>) dst(%dma_wait3A_207 : memref<128x64xf32, #tpu.memory_space<hbm>>)
    %dma_wait3A_212 = arith.constant 1 : i32
    %dma_wait3A_213 = arith.constant 0 : i32
    %dma_wait3A_214 = arith.constant 0 : i32
    %dma_wait3A_215 = tpu.memref_slice %arg7[%dma_wait3A_212, %dma_wait3A_213, %dma_wait3A_214] : memref<2x128x64xf32, #tpu.memory_space<vmem>> -> memref<1x128x64xf32, #tpu.memory_space<vmem>>
    %dma_wait3A_216 = tpu.memref_squeeze %dma_wait3A_215 : memref<1x128x64xf32, #tpu.memory_space<vmem>> -> memref<128x64xf32, #tpu.memory_space<vmem>>
    %dma_wait3A_217 = arith.constant 0 : i32
    %dma_wait3A_218 = tpu.memref_slice %arg4[%mul3A_2, %dma_wait3A_217] : memref<819200x64xf32, #tpu.memory_space<hbm>> -> memref<128x64xf32, #tpu.memory_space<hbm>>
    %dma_wait3A_219 = arith.constant 0 : i32
    %dma_wait3A_220 = tpu.memref_slice %arg4[%mul3A_2, %dma_wait3A_219] : memref<819200x64xf32, #tpu.memory_space<hbm>> -> memref<128x64xf32, #tpu.memory_space<hbm>>
    %dma_wait3A_221 = arith.constant 0 : i32
    %dma_wait3A_222 = arith.constant 0 : i32
    %dma_wait3A_223 = tpu.memref_slice %arg7[%dma_wait3A_212, %dma_wait3A_221, %dma_wait3A_222] : memref<2x128x64xf32, #tpu.memory_space<vmem>> -> memref<1x128x64xf32, #tpu.memory_space<vmem>>
    %dma_wait3A_224 = tpu.memref_squeeze %dma_wait3A_223 : memref<1x128x64xf32, #tpu.memory_space<vmem>> -> memref<128x64xf32, #tpu.memory_space<vmem>>
    tpu.wait_dma2 semaphore(%arg13 : memref<!tpu.dma_semaphore, #tpu.memory_space<semaphore_mem>>) src(%dma_wait3A_224 : memref<128x64xf32, #tpu.memory_space<vmem>>) dst(%dma_wait3A_220 : memref<128x64xf32, #tpu.memory_space<hbm>>)
    return
  }
}

</mosaic_0001>

<sc_bundles>
// kernel: kernel.3.cloned.1.call-start
scs
__scs_entry_jumppad:
0x0: {  	(pc) =	sbr.rel $0x88, $3  }
0x1: {  	(tag) =	ssettag $0x0;
	lr =	simm.s32 $0x1  }
0x2: {  	[smem:$0x3F9F] =	sst lr;
	_ =	strace $0xD0000000  }
0x3: {  	_ = 	snop  }
0x4: {  	_ = 	snop  }
0x5: {  	_ = 	snop  }
0x6: {  	_ = 	snop  }
0x7: {  	_ = 	snop  }
__scs_overlays_trampoline_lowered:
0x8: {  	[smem:$0x3FAE] =	sst s0  }
0x9: {  	[smem:$0x3FAF] =	sst s1  }
0xa: {  	[smem:$0x3FB0] =	sst s2  }
0xb: {  	[smem:$0x3FB1] =	sst s3  }
0xc: {  	[smem:$0x3FB2] =	sst s4  }
0xd: {  	[smem:$0x3FB3] =	sst s5  }
0xe: {  	[smem:$0x3FB4] =	sst s6  }
0xf: {  	[smem:$0x3FB5] =	sst s7  }
0x10: {  	[smem:$0x3FB6] =	sst s8  }
0x11: {  	[smem:$0x3FB7] =	sst s9;
	s0 =	simm.s32 @!p0 $0x0  }
0x12: {  	s1 =	sld [smem:$0x3F9D];
	s0 =	simm.s32 @p0 $0x1  }
0x13: {  	[smem:$0x3FB8] =	sst s0;
	s0 =	simm.s32 @!p1 $0x0  }
0x14: {  	s2 =	sld [smem:$0x3F9C];
	s0 =	simm.s32 @p1 $0x1  }
0x15: {  	[smem:$0x3FB9] =	sst s0;
	s0 =	simm.s32 @!p2 $0x0  }
0x16: {  	s3 =	sld [smem:$0x3FDB];
	s0 =	simm.s32 @p2 $0x1  }
0x17: {  	s4 =	simm.s32 $0x1BF5;
	[smem:$0x3FBB] =	sst s0  }
0x18: {  	s0 =	sld [smem:$0x3F9E];
	_ =	swait.ge [sflag:s4], $0x0  }
0x19: {  	s7 =	sld [smem:$0x3F9F]  }
0x1a: {  	s8 =	sadd.s32 $0xFFFFE003, lr  }
0x1b: {  	s9 =	sadd.s32 $0xFFFFFEF7, lr;
	s5 =	simm.s32 $0xFFFFFFFF;
	p2 =	slt.u32 s8, $0xFFFFF086  }
0x1c: {  	p1 =	slt.u32 s9, $0xF7A;
	s5 =	simm.s32 @!p2 $0x0  }
0x1d: {  	s5 =	simm.s32 @p1 $0x1;
	p0 =	seq.s32 s7, s2  }
0x1e: {  	s7 =	smul.u32 @!p0 $0xF7A, s2;
	p2 =	seq.s32 @!p0 s5, $0x0  }
0x1f: {  	s9 =	smul.u32 $0xF7A, s1;
	s8 =	simm.s32 @!p0 $0x1BF5;
	p2 =	por !p2, p0  }
0x20: {  	[sflag:s8] =	ssyncset.s32 @!p0 $0xFFFFF086;
	s6 =	sadd.s32 @!p0 s3, s7;
	s7 =	simm.s32 @!p0 $0x108  }
0x21: {  	s3 =	sadd.s32 s3, s9;
	s6 =	sadd.s32 @!p0 $0x88, s6;
	s7 =	simm.s32 @p2 $0x1082  }
0x22: {  	[simem:s7], [sflag:s8] =	dma.local @!p0 [hbm:s6], $0xF7A  }
0x23: {  	s9 =	sor.u32 $0xD0000000, s2;
	s6 =	simm.s32 $0x108;
	_ =	swait.ge @!p0 [sflag:s8], $0x0  }
0x24: {  	s3 =	sadd.s32 $0x88, s3;
	s6 =	simm.s32 @!p1 $0x1082;
	[sflag:s4] =	ssyncset.s32 $0xFFFFF086  }
0x25: {  	[simem:s6], [sflag:s4] =	dma.local [hbm:s3], $0xF7A  }
0x26: {  	[smem:$0x3F9F] =	sst s1;
	(tag) =	ssettag s2;
	_ =	strace s9  }
0x27: {  	s1 =	sld [smem:$0x3FAF]  }
0x28: {  	s2 =	sld [smem:$0x3FB0]  }
0x29: {  	s4 =	sld [smem:$0x3FB2]  }
0x2a: {  	p0 =	seq.s32 s5, $0x0;
	s5 =	sld [smem:$0x3FB3]  }
0x2b: {  	s6 =	sld [smem:$0x3FB4]  }
0x2c: {  	s7 =	sld [smem:$0x3FB5]  }
0x2d: {  	s3 =	simm.s32 $0x108;
	s8 =	sld [smem:$0x3FB6]  }
0x2e: {  	s3 =	simm.s32 @!p0 $0x1082;
	s9 =	sld [smem:$0x3FB7]  }
0x2f: {  	lr =	sadd.s32 s0, s3;
	s0 =	sld [smem:$0x3FAE]  }
0x30: {  	s3 =	sld [smem:$0x3FB1]  }
0x31: {  	[smem:$0x3FBA] =	sst s10  }
0x32: {  	s10 =	sld [smem:$0x3FB8];
	_ =	sdelay $0x3  }
0x33: {  	p0 =	seq.s32 s10, $0x1;
	s10 =	sld [smem:$0x3FBA];
	_ =	sdelay $0x3  }
0x34: {  	[smem:$0x3FBA] =	sst s10  }
0x35: {  	s10 =	sld [smem:$0x3FB9];
	_ =	sdelay $0x3  }
0x36: {  	p1 =	seq.s32 s10, $0x1;
	s10 =	sld [smem:$0x3FBA];
	_ =	sdelay $0x3  }
0x37: {  	[smem:$0x3FBA] =	sst s10  }
0x38: {  	s10 =	sld [smem:$0x3FBB]  }
0x39: {  	_ = 	snop;
	(pc) =	sbr.ind lr, $3  }
0x3a: {  	_ = 	snop  }
0x3b: {  	_ = 	snop  }
0x3c: {  	p2 =	seq.s32 s10, $0x1;
	s10 =	sld [smem:$0x3FBA]  }
0x3d: {  	_ =	shalt  }
0x3e: {  	_ =	shalt  }
0x3f: {  	_ =	shalt  }
0x40: {  	_ =	shalt  }
0x41: {  	_ =	shalt  }
0x42: {  	_ =	shalt  }
0x43: {  	_ =	shalt  }
0x44: {  	_ =	shalt  }
0x45: {  	_ =	shalt  }
0x46: {  	_ =	shalt  }
0x47: {  	_ =	shalt  }
0x48: {  	_ =	shalt  }
0x49: {  	_ =	shalt  }
0x4a: {  	_ =	shalt  }
0x4b: {  	_ =	shalt  }
0x4c: {  	_ =	shalt  }
0x4d: {  	_ =	shalt  }
0x4e: {  	_ =	shalt  }
0x4f: {  	_ =	shalt  }
0x50: {  	_ =	shalt  }
0x51: {  	_ =	shalt  }
0x52: {  	_ =	shalt  }
0x53: {  	_ =	shalt  }
0x54: {  	_ =	shalt  }
0x55: {  	_ =	shalt  }
0x56: {  	_ =	shalt  }
0x57: {  	_ =	shalt  }
0x58: {  	_ =	shalt  }
0x59: {  	_ =	shalt  }
0x5a: {  	_ =	shalt  }
0x5b: {  	_ =	shalt  }
0x5c: {  	_ =	shalt  }
0x5d: {  	_ =	shalt  }
0x5e: {  	_ =	shalt  }
0x5f: {  	_ =	shalt  }
0x60: {  	_ =	shalt  }
0x61: {  	_ =	shalt  }
0x62: {  	_ =	shalt  }
0x63: {  	_ =	shalt  }
0x64: {  	_ =	shalt  }
0x65: {  	_ =	shalt  }
0x66: {  	_ =	shalt  }
0x67: {  	_ =	shalt  }
0x68: {  	_ =	shalt  }
0x69: {  	_ =	shalt  }
0x6a: {  	_ =	shalt  }
0x6b: {  	_ =	shalt  }
0x6c: {  	_ =	shalt  }
0x6d: {  	_ =	shalt  }
0x6e: {  	_ =	shalt  }
0x6f: {  	_ =	shalt  }
0x70: {  	_ =	shalt  }
0x71: {  	_ =	shalt  }
0x72: {  	_ =	shalt  }
0x73: {  	_ =	shalt  }
0x74: {  	_ =	shalt  }
0x75: {  	_ =	shalt  }
0x76: {  	_ =	shalt  }
0x77: {  	_ =	shalt  }
0x78: {  	_ =	shalt  }
0x79: {  	_ =	shalt  }
0x7a: {  	_ =	shalt  }
0x7b: {  	_ =	shalt  }
0x7c: {  	_ =	shalt  }
0x7d: {  	_ =	shalt  }
0x7e: {  	_ =	shalt  }
0x7f: {  	_ =	shalt  }
0x80: {  	_ =	shalt  }
0x81: {  	_ =	shalt  }
0x82: {  	_ =	shalt  }
0x83: {  	_ =	shalt  }
0x84: {  	_ =	shalt  }
0x85: {  	_ =	shalt  }
0x86: {  	_ =	shalt  }
0x87: {  	_ =	shalt  }
.Lfunc_end0:
.L_simem_size_0:
called_computation.1_lowered:
.L_overlay_start_0:
0x88: {  	s2 =	sld [smem:$0x3FD9]  }
0x89: {  	s3 =	sld [smem:$0x3FFE];
	_ =	sdelay $0x1  }
0x8a: {  	s1 =	srdreg.scid  }
0x8b: {  	s0 =	sand.u32 $0x1, s1  }
0x8c: {  	s17 =	sshll.u32 s0, $0xA;
	s2 =	sadd.s32 s3, s2  }
0x8d: {  	s2 =	sadd.s32 s2, s17  }
0x8e: {  	[smem:$0x3FC6] =	sst s2  }
0x8f: {  	_ = 	snop  }
0x90: {  	s2 =	sld [smem:$0x3FD0];
	(tm) =	ssettm $0x1  }
0x91: {  	s18 =	sld [smem:$0x3FFB];
	_ =	sdelay $0x3  }
0x92: {  	_ =	strace s18  }
0x93: {  	s3 =	sld [smem:$0x3FFC];
	_ =	sdelay $0x3  }
0x94: {  	_ =	strace s3  }
0x95: {  	s3 =	sld [smem:$0x3FFD];
	_ =	sdelay $0x3  }
0x96: {  	_ =	strace s3  }
0x97: {  	_ =	strace $0x8FFFFFFF  }
0x98: {  	s19 =	sld [smem:$0x3FDB];
	_ =	sdelay $0x1  }
0x99: {  	s4 =	simm.s32 $_scs_section_size  }
0x9a: {  	s5 =	simm.s32 $_size__tile_overlayer_lowered;
	s6 =	simm.s32 $_tile_overlayer_lowered  }
0x9b: {  	s22 =	simm.s32 $0x1BFF;
	s21 =	sshll.u32 s6, $0x1;
	s3 =	sadd.s32 s4, s19  }
0x9c: {  	s7 =	simm.s32 $0x0;
	s20 =	sshll.u32 s5, $0x1;
	s5 =	sadd.s32 s21, s3  }
0x9d: {  	[timem:s7], [sflag:s22] =	dma.local [hbm:s5], s20  }
0x9e: {  	_ =	swait.ge [sflag:s22], s20  }
0x9f: {  	s4 =	ssub.s32 $0x0, s20;
	[sflag:s22] =	ssyncset.done $0x0  }
0xa0: {  	[sflag:s22] =	ssyncadd.s32 s4;
	_ =	sdelay $0x1  }
0xa1: {  	s23 =	simm.s32 $0x1B8B  }
0xa2: {  	_ =	swait.ge [sflag:s23], $0x1  }
0xa3: {  	[sflag:s23] =	ssyncset.done $0x0  }
0xa4: {  	s25 =	simm.s32 $0x1B8E;
	s24 =	sld [smem:$0x3FFE];
	[sflag:s23] =	ssyncadd.s32 $0xFFFFFFFF  }
0xa5: {  	s26 =	simm.s32 $execute0_lowered;
	[smem:$0x3FD2] =	sst s25  }
0xa6: {  	s5 =	sshll.u32 s26, $0x1;
	_ =	strace $0x80000046;
	[dreg:$0x1] =	wrdreg $0xFFFFFFFF  }
0xa7: {  	s28 =	simm.s32 $_size_execute0_lowered;
	s3 =	sadd.s32 s3, s5;
	[dreg:$0x0] =	wrdreg $0x0  }
0xa8: {  	s5 =	sshll.u32 s28, $0x1;
	[dreg:$0x2] =	wrdreg s3  }
0xa9: {  	[dreg:$0x3] =	wrdreg s5  }
0xaa: {  	[dreg:$0x4] =	wrdreg $0xC0  }
0xab: {  	_ =	task [dreg:s7], $0x5FFFF  }
0xac: {  	[dreg:$0x1] =	wrdreg $0xFFFFFFFF  }
0xad: {  	[dreg:$0x0] =	wrdreg $0x60  }
0xae: {  	[dreg:$0x2] =	wrdreg s24  }
0xaf: {  	[dreg:$0x3] =	wrdreg s2  }
0xb0: {  	[dreg:$0x4] =	wrdreg $0x9  }
0xb1: {  	_ =	task.clear_ibuf [dreg:s7], $0x5FFFF;
	_ =	strace $0x90000046  }
0xb2: {  	s29 =	simm.s32 $0x9;
	_ =	strace $0x80000048  }
0xb3: {  	_ =	swait.ge [sflag:s29], $0x1  }
0xb4: {  	[sflag:s29] =	ssyncadd.s32 $0xFFFFFFFF  }
0xb5: {  	_ =	strace $0x90000048  }
0xb6: {  	_ =	sfence  }
0xb7: {  	s30 =	sld [smem:$0x0];
	_ =	sdelay $0x2  }
0xb8: {  	s31 =	sshll.u32 s1, $0xD;
	s1 =	sshrl.u32 s1, $0x2  }
0xb9: {  	s3 =	sand.u32 $0x4000, s31;
	s1 =	sadd.s32 s1, s30  }
0xba: {  	s0 =	sor.u32 s3, s0;
	s1 =	sshll.u32 s1, $0x11  }
0xbb: {  	s0 =	sor.u32 s1, s0  }
0xbc: {  	s0 =	sadd.s32 $0x8F2B, s0  }
0xbd: {  	[sflag:s0] =	ssyncadd.remote.s32 $0x1  }
0xbe: {  	_ =	sfence.sel $0xFFFF  }
0xbf: {  	[dreg:$0x0] =	wrdreg $0xFFFFFFFF;
	(pc) =	sbr.abs _section_cstart, $3  }
0xc0: {  	[dreg:$0x1] =	wrdreg $0xFFFFFFFF  }
0xc1: {  	_ =	task.clear_ibuf [dreg:s7], $0x2FFFF;
	_ =	strace $0x9FFFFFFF  }
0xc2: {  	(tm) =	ssettm $0x7FFFFFFF  }
0xc3: {  	_ =	shalt  }
tec
execute0_lowered:
.L_overlay_start_1:
0x0: {  	(tag) =	ssettag $0x1  }
0x1: {  	s0 =	rddreg [dreg:$0x0]  }
0x2: {  	s1 =	srdreg.scid;
	s2 =	stileid.u32  }
0x3: {  	s6 =	rddreg [dreg:$0x1];
	s14 =	simm.s32 $0x7;
	s15 =	simm.s32 $0x80  }
0x4: {  	s16 =	simm.s32 $0x6400;
	s17 =	simm.s32 $0xA400;
	s19 =	simm.s32 $0xE400  }
0x5: {  	s20 =	simm.s32 $0x1;
	s21 =	simm.s32 $0x16400;
	s28 =	simm.s32 $0x5  }
0x6: {  	s29 =	simm.s32 $0x4;
	s1 =	sand.u32 $0x1, s1;
	s3 =	sshll.u32 s2, $0x1  }
0x7: {  	s30 =	simm.s32 $0x6;
	s31 =	simm.s32 $0x0;
	s5 =	sor.u32 s1, s3  }
0x8: {  	s2 =	simm.s32 $0x0;
	s4 =	sadd.s32 $0xF42E00, s0;
	s3 =	smul.u32 $0x6400, s5  }
0x9: {  	[smem:$0x7FF] =	sst s2;
	s1 =	ssub.s32 $0x2, s1;
	s7 =	smul.u32 $0x64000, s5  }
0xa: {  	_ =	strace $0x80000047;
	s8 =	sshrl.u32 s1, $0x1;
	s9 =	smul.u32 $0x320000, s5  }
0xb: {  	s5 =	sadd.s32 $0xA00, s0;
	s22 =	ssub.s32 s1, s8;
	s23 =	sshrl.u32 s3, $0x3  }
0xc: {  	s7 =	sadd.s32 s5, s7;
	s24 =	sshrl.u32 s9, $0x3;
	s9 =	sor.u32 $0x100, s3  }
0xd: {  	s10 =	sor.u32 $0x180, s3;
	s13 =	smax.u32 s22, $0x1;
	s1 =	sadd.s32 s6, s23  }
0xe: {  	s25 =	sadd.s32 $0x800, s7;
	[dreg:$0x3] =	wrdreg s1;
	s1 =	sadd.s32 s5, s24  }
0xf: {  	s23 =	simm.s32 $0x12400;
	[dreg:$0x4] =	wrdreg s25;
	s26 =	sadd.s32 $0x63000, s1  }
0x10: {  	s24 =	simm.s32 $0x2;
	s1 =	sadd.s32 $0x63800, s1;
	[dreg:$0x5] =	wrdreg s26  }
0x11: {  	s25 =	simm.s32 $0x1A400;
	[dreg:$0x6] =	wrdreg s1;
	s26 =	simm.s32 $0x3  }
.LBB2_1:
0x12: {  	s0 =	rddreg [dreg:$0x3]  }
0x13: {  	[tilespmem:s2], [sflag:$0x7] =	stream.linear.gather [hbm4b:s0+s2], $0x6400, $0x38;
	[tilespmem:$0x1E400] =	vst v63  }
0x14: {  	_ =	swait.ge [sflag:s14], $0x6400  }
0x15: {  	[sflag:s14] =	ssyncset.done $0x0  }
0x16: {  	[sflag:s14] =	ssyncadd.s32 $0xFFFF9C00  }
0x17: {  	[tilespmem:s16], [sflag:$0x1] =	stream.indirect.gather [hbm4b:s4+s15], $0x80, s2, s15, $0xb8;
	[tilespmem:$0x1E400] =	vst v63  }
0x18: {  	_ = 	snop  }
0x19: {  	[tilespmem:s17], [sflag:$0x2] =	stream.indirect.gather [hbm4b:s4+s15], $0x80, s15, s15, $0xb8;
	[tilespmem:$0x1E400] =	vst v63  }
0x1a: {  	s22 =	simm.s32 $0x100  }
0x1b: {  	[tilespmem:s19], [sflag:$0x3] =	stream.indirect.gather [hbm4b:s4+s15], $0x80, s22, s15, $0xb8;
	[tilespmem:$0x1E400] =	vst v63  }
0x1c: {  	_ =	swait.ge [sflag:s20], $0x4000  }
0x1d: {  	[sflag:s20] =	ssyncset.done $0x0  }
0x1e: {  	s6 =	simm.s32 $0x6600;
	[sflag:s20] =	ssyncadd.s32 $0xFFFFC000  }
0x1f: {  	v0 =	vld [tilespmem:s6+$0x180]  }
0x20: {  	v1 =	vld [tilespmem:s6+$0xFFFFFE80]  }
0x21: {  	v2 =	vld [tilespmem:s6+$0xFFFFFF00]  }
0x22: {  	v3 =	vld [tilespmem:s6+$0xFFFFFF80]  }
0x23: {  	v4 =	vld [tilespmem:s6+$0x0]  }
0x24: {  	v5 =	vld [tilespmem:s6+$0x80];
	v0 =	vmul.f32 $8.000000000e+00, v0  }
0x25: {  	s0 =	simm.s32 $0x16600;
	v6 =	vld [tilespmem:s6+$0x100];
	v1 =	vmul.f32 $8.000000000e+00, v1  }
0x26: {  	v7 =	vld [tilespmem:s6+$0xFFFFFE00];
	v2 =	vmul.f32 $8.000000000e+00, v2;
	[tilespmem:s0+$0x180] =	vst v0  }
0x27: {  	[tilespmem:s0+$0xFFFFFE80] =	vst v1;
	v0 =	vmul.f32 $8.000000000e+00, v3;
	v1 =	vld [tilespmem:s6+$0x190]  }
0x28: {  	[tilespmem:s0+$0xFFFFFF00] =	vst v2;
	v2 =	vmul.f32 $8.000000000e+00, v4;
	v3 =	vld [tilespmem:s6+$0xFFFFFE90]  }
0x29: {  	v4 =	vld [tilespmem:s6+$0xFFFFFF10];
	[tilespmem:s0+$0xFFFFFF80] =	vst v0;
	v0 =	vmul.f32 $8.000000000e+00, v5  }
0x2a: {  	[tilespmem:s0+$0x0] =	vst v2;
	v2 =	vmul.f32 $8.000000000e+00, v6;
	v5 =	vld [tilespmem:s6+$0xFFFFFF90]  }
0x2b: {  	v6 =	vmul.f32 $8.000000000e+00, v7;
	v7 =	vld [tilespmem:s6+$0x10];
	[tilespmem:s0+$0x80] =	vst v0  }
0x2c: {  	[tilespmem:s0+$0x100] =	vst v2;
	v0 =	vld [tilespmem:s6+$0x90];
	v1 =	vmul.f32 $8.000000000e+00, v1  }
0x2d: {  	[tilespmem:s0+$0xFFFFFE00] =	vst v6;
	v2 =	vmul.f32 $8.000000000e+00, v3;
	v3 =	vld [tilespmem:s6+$0x110]  }
0x2e: {  	v6 =	vld [tilespmem:s6+$0xFFFFFE10];
	v4 =	vmul.f32 $8.000000000e+00, v4;
	[tilespmem:s0+$0x190] =	vst v1  }
0x2f: {  	[tilespmem:s0+$0xFFFFFE90] =	vst v2;
	v1 =	vmul.f32 $8.000000000e+00, v5;
	v2 =	vld [tilespmem:s6+$0x1A0]  }
0x30: {  	[tilespmem:s0+$0xFFFFFF10] =	vst v4;
	v4 =	vmul.f32 $8.000000000e+00, v7;
	v5 =	vld [tilespmem:s6+$0xFFFFFEA0]  }
0x31: {  	v7 =	vld [tilespmem:s6+$0xFFFFFF20];
	[tilespmem:s0+$0xFFFFFF90] =	vst v1;
	v0 =	vmul.f32 $8.000000000e+00, v0  }
0x32: {  	[tilespmem:s0+$0x10] =	vst v4;
	v1 =	vld [tilespmem:s6+$0xFFFFFFA0];
	v3 =	vmul.f32 $8.000000000e+00, v3  }
0x33: {  	v4 =	vmul.f32 $8.000000000e+00, v6;
	v6 =	vld [tilespmem:s6+$0x20];
	[tilespmem:s0+$0x90] =	vst v0  }
0x34: {  	v0 =	vld [tilespmem:s6+$0xA0];
	[tilespmem:s0+$0x110] =	vst v3;
	v2 =	vmul.f32 $8.000000000e+00, v2  }
0x35: {  	[tilespmem:s0+$0xFFFFFE10] =	vst v4;
	v3 =	vmul.f32 $8.000000000e+00, v5;
	v4 =	vld [tilespmem:s6+$0x120]  }
0x36: {  	v5 =	vld [tilespmem:s6+$0xFFFFFE20];
	v7 =	vmul.f32 $8.000000000e+00, v7;
	[tilespmem:s0+$0x1A0] =	vst v2  }
0x37: {  	[tilespmem:s0+$0xFFFFFEA0] =	vst v3;
	v1 =	vmul.f32 $8.000000000e+00, v1;
	v3 =	vld [tilespmem:s6+$0x1B0]  }
0x38: {  	[tilespmem:s0+$0xFFFFFF20] =	vst v7;
	v2 =	vmul.f32 $8.000000000e+00, v6;
	v8 =	vld [tilespmem:s6+$0xFFFFFEB0]  }
0x39: {  	v7 =	vld [tilespmem:s6+$0xFFFFFF30];
	[tilespmem:s0+$0xFFFFFFA0] =	vst v1;
	v1 =	vmul.f32 $8.000000000e+00, v0  }
0x3a: {  	[tilespmem:s0+$0x20] =	vst v2;
	v0 =	vld [tilespmem:s6+$0xFFFFFFB0];
	v4 =	vmul.f32 $8.000000000e+00, v4  }
0x3b: {  	v5 =	vmul.f32 $8.000000000e+00, v5;
	v2 =	vld [tilespmem:s6+$0x30];
	[tilespmem:s0+$0xA0] =	vst v1  }
0x3c: {  	v1 =	vld [tilespmem:s6+$0xB0];
	[tilespmem:s0+$0x120] =	vst v4;
	v9 =	vmul.f32 $8.000000000e+00, v3  }
0x3d: {  	[tilespmem:s0+$0xFFFFFE20] =	vst v5;
	v3 =	vld [tilespmem:s6+$0x130];
	v6 =	vmul.f32 $8.000000000e+00, v8  }
0x3e: {  	s1 =	simm.s32 $0x0;
	v4 =	vld [tilespmem:s6+$0xFFFFFE30];
	v5 =	vmul.f32 $8.000000000e+00, v7;
	s6 =	simm.s32 $0x6A00;
	[tilespmem:s0+$0x1B0] =	vst v9  }
.LBB2_2:
0x3f: {  	v7 =	vld [tilespmem:s6+$0x180];
	s1 =	sadd.s32 $0x8, s1;
	[tilespmem:s0+$0xFFFFFEB0] =	vst v6;
	v0 =	vmul.f32 $8.000000000e+00, v0  }
0x40: {  	v6 =	vld [tilespmem:s6+$0xFFFFFE80];
	p0 =	slt.u32 s1, $0x78;
	[tilespmem:s0+$0xFFFFFF30] =	vst v5;
	v2 =	vmul.f32 $8.000000000e+00, v2  }
0x41: {  	v5 =	vld [tilespmem:s6+$0xFFFFFF00];
	[tilespmem:s0+$0xFFFFFFB0] =	vst v0;
	v0 =	vmul.f32 $8.000000000e+00, v1  }
0x42: {  	v1 =	vld [tilespmem:s6+$0xFFFFFF80];
	[tilespmem:s0+$0x30] =	vst v2;
	v2 =	vmul.f32 $8.000000000e+00, v3  }
0x43: {  	v3 =	vld [tilespmem:s6+$0x0];
	v4 =	vmul.f32 $8.000000000e+00, v4;
	[tilespmem:s0+$0xB0] =	vst v0  }
0x44: {  	v0 =	vld [tilespmem:s6+$0x80];
	v7 =	vmul.f32 $8.000000000e+00, v7;
	[tilespmem:s0+$0x130] =	vst v2  }
0x45: {  	v2 =	vmul.f32 $8.000000000e+00, v6;
	v6 =	vld [tilespmem:s6+$0x100];
	[tilespmem:s0+$0xFFFFFE30] =	vst v4;
	s0 =	sadd.s32 $0x400, s0  }
0x46: {  	v4 =	vld [tilespmem:s6+$0xFFFFFE00];
	v5 =	vmul.f32 $8.000000000e+00, v5;
	[tilespmem:s0+$0x180] =	vst v7  }
0x47: {  	[tilespmem:s0+$0xFFFFFE80] =	vst v2;
	v1 =	vmul.f32 $8.000000000e+00, v1;
	v2 =	vld [tilespmem:s6+$0x190]  }
0x48: {  	v7 =	vld [tilespmem:s6+$0xFFFFFE90];
	[tilespmem:s0+$0xFFFFFF00] =	vst v5;
	v3 =	vmul.f32 $8.000000000e+00, v3  }
0x49: {  	v5 =	vld [tilespmem:s6+$0xFFFFFF10];
	[tilespmem:s0+$0xFFFFFF80] =	vst v1;
	v0 =	vmul.f32 $8.000000000e+00, v0  }
0x4a: {  	v1 =	vld [tilespmem:s6+$0xFFFFFF90];
	[tilespmem:s0+$0x0] =	vst v3;
	v3 =	vmul.f32 $8.000000000e+00, v6  }
0x4b: {  	v4 =	vmul.f32 $8.000000000e+00, v4;
	v6 =	vld [tilespmem:s6+$0x10];
	[tilespmem:s0+$0x80] =	vst v0  }
0x4c: {  	v0 =	vld [tilespmem:s6+$0x90];
	[tilespmem:s0+$0x100] =	vst v3;
	v2 =	vmul.f32 $8.000000000e+00, v2  }
0x4d: {  	[tilespmem:s0+$0xFFFFFE00] =	vst v4;
	v3 =	vmul.f32 $8.000000000e+00, v7;
	v4 =	vld [tilespmem:s6+$0x110]  }
0x4e: {  	v7 =	vld [tilespmem:s6+$0xFFFFFE10];
	v5 =	vmul.f32 $8.000000000e+00, v5;
	[tilespmem:s0+$0x190] =	vst v2  }
0x4f: {  	[tilespmem:s0+$0xFFFFFE90] =	vst v3;
	v1 =	vmul.f32 $8.000000000e+00, v1;
	v2 =	vld [tilespmem:s6+$0x1A0]  }
0x50: {  	v3 =	vld [tilespmem:s6+$0xFFFFFEA0];
	[tilespmem:s0+$0xFFFFFF10] =	vst v5;
	v5 =	vmul.f32 $8.000000000e+00, v6  }
0x51: {  	v6 =	vld [tilespmem:s6+$0xFFFFFF20];
	[tilespmem:s0+$0xFFFFFF90] =	vst v1;
	v0 =	vmul.f32 $8.000000000e+00, v0  }
0x52: {  	v1 =	vld [tilespmem:s6+$0xFFFFFFA0];
	[tilespmem:s0+$0x10] =	vst v5;
	v4 =	vmul.f32 $8.000000000e+00, v4  }
0x53: {  	v5 =	vmul.f32 $8.000000000e+00, v7;
	v7 =	vld [tilespmem:s6+$0x20];
	[tilespmem:s0+$0x90] =	vst v0  }
0x54: {  	v0 =	vld [tilespmem:s6+$0xA0];
	[tilespmem:s0+$0x110] =	vst v4;
	v2 =	vmul.f32 $8.000000000e+00, v2  }
0x55: {  	[tilespmem:s0+$0xFFFFFE10] =	vst v5;
	v3 =	vmul.f32 $8.000000000e+00, v3;
	v4 =	vld [tilespmem:s6+$0x120]  }
0x56: {  	v5 =	vld [tilespmem:s6+$0xFFFFFE20];
	v6 =	vmul.f32 $8.000000000e+00, v6;
	[tilespmem:s0+$0x1A0] =	vst v2  }
0x57: {  	[tilespmem:s0+$0xFFFFFEA0] =	vst v3;
	v1 =	vmul.f32 $8.000000000e+00, v1;
	v3 =	vld [tilespmem:s6+$0x1B0]  }
0x58: {  	v8 =	vld [tilespmem:s6+$0xFFFFFEB0];
	[tilespmem:s0+$0xFFFFFF20] =	vst v6;
	v2 =	vmul.f32 $8.000000000e+00, v7  }
0x59: {  	v7 =	vld [tilespmem:s6+$0xFFFFFF30];
	[tilespmem:s0+$0xFFFFFFA0] =	vst v1;
	v1 =	vmul.f32 $8.000000000e+00, v0  }
.Ltmp0:
0x5a: {  	v0 =	vld [tilespmem:s6+$0xFFFFFFB0];
	[tilespmem:s0+$0x20] =	vst v2;
	v4 =	vmul.f32 $8.000000000e+00, v4;
	(pc) =	sbr.rel @p0 .LBB2_2-.Ltmp0, $4  }
0x5b: {  	v5 =	vmul.f32 $8.000000000e+00, v5;
	v2 =	vld [tilespmem:s6+$0x30];
	[tilespmem:s0+$0xA0] =	vst v1  }
0x5c: {  	v1 =	vld [tilespmem:s6+$0xB0];
	[tilespmem:s0+$0x120] =	vst v4;
	v9 =	vmul.f32 $8.000000000e+00, v3  }
0x5d: {  	[tilespmem:s0+$0xFFFFFE20] =	vst v5;
	v6 =	vmul.f32 $8.000000000e+00, v8;
	v3 =	vld [tilespmem:s6+$0x130]  }
0x5e: {  	v4 =	vld [tilespmem:s6+$0xFFFFFE30];
	v5 =	vmul.f32 $8.000000000e+00, v7;
	[tilespmem:s0+$0x1B0] =	vst v9;
	s6 =	sadd.s32 $0x400, s6  }
0x5f: {  	[tilespmem:s0+$0xFFFFFEB0] =	vst v6;
	v0 =	vmul.f32 $8.000000000e+00, v0  }
0x60: {  	[tilespmem:s0+$0xFFFFFF30] =	vst v5;
	v2 =	vmul.f32 $8.000000000e+00, v2  }
0x61: {  	[tilespmem:s0+$0xFFFFFFB0] =	vst v0;
	v0 =	vmul.f32 $8.000000000e+00, v1  }
0x62: {  	[tilespmem:s0+$0x30] =	vst v2;
	v1 =	vmul.f32 $8.000000000e+00, v3  }
0x63: {  	v2 =	vmul.f32 $8.000000000e+00, v4;
	[tilespmem:s0+$0xB0] =	vst v0  }
0x64: {  	[tilespmem:s0+$0x130] =	vst v1  }
0x65: {  	s18 =	simm.s32 $0x0;
	[tilespmem:s0+$0xFFFFFE30] =	vst v2  }
0x66: {  	[hbm4b:s7+s18] =	stream.linear.scatter [tilespmem:s21], [sflag:$0x5], $0x4000, $0x38;
	[tilespmem:$0x1E400] =	vst v63  }
0x67: {  	s22 =	simm.s32 $0x180  }
0x68: {  	[tilespmem:s23], [sflag:$0x4] =	stream.indirect.gather [hbm4b:s4+s15], $0x80, s22, s15, $0xb8;
	[tilespmem:$0x1E400] =	vst v63  }
0x69: {  	_ =	swait.ge [sflag:s24], $0x4000  }
0x6a: {  	[sflag:s24] =	ssyncset.done $0x0  }
0x6b: {  	s0 =	simm.s32 $0x0;
	[sflag:s24] =	ssyncadd.s32 $0xFFFFC000  }
0x6c: {  	v0 =	vld [tilespmem:s0+$0xA7B0]  }
0x6d: {  	v1 =	vld [tilespmem:s0+$0xA400]  }
0x6e: {  	v2 =	vld [tilespmem:s0+$0xA410]  }
0x6f: {  	v3 =	vld [tilespmem:s0+$0xA420]  }
0x70: {  	v4 =	vld [tilespmem:s0+$0xA430]  }
0x71: {  	v5 =	vld [tilespmem:s0+$0xA480];
	v0 =	vmul.f32 $8.000000000e+00, v0  }
0x72: {  	v6 =	vld [tilespmem:s0+$0xA490];
	v1 =	vmul.f32 $8.000000000e+00, v1  }
0x73: {  	v7 =	vld [tilespmem:s0+$0xA4A0];
	v2 =	vmul.f32 $8.000000000e+00, v2;
	[tilespmem:s0+$0x1A7B0] =	vst v0  }
0x74: {  	[tilespmem:s0+$0x1A400] =	vst v1;
	v0 =	vmul.f32 $8.000000000e+00, v3;
	v1 =	vld [tilespmem:s0+$0xA4B0]  }
0x75: {  	[tilespmem:s0+$0x1A410] =	vst v2;
	v2 =	vmul.f32 $8.000000000e+00, v4;
	v3 =	vld [tilespmem:s0+$0xA500]  }
0x76: {  	v4 =	vld [tilespmem:s0+$0xA510];
	[tilespmem:s0+$0x1A420] =	vst v0;
	v0 =	vmul.f32 $8.000000000e+00, v5  }
0x77: {  	[tilespmem:s0+$0x1A430] =	vst v2;
	v2 =	vmul.f32 $8.000000000e+00, v6;
	v5 =	vld [tilespmem:s0+$0xA520]  }
0x78: {  	v6 =	vld [tilespmem:s0+$0xA530];
	[tilespmem:s0+$0x1A480] =	vst v0;
	v0 =	vmul.f32 $8.000000000e+00, v7  }
0x79: {  	[tilespmem:s0+$0x1A490] =	vst v2;
	v2 =	vld [tilespmem:s0+$0xA580];
	v1 =	vmul.f32 $8.000000000e+00, v1  }
0x7a: {  	[tilespmem:s0+$0x1A4A0] =	vst v0;
	v0 =	vmul.f32 $8.000000000e+00, v3;
	v3 =	vld [tilespmem:s0+$0xA590]  }
0x7b: {  	[tilespmem:s0+$0x1A4B0] =	vst v1;
	v1 =	vmul.f32 $8.000000000e+00, v4;
	v4 =	vld [tilespmem:s0+$0xA5A0]  }
0x7c: {  	[tilespmem:s0+$0x1A500] =	vst v0;
	v0 =	vmul.f32 $8.000000000e+00, v5;
	v5 =	vld [tilespmem:s0+$0xA5B0]  }
0x7d: {  	[tilespmem:s0+$0x1A510] =	vst v1;
	v1 =	vmul.f32 $8.000000000e+00, v6;
	v6 =	vld [tilespmem:s0+$0xA600]  }
0x7e: {  	[tilespmem:s0+$0x1A520] =	vst v0;
	v0 =	vmul.f32 $8.000000000e+00, v2;
	v2 =	vld [tilespmem:s0+$0xA610]  }
0x7f: {  	[tilespmem:s0+$0x1A530] =	vst v1;
	v1 =	vmul.f32 $8.000000000e+00, v3;
	v3 =	vld [tilespmem:s0+$0xA620]  }
0x80: {  	[tilespmem:s0+$0x1A580] =	vst v0;
	v0 =	vmul.f32 $8.000000000e+00, v4;
	v4 =	vld [tilespmem:s0+$0xA630]  }
0x81: {  	[tilespmem:s0+$0x1A590] =	vst v1;
	v1 =	vmul.f32 $8.000000000e+00, v5;
	v5 =	vld [tilespmem:s0+$0xA680]  }
0x82: {  	[tilespmem:s0+$0x1A5A0] =	vst v0;
	v0 =	vmul.f32 $8.000000000e+00, v6;
	v6 =	vld [tilespmem:s0+$0xA690]  }
0x83: {  	[tilespmem:s0+$0x1A5B0] =	vst v1;
	v1 =	vmul.f32 $8.000000000e+00, v2;
	v2 =	vld [tilespmem:s0+$0xA6A0]  }
0x84: {  	v7 =	vld [tilespmem:s0+$0xA6B0];
	[tilespmem:s0+$0x1A600] =	vst v0;
	v0 =	vmul.f32 $8.000000000e+00, v3  }
0x85: {  	[tilespmem:s0+$0x1A610] =	vst v1;
	v1 =	vmul.f32 $8.000000000e+00, v4;
	v4 =	vld [tilespmem:s0+$0xA700]  }
0x86: {  	v3 =	vld [tilespmem:s0+$0xA710];
	[tilespmem:s0+$0x1A620] =	vst v0;
	v5 =	vmul.f32 $8.000000000e+00, v5  }
0x87: {  	v0 =	vld [tilespmem:s0+$0xA720];
	[tilespmem:s0+$0x1A630] =	vst v1;
	v6 =	vmul.f32 $8.000000000e+00, v6  }
0x88: {  	v1 =	vld [tilespmem:s0+$0xA730];
	[tilespmem:s0+$0x1A680] =	vst v5;
	v5 =	vmul.f32 $8.000000000e+00, v2  }
0x89: {  	v2 =	vld [tilespmem:s0+$0xA780];
	[tilespmem:s0+$0x1A690] =	vst v6;
	v6 =	vmul.f32 $8.000000000e+00, v7  }
0x8a: {  	s1 =	simm.s32 $0x0;
	s6 =	simm.s32 $0x1000;
	[tilespmem:s0+$0x1A6A0] =	vst v5;
	v5 =	vmul.f32 $8.000000000e+00, v4;
	v4 =	vld [tilespmem:s0+$0xA790]  }
.LBB2_4:
0x8b: {  	s8 =	sshra.s32 s6, $0x2;
	s1 =	sadd.s32 $0x8, s1;
	[tilespmem:s0+$0x1A6B0] =	vst v6;
	v3 =	vmul.f32 $8.000000000e+00, v3;
	v6 =	vld [tilespmem:s0+$0xA7A0]  }
0x8c: {  	v7 =	vld [tilespmem:s8+$0xA7B0];
	p0 =	slt.u32 s1, $0x78;
	[tilespmem:s0+$0x1A700] =	vst v5;
	v0 =	vmul.f32 $8.000000000e+00, v0  }
0x8d: {  	v5 =	vld [tilespmem:s8+$0xA400];
	[tilespmem:s0+$0x1A710] =	vst v3;
	v1 =	vmul.f32 $8.000000000e+00, v1  }
0x8e: {  	v3 =	vld [tilespmem:s8+$0xA410];
	[tilespmem:s0+$0x1A720] =	vst v0;
	v0 =	vmul.f32 $8.000000000e+00, v2  }
0x8f: {  	v2 =	vld [tilespmem:s8+$0xA420];
	[tilespmem:s0+$0x1A730] =	vst v1;
	v1 =	vmul.f32 $8.000000000e+00, v4  }
0x90: {  	v4 =	vld [tilespmem:s8+$0xA430];
	[tilespmem:s0+$0x1A780] =	vst v0;
	v0 =	vmul.f32 $8.000000000e+00, v6  }
0x91: {  	v6 =	vld [tilespmem:s8+$0xA480];
	v7 =	vmul.f32 $8.000000000e+00, v7;
	[tilespmem:s0+$0x1A790] =	vst v1  }
0x92: {  	v1 =	vmul.f32 $8.000000000e+00, v5;
	v5 =	vld [tilespmem:s8+$0xA490];
	[tilespmem:s0+$0x1A7A0] =	vst v0;
	s0 =	smov.u32 s8  }
0x93: {  	v0 =	vmul.f32 $8.000000000e+00, v3;
	v3 =	vld [tilespmem:s0+$0xA4A0];
	[tilespmem:s0+$0x1A7B0] =	vst v7  }
0x94: {  	[tilespmem:s0+$0x1A400] =	vst v1;
	v1 =	vmul.f32 $8.000000000e+00, v2;
	v2 =	vld [tilespmem:s0+$0xA4B0]  }
0x95: {  	[tilespmem:s0+$0x1A410] =	vst v0;
	v0 =	vmul.f32 $8.000000000e+00, v4;
	v4 =	vld [tilespmem:s0+$0xA500]  }
0x96: {  	[tilespmem:s0+$0x1A420] =	vst v1;
	v1 =	vmul.f32 $8.000000000e+00, v6;
	v6 =	vld [tilespmem:s0+$0xA510]  }
0x97: {  	[tilespmem:s0+$0x1A430] =	vst v0;
	v0 =	vmul.f32 $8.000000000e+00, v5;
	v5 =	vld [tilespmem:s0+$0xA520]  }
0x98: {  	[tilespmem:s0+$0x1A480] =	vst v1;
	v1 =	vmul.f32 $8.000000000e+00, v3;
	v3 =	vld [tilespmem:s0+$0xA530]  }
0x99: {  	[tilespmem:s0+$0x1A490] =	vst v0;
	v0 =	vmul.f32 $8.000000000e+00, v2;
	v2 =	vld [tilespmem:s0+$0xA580]  }
0x9a: {  	[tilespmem:s0+$0x1A4A0] =	vst v1;
	v1 =	vmul.f32 $8.000000000e+00, v4;
	v4 =	vld [tilespmem:s0+$0xA590]  }
0x9b: {  	[tilespmem:s0+$0x1A4B0] =	vst v0;
	v0 =	vmul.f32 $8.000000000e+00, v6;
	v6 =	vld [tilespmem:s0+$0xA5A0]  }
0x9c: {  	[tilespmem:s0+$0x1A500] =	vst v1;
	v1 =	vmul.f32 $8.000000000e+00, v5;
	v5 =	vld [tilespmem:s0+$0xA5B0]  }
0x9d: {  	[tilespmem:s0+$0x1A510] =	vst v0;
	v0 =	vmul.f32 $8.000000000e+00, v3;
	v3 =	vld [tilespmem:s0+$0xA600]  }
0x9e: {  	[tilespmem:s0+$0x1A520] =	vst v1;
	v1 =	vmul.f32 $8.000000000e+00, v2;
	v2 =	vld [tilespmem:s0+$0xA610]  }
0x9f: {  	[tilespmem:s0+$0x1A530] =	vst v0;
	v0 =	vmul.f32 $8.000000000e+00, v4;
	v4 =	vld [tilespmem:s0+$0xA620]  }
0xa0: {  	[tilespmem:s0+$0x1A580] =	vst v1;
	v1 =	vmul.f32 $8.000000000e+00, v6;
	v6 =	vld [tilespmem:s0+$0xA630]  }
0xa1: {  	[tilespmem:s0+$0x1A590] =	vst v0;
	v0 =	vmul.f32 $8.000000000e+00, v5;
	v5 =	vld [tilespmem:s0+$0xA680]  }
0xa2: {  	[tilespmem:s0+$0x1A5A0] =	vst v1;
	v1 =	vmul.f32 $8.000000000e+00, v3;
	v7 =	vld [tilespmem:s0+$0xA690]  }
0xa3: {  	[tilespmem:s0+$0x1A5B0] =	vst v0;
	v0 =	vmul.f32 $8.000000000e+00, v2;
	v2 =	vld [tilespmem:s0+$0xA6A0]  }
0xa4: {  	[tilespmem:s0+$0x1A600] =	vst v1;
	v1 =	vmul.f32 $8.000000000e+00, v4;
	v4 =	vld [tilespmem:s0+$0xA6B0]  }
0xa5: {  	[tilespmem:s0+$0x1A610] =	vst v0;
	v0 =	vmul.f32 $8.000000000e+00, v6;
	v8 =	vld [tilespmem:s0+$0xA700]  }
.Ltmp1:
0xa6: {  	[tilespmem:s0+$0x1A620] =	vst v1;
	v1 =	vmul.f32 $8.000000000e+00, v5;
	v3 =	vld [tilespmem:s0+$0xA710];
	(pc) =	sbr.rel @p0 .LBB2_4-.Ltmp1, $4  }
0xa7: {  	[tilespmem:s0+$0x1A630] =	vst v0;
	v5 =	vmul.f32 $8.000000000e+00, v7;
	v0 =	vld [tilespmem:s0+$0xA720]  }
0xa8: {  	[tilespmem:s0+$0x1A680] =	vst v1;
	v7 =	vmul.f32 $8.000000000e+00, v2;
	v1 =	vld [tilespmem:s0+$0xA730]  }
0xa9: {  	[tilespmem:s0+$0x1A690] =	vst v5;
	v6 =	vmul.f32 $8.000000000e+00, v4;
	v2 =	vld [tilespmem:s0+$0xA780]  }
0xaa: {  	s6 =	sadd.s32 $0x1000, s6;
	[tilespmem:s0+$0x1A6A0] =	vst v7;
	v5 =	vmul.f32 $8.000000000e+00, v8;
	v4 =	vld [tilespmem:s0+$0xA790]  }
0xab: {  	[tilespmem:s0+$0x1A6B0] =	vst v6;
	v3 =	vmul.f32 $8.000000000e+00, v3;
	v60 =	vld [tilespmem:s0+$0xA7A0]  }
0xac: {  	[tilespmem:s0+$0x1A700] =	vst v5;
	v0 =	vmul.f32 $8.000000000e+00, v0  }
0xad: {  	[tilespmem:s0+$0x1A710] =	vst v3;
	v1 =	vmul.f32 $8.000000000e+00, v1  }
0xae: {  	[tilespmem:s0+$0x1A720] =	vst v0;
	v61 =	vmul.f32 $8.000000000e+00, v2  }
0xaf: {  	[tilespmem:s0+$0x1A730] =	vst v1;
	v62 =	vmul.f32 $8.000000000e+00, v4  }
0xb0: {  	[tilespmem:s0+$0x1A780] =	vst v61;
	v63 =	vmul.f32 $8.000000000e+00, v60  }
0xb1: {  	[tilespmem:s0+$0x1A790] =	vst v62  }
0xb2: {  	[tilespmem:s0+$0x1A7A0] =	vst v63  }
0xb3: {  	s1 =	simm.s32 $0x0;
	s0 =	rddreg [dreg:$0x4]  }
0xb4: {  	[hbm4b:s0+s1] =	stream.linear.scatter [tilespmem:s25], [sflag:$0x6], $0x4000, $0x38;
	[tilespmem:$0x1E400] =	vst v63  }
.LBB2_6:
0xb5: {  	s22 =	sshll.u32 s1, $0x9  }
0xb6: {  	s0 =	sadd.s32 $0x200, s22  }
0xb7: {  	[tilespmem:s16], [sflag:$0x1] =	stream.indirect.gather [hbm4b:s4+s15], $0x80, s0, s15, $0xb8;
	[tilespmem:$0x1E400] =	vst v63  }
0xb8: {  	_ =	swait.ge [sflag:s26], $0x4000  }
0xb9: {  	[sflag:s26] =	ssyncset.done $0x0  }
0xba: {  	[sflag:s26] =	ssyncadd.s32 $0xFFFFC000  }
0xbb: {  	_ =	swait.ge [sflag:s28], $0x4000  }
0xbc: {  	[sflag:s28] =	ssyncset.done $0x0  }
0xbd: {  	s18 =	simm.s32 $0x0;
	[sflag:s28] =	ssyncadd.s32 $0xFFFFC000  }
0xbe: {  	v0 =	vld [tilespmem:s18+$0xE7B0]  }
0xbf: {  	v1 =	vld [tilespmem:s18+$0xE400]  }
0xc0: {  	v2 =	vld [tilespmem:s18+$0xE410]  }
0xc1: {  	v3 =	vld [tilespmem:s18+$0xE420]  }
0xc2: {  	v4 =	vld [tilespmem:s18+$0xE430]  }
0xc3: {  	v5 =	vld [tilespmem:s18+$0xE480];
	v0 =	vmul.f32 $8.000000000e+00, v0  }
0xc4: {  	v6 =	vld [tilespmem:s18+$0xE490];
	v1 =	vmul.f32 $8.000000000e+00, v1  }
0xc5: {  	v7 =	vld [tilespmem:s18+$0xE4A0];
	v2 =	vmul.f32 $8.000000000e+00, v2;
	[tilespmem:s18+$0x167B0] =	vst v0  }
0xc6: {  	[tilespmem:s18+$0x16400] =	vst v1;
	v0 =	vmul.f32 $8.000000000e+00, v3;
	v1 =	vld [tilespmem:s18+$0xE4B0]  }
0xc7: {  	[tilespmem:s18+$0x16410] =	vst v2;
	v2 =	vmul.f32 $8.000000000e+00, v4;
	v3 =	vld [tilespmem:s18+$0xE500]  }
0xc8: {  	v4 =	vld [tilespmem:s18+$0xE510];
	[tilespmem:s18+$0x16420] =	vst v0;
	v0 =	vmul.f32 $8.000000000e+00, v5  }
0xc9: {  	[tilespmem:s18+$0x16430] =	vst v2;
	v2 =	vmul.f32 $8.000000000e+00, v6;
	v5 =	vld [tilespmem:s18+$0xE520]  }
0xca: {  	v6 =	vld [tilespmem:s18+$0xE530];
	[tilespmem:s18+$0x16480] =	vst v0;
	v0 =	vmul.f32 $8.000000000e+00, v7  }
0xcb: {  	[tilespmem:s18+$0x16490] =	vst v2;
	v2 =	vld [tilespmem:s18+$0xE580];
	v1 =	vmul.f32 $8.000000000e+00, v1  }
0xcc: {  	[tilespmem:s18+$0x164A0] =	vst v0;
	v0 =	vmul.f32 $8.000000000e+00, v3;
	v3 =	vld [tilespmem:s18+$0xE590]  }
0xcd: {  	[tilespmem:s18+$0x164B0] =	vst v1;
	v1 =	vmul.f32 $8.000000000e+00, v4;
	v4 =	vld [tilespmem:s18+$0xE5A0]  }
0xce: {  	[tilespmem:s18+$0x16500] =	vst v0;
	v0 =	vmul.f32 $8.000000000e+00, v5;
	v5 =	vld [tilespmem:s18+$0xE5B0]  }
0xcf: {  	[tilespmem:s18+$0x16510] =	vst v1;
	v1 =	vmul.f32 $8.000000000e+00, v6;
	v6 =	vld [tilespmem:s18+$0xE600]  }
0xd0: {  	[tilespmem:s18+$0x16520] =	vst v0;
	v0 =	vmul.f32 $8.000000000e+00, v2;
	v2 =	vld [tilespmem:s18+$0xE610]  }
0xd1: {  	[tilespmem:s18+$0x16530] =	vst v1;
	v1 =	vmul.f32 $8.000000000e+00, v3;
	v3 =	vld [tilespmem:s18+$0xE620]  }
0xd2: {  	[tilespmem:s18+$0x16580] =	vst v0;
	v0 =	vmul.f32 $8.000000000e+00, v4;
	v4 =	vld [tilespmem:s18+$0xE630]  }
0xd3: {  	[tilespmem:s18+$0x16590] =	vst v1;
	v1 =	vmul.f32 $8.000000000e+00, v5;
	v5 =	vld [tilespmem:s18+$0xE680]  }
0xd4: {  	[tilespmem:s18+$0x165A0] =	vst v0;
	v0 =	vmul.f32 $8.000000000e+00, v6;
	v6 =	vld [tilespmem:s18+$0xE690]  }
0xd5: {  	[tilespmem:s18+$0x165B0] =	vst v1;
	v1 =	vmul.f32 $8.000000000e+00, v2;
	v2 =	vld [tilespmem:s18+$0xE6A0]  }
0xd6: {  	v7 =	vld [tilespmem:s18+$0xE6B0];
	[tilespmem:s18+$0x16600] =	vst v0;
	v0 =	vmul.f32 $8.000000000e+00, v3  }
0xd7: {  	[tilespmem:s18+$0x16610] =	vst v1;
	v1 =	vmul.f32 $8.000000000e+00, v4;
	v4 =	vld [tilespmem:s18+$0xE700]  }
0xd8: {  	v3 =	vld [tilespmem:s18+$0xE710];
	[tilespmem:s18+$0x16620] =	vst v0;
	v5 =	vmul.f32 $8.000000000e+00, v5  }
0xd9: {  	v0 =	vld [tilespmem:s18+$0xE720];
	[tilespmem:s18+$0x16630] =	vst v1;
	v6 =	vmul.f32 $8.000000000e+00, v6  }
0xda: {  	v1 =	vld [tilespmem:s18+$0xE730];
	[tilespmem:s18+$0x16680] =	vst v5;
	v5 =	vmul.f32 $8.000000000e+00, v2  }
0xdb: {  	v2 =	vld [tilespmem:s18+$0xE780];
	[tilespmem:s18+$0x16690] =	vst v6;
	v6 =	vmul.f32 $8.000000000e+00, v7  }
0xdc: {  	s6 =	simm.s32 $0x0;
	s8 =	simm.s32 $0x1000;
	[tilespmem:s18+$0x166A0] =	vst v5;
	v5 =	vmul.f32 $8.000000000e+00, v4;
	v4 =	vld [tilespmem:s18+$0xE790]  }
.LBB2_7:
0xdd: {  	s11 =	sshra.s32 s8, $0x2;
	s6 =	sadd.s32 $0x8, s6;
	[tilespmem:s18+$0x166B0] =	vst v6;
	v3 =	vmul.f32 $8.000000000e+00, v3;
	v6 =	vld [tilespmem:s18+$0xE7A0]  }
0xde: {  	v7 =	vld [tilespmem:s11+$0xE7B0];
	p0 =	slt.u32 s6, $0x78;
	[tilespmem:s18+$0x16700] =	vst v5;
	v0 =	vmul.f32 $8.000000000e+00, v0  }
0xdf: {  	v5 =	vld [tilespmem:s11+$0xE400];
	[tilespmem:s18+$0x16710] =	vst v3;
	v1 =	vmul.f32 $8.000000000e+00, v1  }
0xe0: {  	v3 =	vld [tilespmem:s11+$0xE410];
	[tilespmem:s18+$0x16720] =	vst v0;
	v0 =	vmul.f32 $8.000000000e+00, v2  }
0xe1: {  	v2 =	vld [tilespmem:s11+$0xE420];
	[tilespmem:s18+$0x16730] =	vst v1;
	v1 =	vmul.f32 $8.000000000e+00, v4  }
0xe2: {  	v4 =	vld [tilespmem:s11+$0xE430];
	[tilespmem:s18+$0x16780] =	vst v0;
	v0 =	vmul.f32 $8.000000000e+00, v6  }
0xe3: {  	v6 =	vld [tilespmem:s11+$0xE480];
	v7 =	vmul.f32 $8.000000000e+00, v7;
	[tilespmem:s18+$0x16790] =	vst v1  }
0xe4: {  	v1 =	vmul.f32 $8.000000000e+00, v5;
	v5 =	vld [tilespmem:s11+$0xE490];
	[tilespmem:s18+$0x167A0] =	vst v0;
	s18 =	smov.u32 s11  }
0xe5: {  	v0 =	vmul.f32 $8.000000000e+00, v3;
	v3 =	vld [tilespmem:s18+$0xE4A0];
	[tilespmem:s18+$0x167B0] =	vst v7  }
0xe6: {  	[tilespmem:s18+$0x16400] =	vst v1;
	v1 =	vmul.f32 $8.000000000e+00, v2;
	v2 =	vld [tilespmem:s18+$0xE4B0]  }
0xe7: {  	[tilespmem:s18+$0x16410] =	vst v0;
	v0 =	vmul.f32 $8.000000000e+00, v4;
	v4 =	vld [tilespmem:s18+$0xE500]  }
0xe8: {  	[tilespmem:s18+$0x16420] =	vst v1;
	v1 =	vmul.f32 $8.000000000e+00, v6;
	v6 =	vld [tilespmem:s18+$0xE510]  }
0xe9: {  	[tilespmem:s18+$0x16430] =	vst v0;
	v0 =	vmul.f32 $8.000000000e+00, v5;
	v5 =	vld [tilespmem:s18+$0xE520]  }
0xea: {  	[tilespmem:s18+$0x16480] =	vst v1;
	v1 =	vmul.f32 $8.000000000e+00, v3;
	v3 =	vld [tilespmem:s18+$0xE530]  }
0xeb: {  	[tilespmem:s18+$0x16490] =	vst v0;
	v0 =	vmul.f32 $8.000000000e+00, v2;
	v2 =	vld [tilespmem:s18+$0xE580]  }
0xec: {  	[tilespmem:s18+$0x164A0] =	vst v1;
	v1 =	vmul.f32 $8.000000000e+00, v4;
	v4 =	vld [tilespmem:s18+$0xE590]  }
0xed: {  	[tilespmem:s18+$0x164B0] =	vst v0;
	v0 =	vmul.f32 $8.000000000e+00, v6;
	v6 =	vld [tilespmem:s18+$0xE5A0]  }
0xee: {  	[tilespmem:s18+$0x16500] =	vst v1;
	v1 =	vmul.f32 $8.000000000e+00, v5;
	v5 =	vld [tilespmem:s18+$0xE5B0]  }
0xef: {  	[tilespmem:s18+$0x16510] =	vst v0;
	v0 =	vmul.f32 $8.000000000e+00, v3;
	v3 =	vld [tilespmem:s18+$0xE600]  }
0xf0: {  	[tilespmem:s18+$0x16520] =	vst v1;
	v1 =	vmul.f32 $8.000000000e+00, v2;
	v2 =	vld [tilespmem:s18+$0xE610]  }
0xf1: {  	[tilespmem:s18+$0x16530] =	vst v0;
	v0 =	vmul.f32 $8.000000000e+00, v4;
	v4 =	vld [tilespmem:s18+$0xE620]  }
0xf2: {  	[tilespmem:s18+$0x16580] =	vst v1;
	v1 =	vmul.f32 $8.000000000e+00, v6;
	v6 =	vld [tilespmem:s18+$0xE630]  }
0xf3: {  	[tilespmem:s18+$0x16590] =	vst v0;
	v0 =	vmul.f32 $8.000000000e+00, v5;
	v5 =	vld [tilespmem:s18+$0xE680]  }
0xf4: {  	[tilespmem:s18+$0x165A0] =	vst v1;
	v1 =	vmul.f32 $8.000000000e+00, v3;
	v7 =	vld [tilespmem:s18+$0xE690]  }
0xf5: {  	[tilespmem:s18+$0x165B0] =	vst v0;
	v0 =	vmul.f32 $8.000000000e+00, v2;
	v2 =	vld [tilespmem:s18+$0xE6A0]  }
0xf6: {  	[tilespmem:s18+$0x16600] =	vst v1;
	v1 =	vmul.f32 $8.000000000e+00, v4;
	v4 =	vld [tilespmem:s18+$0xE6B0]  }
0xf7: {  	[tilespmem:s18+$0x16610] =	vst v0;
	v0 =	vmul.f32 $8.000000000e+00, v6;
	v8 =	vld [tilespmem:s18+$0xE700]  }
.Ltmp2:
0xf8: {  	[tilespmem:s18+$0x16620] =	vst v1;
	v1 =	vmul.f32 $8.000000000e+00, v5;
	v3 =	vld [tilespmem:s18+$0xE710];
	(pc) =	sbr.rel @p0 .LBB2_7-.Ltmp2, $4  }
0xf9: {  	[tilespmem:s18+$0x16630] =	vst v0;
	v5 =	vmul.f32 $8.000000000e+00, v7;
	v0 =	vld [tilespmem:s18+$0xE720]  }
0xfa: {  	[tilespmem:s18+$0x16680] =	vst v1;
	v7 =	vmul.f32 $8.000000000e+00, v2;
	v1 =	vld [tilespmem:s18+$0xE730]  }
0xfb: {  	[tilespmem:s18+$0x16690] =	vst v5;
	v6 =	vmul.f32 $8.000000000e+00, v4;
	v2 =	vld [tilespmem:s18+$0xE780]  }
0xfc: {  	s8 =	sadd.s32 $0x1000, s8;
	[tilespmem:s18+$0x166A0] =	vst v7;
	v5 =	vmul.f32 $8.000000000e+00, v8;
	v4 =	vld [tilespmem:s18+$0xE790]  }
0xfd: {  	[tilespmem:s18+$0x166B0] =	vst v6;
	v3 =	vmul.f32 $8.000000000e+00, v3;
	v6 =	vld [tilespmem:s18+$0xE7A0]  }
0xfe: {  	[tilespmem:s18+$0x16700] =	vst v5;
	v0 =	vmul.f32 $8.000000000e+00, v0  }
0xff: {  	[tilespmem:s18+$0x16710] =	vst v3;
	v1 =	vmul.f32 $8.000000000e+00, v1  }
0x100: {  	[tilespmem:s18+$0x16720] =	vst v0;
	v0 =	vmul.f32 $8.000000000e+00, v2  }
0x101: {  	[tilespmem:s18+$0x16730] =	vst v1;
	v1 =	vmul.f32 $8.000000000e+00, v4  }
0x102: {  	s6 =	sadd.s32 s22, s9;
	[tilespmem:s18+$0x16780] =	vst v0;
	v0 =	vmul.f32 $8.000000000e+00, v6  }
0x103: {  	s6 =	sshll.u32 s6, $0x4;
	[tilespmem:s18+$0x16790] =	vst v1  }
0x104: {  	s8 =	simm.s32 $0x0;
	s6 =	sadd.s32 s5, s6;
	[tilespmem:s18+$0x167A0] =	vst v0  }
0x105: {  	[hbm4b:s6+s8] =	stream.linear.scatter [tilespmem:s21], [sflag:$0x5], $0x4000, $0x38;
	[tilespmem:$0x1E400] =	vst v63  }
0x106: {  	s18 =	sadd.s32 $0x280, s22  }
0x107: {  	[tilespmem:s17], [sflag:$0x2] =	stream.indirect.gather [hbm4b:s4+s15], $0x80, s18, s15, $0xb8;
	[tilespmem:$0x1E400] =	vst v63  }
0x108: {  	_ =	swait.ge [sflag:s29], $0x4000  }
0x109: {  	[sflag:s29] =	ssyncset.done $0x0  }
0x10a: {  	[sflag:s29] =	ssyncadd.s32 $0xFFFFC000  }
0x10b: {  	_ =	swait.ge [sflag:s30], $0x4000  }
0x10c: {  	[sflag:s30] =	ssyncset.done $0x0  }
0x10d: {  	s6 =	simm.s32 $0x0;
	[sflag:s30] =	ssyncadd.s32 $0xFFFFC000  }
0x10e: {  	v0 =	vld [tilespmem:s6+$0x127B0]  }
0x10f: {  	v1 =	vld [tilespmem:s6+$0x12400]  }
0x110: {  	v2 =	vld [tilespmem:s6+$0x12410]  }
0x111: {  	v3 =	vld [tilespmem:s6+$0x12420]  }
0x112: {  	v4 =	vld [tilespmem:s6+$0x12430]  }
0x113: {  	v5 =	vld [tilespmem:s6+$0x12480];
	v0 =	vmul.f32 $8.000000000e+00, v0  }
0x114: {  	v6 =	vld [tilespmem:s6+$0x12490];
	v1 =	vmul.f32 $8.000000000e+00, v1  }
0x115: {  	v7 =	vld [tilespmem:s6+$0x124A0];
	v2 =	vmul.f32 $8.000000000e+00, v2;
	[tilespmem:s6+$0x1A7B0] =	vst v0  }
0x116: {  	[tilespmem:s6+$0x1A400] =	vst v1;
	v0 =	vmul.f32 $8.000000000e+00, v3;
	v1 =	vld [tilespmem:s6+$0x124B0]  }
0x117: {  	[tilespmem:s6+$0x1A410] =	vst v2;
	v2 =	vmul.f32 $8.000000000e+00, v4;
	v3 =	vld [tilespmem:s6+$0x12500]  }
0x118: {  	v4 =	vld [tilespmem:s6+$0x12510];
	[tilespmem:s6+$0x1A420] =	vst v0;
	v0 =	vmul.f32 $8.000000000e+00, v5  }
0x119: {  	[tilespmem:s6+$0x1A430] =	vst v2;
	v2 =	vmul.f32 $8.000000000e+00, v6;
	v5 =	vld [tilespmem:s6+$0x12520]  }
0x11a: {  	v6 =	vld [tilespmem:s6+$0x12530];
	[tilespmem:s6+$0x1A480] =	vst v0;
	v0 =	vmul.f32 $8.000000000e+00, v7  }
0x11b: {  	[tilespmem:s6+$0x1A490] =	vst v2;
	v2 =	vld [tilespmem:s6+$0x12580];
	v1 =	vmul.f32 $8.000000000e+00, v1  }
0x11c: {  	[tilespmem:s6+$0x1A4A0] =	vst v0;
	v0 =	vmul.f32 $8.000000000e+00, v3;
	v3 =	vld [tilespmem:s6+$0x12590]  }
0x11d: {  	[tilespmem:s6+$0x1A4B0] =	vst v1;
	v1 =	vmul.f32 $8.000000000e+00, v4;
	v4 =	vld [tilespmem:s6+$0x125A0]  }
0x11e: {  	[tilespmem:s6+$0x1A500] =	vst v0;
	v0 =	vmul.f32 $8.000000000e+00, v5;
	v5 =	vld [tilespmem:s6+$0x125B0]  }
0x11f: {  	[tilespmem:s6+$0x1A510] =	vst v1;
	v1 =	vmul.f32 $8.000000000e+00, v6;
	v6 =	vld [tilespmem:s6+$0x12600]  }
0x120: {  	[tilespmem:s6+$0x1A520] =	vst v0;
	v0 =	vmul.f32 $8.000000000e+00, v2;
	v2 =	vld [tilespmem:s6+$0x12610]  }
0x121: {  	[tilespmem:s6+$0x1A530] =	vst v1;
	v1 =	vmul.f32 $8.000000000e+00, v3;
	v3 =	vld [tilespmem:s6+$0x12620]  }
0x122: {  	[tilespmem:s6+$0x1A580] =	vst v0;
	v0 =	vmul.f32 $8.000000000e+00, v4;
	v4 =	vld [tilespmem:s6+$0x12630]  }
0x123: {  	[tilespmem:s6+$0x1A590] =	vst v1;
	v1 =	vmul.f32 $8.000000000e+00, v5;
	v5 =	vld [tilespmem:s6+$0x12680]  }
0x124: {  	[tilespmem:s6+$0x1A5A0] =	vst v0;
	v0 =	vmul.f32 $8.000000000e+00, v6;
	v6 =	vld [tilespmem:s6+$0x12690]  }
0x125: {  	[tilespmem:s6+$0x1A5B0] =	vst v1;
	v1 =	vmul.f32 $8.000000000e+00, v2;
	v2 =	vld [tilespmem:s6+$0x126A0]  }
0x126: {  	v7 =	vld [tilespmem:s6+$0x126B0];
	[tilespmem:s6+$0x1A600] =	vst v0;
	v0 =	vmul.f32 $8.000000000e+00, v3  }
0x127: {  	[tilespmem:s6+$0x1A610] =	vst v1;
	v1 =	vmul.f32 $8.000000000e+00, v4;
	v4 =	vld [tilespmem:s6+$0x12700]  }
0x128: {  	v3 =	vld [tilespmem:s6+$0x12710];
	[tilespmem:s6+$0x1A620] =	vst v0;
	v5 =	vmul.f32 $8.000000000e+00, v5  }
0x129: {  	v0 =	vld [tilespmem:s6+$0x12720];
	[tilespmem:s6+$0x1A630] =	vst v1;
	v6 =	vmul.f32 $8.000000000e+00, v6  }
0x12a: {  	v1 =	vld [tilespmem:s6+$0x12730];
	[tilespmem:s6+$0x1A680] =	vst v5;
	v5 =	vmul.f32 $8.000000000e+00, v2  }
0x12b: {  	v2 =	vld [tilespmem:s6+$0x12780];
	[tilespmem:s6+$0x1A690] =	vst v6;
	v6 =	vmul.f32 $8.000000000e+00, v7  }
0x12c: {  	s11 =	simm.s32 $0x1000;
	s8 =	simm.s32 $0x0;
	[tilespmem:s6+$0x1A6A0] =	vst v5;
	v5 =	vmul.f32 $8.000000000e+00, v4;
	v4 =	vld [tilespmem:s6+$0x12790]  }
.LBB2_9:
0x12d: {  	s12 =	sshra.s32 s11, $0x2;
	s8 =	sadd.s32 $0x8, s8;
	[tilespmem:s6+$0x1A6B0] =	vst v6;
	v3 =	vmul.f32 $8.000000000e+00, v3;
	v6 =	vld [tilespmem:s6+$0x127A0]  }
0x12e: {  	v7 =	vld [tilespmem:s12+$0x127B0];
	p0 =	slt.u32 s8, $0x78;
	[tilespmem:s6+$0x1A700] =	vst v5;
	v0 =	vmul.f32 $8.000000000e+00, v0  }
0x12f: {  	v5 =	vld [tilespmem:s12+$0x12400];
	[tilespmem:s6+$0x1A710] =	vst v3;
	v1 =	vmul.f32 $8.000000000e+00, v1  }
0x130: {  	v3 =	vld [tilespmem:s12+$0x12410];
	[tilespmem:s6+$0x1A720] =	vst v0;
	v0 =	vmul.f32 $8.000000000e+00, v2  }
0x131: {  	v2 =	vld [tilespmem:s12+$0x12420];
	[tilespmem:s6+$0x1A730] =	vst v1;
	v1 =	vmul.f32 $8.000000000e+00, v4  }
0x132: {  	v4 =	vld [tilespmem:s12+$0x12430];
	[tilespmem:s6+$0x1A780] =	vst v0;
	v0 =	vmul.f32 $8.000000000e+00, v6  }
0x133: {  	v6 =	vld [tilespmem:s12+$0x12480];
	v7 =	vmul.f32 $8.000000000e+00, v7;
	[tilespmem:s6+$0x1A790] =	vst v1  }
0x134: {  	v1 =	vmul.f32 $8.000000000e+00, v5;
	v5 =	vld [tilespmem:s12+$0x12490];
	[tilespmem:s6+$0x1A7A0] =	vst v0;
	s6 =	smov.u32 s12  }
0x135: {  	v0 =	vmul.f32 $8.000000000e+00, v3;
	v3 =	vld [tilespmem:s6+$0x124A0];
	[tilespmem:s6+$0x1A7B0] =	vst v7  }
0x136: {  	[tilespmem:s6+$0x1A400] =	vst v1;
	v1 =	vmul.f32 $8.000000000e+00, v2;
	v2 =	vld [tilespmem:s6+$0x124B0]  }
0x137: {  	[tilespmem:s6+$0x1A410] =	vst v0;
	v0 =	vmul.f32 $8.000000000e+00, v4;
	v4 =	vld [tilespmem:s6+$0x12500]  }
0x138: {  	[tilespmem:s6+$0x1A420] =	vst v1;
	v1 =	vmul.f32 $8.000000000e+00, v6;
	v6 =	vld [tilespmem:s6+$0x12510]  }
0x139: {  	[tilespmem:s6+$0x1A430] =	vst v0;
	v0 =	vmul.f32 $8.000000000e+00, v5;
	v5 =	vld [tilespmem:s6+$0x12520]  }
0x13a: {  	[tilespmem:s6+$0x1A480] =	vst v1;
	v1 =	vmul.f32 $8.000000000e+00, v3;
	v3 =	vld [tilespmem:s6+$0x12530]  }
0x13b: {  	[tilespmem:s6+$0x1A490] =	vst v0;
	v0 =	vmul.f32 $8.000000000e+00, v2;
	v2 =	vld [tilespmem:s6+$0x12580]  }
0x13c: {  	[tilespmem:s6+$0x1A4A0] =	vst v1;
	v1 =	vmul.f32 $8.000000000e+00, v4;
	v4 =	vld [tilespmem:s6+$0x12590]  }
0x13d: {  	[tilespmem:s6+$0x1A4B0] =	vst v0;
	v0 =	vmul.f32 $8.000000000e+00, v6;
	v6 =	vld [tilespmem:s6+$0x125A0]  }
0x13e: {  	[tilespmem:s6+$0x1A500] =	vst v1;
	v1 =	vmul.f32 $8.000000000e+00, v5;
	v5 =	vld [tilespmem:s6+$0x125B0]  }
0x13f: {  	[tilespmem:s6+$0x1A510] =	vst v0;
	v0 =	vmul.f32 $8.000000000e+00, v3;
	v3 =	vld [tilespmem:s6+$0x12600]  }
0x140: {  	[tilespmem:s6+$0x1A520] =	vst v1;
	v1 =	vmul.f32 $8.000000000e+00, v2;
	v2 =	vld [tilespmem:s6+$0x12610]  }
0x141: {  	[tilespmem:s6+$0x1A530] =	vst v0;
	v0 =	vmul.f32 $8.000000000e+00, v4;
	v4 =	vld [tilespmem:s6+$0x12620]  }
0x142: {  	[tilespmem:s6+$0x1A580] =	vst v1;
	v1 =	vmul.f32 $8.000000000e+00, v6;
	v6 =	vld [tilespmem:s6+$0x12630]  }
0x143: {  	[tilespmem:s6+$0x1A590] =	vst v0;
	v0 =	vmul.f32 $8.000000000e+00, v5;
	v5 =	vld [tilespmem:s6+$0x12680]  }
0x144: {  	[tilespmem:s6+$0x1A5A0] =	vst v1;
	v1 =	vmul.f32 $8.000000000e+00, v3;
	v7 =	vld [tilespmem:s6+$0x12690]  }
0x145: {  	[tilespmem:s6+$0x1A5B0] =	vst v0;
	v0 =	vmul.f32 $8.000000000e+00, v2;
	v2 =	vld [tilespmem:s6+$0x126A0]  }
0x146: {  	[tilespmem:s6+$0x1A600] =	vst v1;
	v1 =	vmul.f32 $8.000000000e+00, v4;
	v4 =	vld [tilespmem:s6+$0x126B0]  }
0x147: {  	[tilespmem:s6+$0x1A610] =	vst v0;
	v0 =	vmul.f32 $8.000000000e+00, v6;
	v8 =	vld [tilespmem:s6+$0x12700]  }
.Ltmp3:
0x148: {  	[tilespmem:s6+$0x1A620] =	vst v1;
	v1 =	vmul.f32 $8.000000000e+00, v5;
	v3 =	vld [tilespmem:s6+$0x12710];
	(pc) =	sbr.rel @p0 .LBB2_9-.Ltmp3, $4  }
0x149: {  	[tilespmem:s6+$0x1A630] =	vst v0;
	v5 =	vmul.f32 $8.000000000e+00, v7;
	v0 =	vld [tilespmem:s6+$0x12720]  }
0x14a: {  	[tilespmem:s6+$0x1A680] =	vst v1;
	v7 =	vmul.f32 $8.000000000e+00, v2;
	v1 =	vld [tilespmem:s6+$0x12730]  }
0x14b: {  	[tilespmem:s6+$0x1A690] =	vst v5;
	v6 =	vmul.f32 $8.000000000e+00, v4;
	v2 =	vld [tilespmem:s6+$0x12780]  }
0x14c: {  	s11 =	sadd.s32 $0x1000, s11;
	[tilespmem:s6+$0x1A6A0] =	vst v7;
	v5 =	vmul.f32 $8.000000000e+00, v8;
	v4 =	vld [tilespmem:s6+$0x12790]  }
0x14d: {  	[tilespmem:s6+$0x1A6B0] =	vst v6;
	v3 =	vmul.f32 $8.000000000e+00, v3;
	v6 =	vld [tilespmem:s6+$0x127A0]  }
0x14e: {  	[tilespmem:s6+$0x1A700] =	vst v5;
	v0 =	vmul.f32 $8.000000000e+00, v0  }
0x14f: {  	[tilespmem:s6+$0x1A710] =	vst v3;
	v1 =	vmul.f32 $8.000000000e+00, v1  }
0x150: {  	[tilespmem:s6+$0x1A720] =	vst v0;
	v0 =	vmul.f32 $8.000000000e+00, v2  }
0x151: {  	[tilespmem:s6+$0x1A730] =	vst v1;
	v1 =	vmul.f32 $8.000000000e+00, v4  }
0x152: {  	s8 =	sadd.s32 s22, s10;
	[tilespmem:s6+$0x1A780] =	vst v0;
	v0 =	vmul.f32 $8.000000000e+00, v6  }
0x153: {  	s8 =	sshll.u32 s8, $0x4;
	[tilespmem:s6+$0x1A790] =	vst v1  }
0x154: {  	s22 =	sand.u32 $0x3FFFFE00, s22;
	s11 =	sadd.s32 s5, s8;
	[tilespmem:s6+$0x1A7A0] =	vst v0  }
0x155: {  	[hbm4b:s11+s2] =	stream.linear.scatter [tilespmem:s25], [sflag:$0x6], $0x4000, $0x38;
	[tilespmem:$0x1E400] =	vst v63  }
0x156: {  	s12 =	sadd.s32 $0x300, s22  }
0x157: {  	[tilespmem:s19], [sflag:$0x3] =	stream.indirect.gather [hbm4b:s4+s15], $0x80, s12, s15, $0xb8;
	[tilespmem:$0x1E400] =	vst v63  }
0x158: {  	_ =	swait.ge [sflag:s20], $0x4000  }
0x159: {  	[sflag:s20] =	ssyncset.done $0x0  }
0x15a: {  	[sflag:s20] =	ssyncadd.s32 $0xFFFFC000  }
0x15b: {  	_ =	swait.ge [sflag:s28], $0x4000  }
0x15c: {  	[sflag:s28] =	ssyncset.done $0x0  }
0x15d: {  	s11 =	simm.s32 $0x6600;
	[sflag:s28] =	ssyncadd.s32 $0xFFFFC000  }
0x15e: {  	v0 =	vld [tilespmem:s11+$0x180]  }
0x15f: {  	v1 =	vld [tilespmem:s11+$0xFFFFFE80]  }
0x160: {  	v2 =	vld [tilespmem:s11+$0xFFFFFF00]  }
0x161: {  	v3 =	vld [tilespmem:s11+$0xFFFFFF80]  }
0x162: {  	v4 =	vld [tilespmem:s11+$0x0]  }
0x163: {  	v5 =	vld [tilespmem:s11+$0x80];
	v0 =	vmul.f32 $8.000000000e+00, v0  }
0x164: {  	s6 =	simm.s32 $0x16600;
	v6 =	vld [tilespmem:s11+$0x100];
	v1 =	vmul.f32 $8.000000000e+00, v1  }
0x165: {  	v7 =	vld [tilespmem:s11+$0xFFFFFE00];
	v2 =	vmul.f32 $8.000000000e+00, v2;
	[tilespmem:s6+$0x180] =	vst v0  }
0x166: {  	[tilespmem:s6+$0xFFFFFE80] =	vst v1;
	v0 =	vmul.f32 $8.000000000e+00, v3;
	v1 =	vld [tilespmem:s11+$0x190]  }
0x167: {  	[tilespmem:s6+$0xFFFFFF00] =	vst v2;
	v2 =	vmul.f32 $8.000000000e+00, v4;
	v3 =	vld [tilespmem:s11+$0xFFFFFE90]  }
0x168: {  	v4 =	vld [tilespmem:s11+$0xFFFFFF10];
	[tilespmem:s6+$0xFFFFFF80] =	vst v0;
	v0 =	vmul.f32 $8.000000000e+00, v5  }
0x169: {  	[tilespmem:s6+$0x0] =	vst v2;
	v2 =	vmul.f32 $8.000000000e+00, v6;
	v5 =	vld [tilespmem:s11+$0xFFFFFF90]  }
0x16a: {  	v6 =	vmul.f32 $8.000000000e+00, v7;
	v7 =	vld [tilespmem:s11+$0x10];
	[tilespmem:s6+$0x80] =	vst v0  }
0x16b: {  	[tilespmem:s6+$0x100] =	vst v2;
	v0 =	vld [tilespmem:s11+$0x90];
	v1 =	vmul.f32 $8.000000000e+00, v1  }
0x16c: {  	[tilespmem:s6+$0xFFFFFE00] =	vst v6;
	v2 =	vmul.f32 $8.000000000e+00, v3;
	v3 =	vld [tilespmem:s11+$0x110]  }
0x16d: {  	v6 =	vld [tilespmem:s11+$0xFFFFFE10];
	v4 =	vmul.f32 $8.000000000e+00, v4;
	[tilespmem:s6+$0x190] =	vst v1  }
0x16e: {  	[tilespmem:s6+$0xFFFFFE90] =	vst v2;
	v1 =	vmul.f32 $8.000000000e+00, v5;
	v2 =	vld [tilespmem:s11+$0x1A0]  }
0x16f: {  	[tilespmem:s6+$0xFFFFFF10] =	vst v4;
	v4 =	vmul.f32 $8.000000000e+00, v7;
	v5 =	vld [tilespmem:s11+$0xFFFFFEA0]  }
0x170: {  	v7 =	vld [tilespmem:s11+$0xFFFFFF20];
	[tilespmem:s6+$0xFFFFFF90] =	vst v1;
	v0 =	vmul.f32 $8.000000000e+00, v0  }
0x171: {  	[tilespmem:s6+$0x10] =	vst v4;
	v1 =	vld [tilespmem:s11+$0xFFFFFFA0];
	v3 =	vmul.f32 $8.000000000e+00, v3  }
0x172: {  	v4 =	vmul.f32 $8.000000000e+00, v6;
	v6 =	vld [tilespmem:s11+$0x20];
	[tilespmem:s6+$0x90] =	vst v0  }
0x173: {  	v0 =	vld [tilespmem:s11+$0xA0];
	[tilespmem:s6+$0x110] =	vst v3;
	v2 =	vmul.f32 $8.000000000e+00, v2  }
0x174: {  	[tilespmem:s6+$0xFFFFFE10] =	vst v4;
	v3 =	vmul.f32 $8.000000000e+00, v5;
	v4 =	vld [tilespmem:s11+$0x120]  }
0x175: {  	v5 =	vld [tilespmem:s11+$0xFFFFFE20];
	v7 =	vmul.f32 $8.000000000e+00, v7;
	[tilespmem:s6+$0x1A0] =	vst v2  }
0x176: {  	[tilespmem:s6+$0xFFFFFEA0] =	vst v3;
	v1 =	vmul.f32 $8.000000000e+00, v1;
	v3 =	vld [tilespmem:s11+$0x1B0]  }
0x177: {  	[tilespmem:s6+$0xFFFFFF20] =	vst v7;
	v2 =	vmul.f32 $8.000000000e+00, v6;
	v8 =	vld [tilespmem:s11+$0xFFFFFEB0]  }
0x178: {  	v7 =	vld [tilespmem:s11+$0xFFFFFF30];
	[tilespmem:s6+$0xFFFFFFA0] =	vst v1;
	v1 =	vmul.f32 $8.000000000e+00, v0  }
0x179: {  	[tilespmem:s6+$0x20] =	vst v2;
	v0 =	vld [tilespmem:s11+$0xFFFFFFB0];
	v4 =	vmul.f32 $8.000000000e+00, v4  }
0x17a: {  	v5 =	vmul.f32 $8.000000000e+00, v5;
	v2 =	vld [tilespmem:s11+$0x30];
	[tilespmem:s6+$0xA0] =	vst v1  }
0x17b: {  	v1 =	vld [tilespmem:s11+$0xB0];
	[tilespmem:s6+$0x120] =	vst v4;
	v9 =	vmul.f32 $8.000000000e+00, v3  }
0x17c: {  	[tilespmem:s6+$0xFFFFFE20] =	vst v5;
	v3 =	vld [tilespmem:s11+$0x130];
	v6 =	vmul.f32 $8.000000000e+00, v8  }
0x17d: {  	s8 =	simm.s32 $0x0;
	v4 =	vld [tilespmem:s11+$0xFFFFFE30];
	v5 =	vmul.f32 $8.000000000e+00, v7;
	s11 =	simm.s32 $0x6A00;
	[tilespmem:s6+$0x1B0] =	vst v9  }
.LBB2_11:
0x17e: {  	v7 =	vld [tilespmem:s11+$0x180];
	s8 =	sadd.s32 $0x8, s8;
	[tilespmem:s6+$0xFFFFFEB0] =	vst v6;
	v0 =	vmul.f32 $8.000000000e+00, v0  }
0x17f: {  	v6 =	vld [tilespmem:s11+$0xFFFFFE80];
	p0 =	slt.u32 s8, $0x78;
	[tilespmem:s6+$0xFFFFFF30] =	vst v5;
	v2 =	vmul.f32 $8.000000000e+00, v2  }
0x180: {  	v5 =	vld [tilespmem:s11+$0xFFFFFF00];
	[tilespmem:s6+$0xFFFFFFB0] =	vst v0;
	v0 =	vmul.f32 $8.000000000e+00, v1  }
0x181: {  	v1 =	vld [tilespmem:s11+$0xFFFFFF80];
	[tilespmem:s6+$0x30] =	vst v2;
	v2 =	vmul.f32 $8.000000000e+00, v3  }
0x182: {  	v3 =	vld [tilespmem:s11+$0x0];
	v4 =	vmul.f32 $8.000000000e+00, v4;
	[tilespmem:s6+$0xB0] =	vst v0  }
0x183: {  	v0 =	vld [tilespmem:s11+$0x80];
	v7 =	vmul.f32 $8.000000000e+00, v7;
	[tilespmem:s6+$0x130] =	vst v2  }
0x184: {  	v2 =	vmul.f32 $8.000000000e+00, v6;
	v6 =	vld [tilespmem:s11+$0x100];
	[tilespmem:s6+$0xFFFFFE30] =	vst v4;
	s6 =	sadd.s32 $0x400, s6  }
0x185: {  	v4 =	vld [tilespmem:s11+$0xFFFFFE00];
	v5 =	vmul.f32 $8.000000000e+00, v5;
	[tilespmem:s6+$0x180] =	vst v7  }
0x186: {  	[tilespmem:s6+$0xFFFFFE80] =	vst v2;
	v1 =	vmul.f32 $8.000000000e+00, v1;
	v2 =	vld [tilespmem:s11+$0x190]  }
0x187: {  	v7 =	vld [tilespmem:s11+$0xFFFFFE90];
	[tilespmem:s6+$0xFFFFFF00] =	vst v5;
	v3 =	vmul.f32 $8.000000000e+00, v3  }
0x188: {  	v5 =	vld [tilespmem:s11+$0xFFFFFF10];
	[tilespmem:s6+$0xFFFFFF80] =	vst v1;
	v0 =	vmul.f32 $8.000000000e+00, v0  }
0x189: {  	v1 =	vld [tilespmem:s11+$0xFFFFFF90];
	[tilespmem:s6+$0x0] =	vst v3;
	v3 =	vmul.f32 $8.000000000e+00, v6  }
0x18a: {  	v4 =	vmul.f32 $8.000000000e+00, v4;
	v6 =	vld [tilespmem:s11+$0x10];
	[tilespmem:s6+$0x80] =	vst v0  }
0x18b: {  	v0 =	vld [tilespmem:s11+$0x90];
	[tilespmem:s6+$0x100] =	vst v3;
	v2 =	vmul.f32 $8.000000000e+00, v2  }
0x18c: {  	[tilespmem:s6+$0xFFFFFE00] =	vst v4;
	v3 =	vmul.f32 $8.000000000e+00, v7;
	v4 =	vld [tilespmem:s11+$0x110]  }
0x18d: {  	v7 =	vld [tilespmem:s11+$0xFFFFFE10];
	v5 =	vmul.f32 $8.000000000e+00, v5;
	[tilespmem:s6+$0x190] =	vst v2  }
0x18e: {  	[tilespmem:s6+$0xFFFFFE90] =	vst v3;
	v1 =	vmul.f32 $8.000000000e+00, v1;
	v2 =	vld [tilespmem:s11+$0x1A0]  }
0x18f: {  	v3 =	vld [tilespmem:s11+$0xFFFFFEA0];
	[tilespmem:s6+$0xFFFFFF10] =	vst v5;
	v5 =	vmul.f32 $8.000000000e+00, v6  }
0x190: {  	v6 =	vld [tilespmem:s11+$0xFFFFFF20];
	[tilespmem:s6+$0xFFFFFF90] =	vst v1;
	v0 =	vmul.f32 $8.000000000e+00, v0  }
0x191: {  	v1 =	vld [tilespmem:s11+$0xFFFFFFA0];
	[tilespmem:s6+$0x10] =	vst v5;
	v4 =	vmul.f32 $8.000000000e+00, v4  }
0x192: {  	v5 =	vmul.f32 $8.000000000e+00, v7;
	v7 =	vld [tilespmem:s11+$0x20];
	[tilespmem:s6+$0x90] =	vst v0  }
0x193: {  	v0 =	vld [tilespmem:s11+$0xA0];
	[tilespmem:s6+$0x110] =	vst v4;
	v2 =	vmul.f32 $8.000000000e+00, v2  }
0x194: {  	[tilespmem:s6+$0xFFFFFE10] =	vst v5;
	v3 =	vmul.f32 $8.000000000e+00, v3;
	v4 =	vld [tilespmem:s11+$0x120]  }
0x195: {  	v5 =	vld [tilespmem:s11+$0xFFFFFE20];
	v6 =	vmul.f32 $8.000000000e+00, v6;
	[tilespmem:s6+$0x1A0] =	vst v2  }
0x196: {  	[tilespmem:s6+$0xFFFFFEA0] =	vst v3;
	v1 =	vmul.f32 $8.000000000e+00, v1;
	v3 =	vld [tilespmem:s11+$0x1B0]  }
0x197: {  	v8 =	vld [tilespmem:s11+$0xFFFFFEB0];
	[tilespmem:s6+$0xFFFFFF20] =	vst v6;
	v2 =	vmul.f32 $8.000000000e+00, v7  }
0x198: {  	v7 =	vld [tilespmem:s11+$0xFFFFFF30];
	[tilespmem:s6+$0xFFFFFFA0] =	vst v1;
	v1 =	vmul.f32 $8.000000000e+00, v0  }
.Ltmp4:
0x199: {  	v0 =	vld [tilespmem:s11+$0xFFFFFFB0];
	[tilespmem:s6+$0x20] =	vst v2;
	v4 =	vmul.f32 $8.000000000e+00, v4;
	(pc) =	sbr.rel @p0 .LBB2_11-.Ltmp4, $4  }
0x19a: {  	v5 =	vmul.f32 $8.000000000e+00, v5;
	v2 =	vld [tilespmem:s11+$0x30];
	[tilespmem:s6+$0xA0] =	vst v1  }
0x19b: {  	v1 =	vld [tilespmem:s11+$0xB0];
	[tilespmem:s6+$0x120] =	vst v4;
	v9 =	vmul.f32 $8.000000000e+00, v3  }
0x19c: {  	[tilespmem:s6+$0xFFFFFE20] =	vst v5;
	v6 =	vmul.f32 $8.000000000e+00, v8;
	v3 =	vld [tilespmem:s11+$0x130]  }
0x19d: {  	v4 =	vld [tilespmem:s11+$0xFFFFFE30];
	v5 =	vmul.f32 $8.000000000e+00, v7;
	[tilespmem:s6+$0x1B0] =	vst v9;
	s11 =	sadd.s32 $0x400, s11  }
0x19e: {  	[tilespmem:s6+$0xFFFFFEB0] =	vst v6;
	v0 =	vmul.f32 $8.000000000e+00, v0  }
0x19f: {  	[tilespmem:s6+$0xFFFFFF30] =	vst v5;
	v2 =	vmul.f32 $8.000000000e+00, v2  }
0x1a0: {  	[tilespmem:s6+$0xFFFFFFB0] =	vst v0;
	v0 =	vmul.f32 $8.000000000e+00, v1  }
0x1a1: {  	[tilespmem:s6+$0x30] =	vst v2;
	v1 =	vmul.f32 $8.000000000e+00, v3  }
0x1a2: {  	s0 =	sadd.s32 s3, s0;
	v2 =	vmul.f32 $8.000000000e+00, v4;
	[tilespmem:s6+$0xB0] =	vst v0  }
0x1a3: {  	s0 =	sshll.u32 s0, $0x4;
	[tilespmem:s6+$0x130] =	vst v1  }
0x1a4: {  	s12 =	simm.s32 $0x0;
	s0 =	sadd.s32 s5, s0;
	[tilespmem:s6+$0xFFFFFE30] =	vst v2  }
0x1a5: {  	[hbm4b:s0+s12] =	stream.linear.scatter [tilespmem:s21], [sflag:$0x5], $0x4000, $0x38;
	[tilespmem:$0x1E400] =	vst v63  }
0x1a6: {  	s22 =	sadd.s32 $0x380, s22  }
0x1a7: {  	[tilespmem:s23], [sflag:$0x4] =	stream.indirect.gather [hbm4b:s4+s15], $0x80, s22, s15, $0xb8;
	[tilespmem:$0x1E400] =	vst v63  }
0x1a8: {  	_ =	swait.ge [sflag:s24], $0x4000  }
0x1a9: {  	[sflag:s24] =	ssyncset.done $0x0  }
0x1aa: {  	[sflag:s24] =	ssyncadd.s32 $0xFFFFC000  }
0x1ab: {  	_ =	swait.ge [sflag:s30], $0x4000  }
0x1ac: {  	[sflag:s30] =	ssyncset.done $0x0  }
0x1ad: {  	s0 =	simm.s32 $0x0;
	[sflag:s30] =	ssyncadd.s32 $0xFFFFC000  }
0x1ae: {  	v0 =	vld [tilespmem:s0+$0xA7B0]  }
0x1af: {  	v1 =	vld [tilespmem:s0+$0xA400]  }
0x1b0: {  	v2 =	vld [tilespmem:s0+$0xA410]  }
0x1b1: {  	v3 =	vld [tilespmem:s0+$0xA420]  }
0x1b2: {  	v4 =	vld [tilespmem:s0+$0xA430]  }
0x1b3: {  	v5 =	vld [tilespmem:s0+$0xA480];
	v0 =	vmul.f32 $8.000000000e+00, v0  }
0x1b4: {  	v6 =	vld [tilespmem:s0+$0xA490];
	v1 =	vmul.f32 $8.000000000e+00, v1  }
0x1b5: {  	v7 =	vld [tilespmem:s0+$0xA4A0];
	v2 =	vmul.f32 $8.000000000e+00, v2;
	[tilespmem:s0+$0x1A7B0] =	vst v0  }
0x1b6: {  	[tilespmem:s0+$0x1A400] =	vst v1;
	v0 =	vmul.f32 $8.000000000e+00, v3;
	v1 =	vld [tilespmem:s0+$0xA4B0]  }
0x1b7: {  	[tilespmem:s0+$0x1A410] =	vst v2;
	v2 =	vmul.f32 $8.000000000e+00, v4;
	v3 =	vld [tilespmem:s0+$0xA500]  }
0x1b8: {  	v4 =	vld [tilespmem:s0+$0xA510];
	[tilespmem:s0+$0x1A420] =	vst v0;
	v0 =	vmul.f32 $8.000000000e+00, v5  }
0x1b9: {  	[tilespmem:s0+$0x1A430] =	vst v2;
	v2 =	vmul.f32 $8.000000000e+00, v6;
	v5 =	vld [tilespmem:s0+$0xA520]  }
0x1ba: {  	v6 =	vld [tilespmem:s0+$0xA530];
	[tilespmem:s0+$0x1A480] =	vst v0;
	v0 =	vmul.f32 $8.000000000e+00, v7  }
0x1bb: {  	[tilespmem:s0+$0x1A490] =	vst v2;
	v2 =	vld [tilespmem:s0+$0xA580];
	v1 =	vmul.f32 $8.000000000e+00, v1  }
0x1bc: {  	[tilespmem:s0+$0x1A4A0] =	vst v0;
	v0 =	vmul.f32 $8.000000000e+00, v3;
	v3 =	vld [tilespmem:s0+$0xA590]  }
0x1bd: {  	[tilespmem:s0+$0x1A4B0] =	vst v1;
	v1 =	vmul.f32 $8.000000000e+00, v4;
	v4 =	vld [tilespmem:s0+$0xA5A0]  }
0x1be: {  	[tilespmem:s0+$0x1A500] =	vst v0;
	v0 =	vmul.f32 $8.000000000e+00, v5;
	v5 =	vld [tilespmem:s0+$0xA5B0]  }
0x1bf: {  	[tilespmem:s0+$0x1A510] =	vst v1;
	v1 =	vmul.f32 $8.000000000e+00, v6;
	v6 =	vld [tilespmem:s0+$0xA600]  }
0x1c0: {  	[tilespmem:s0+$0x1A520] =	vst v0;
	v0 =	vmul.f32 $8.000000000e+00, v2;
	v2 =	vld [tilespmem:s0+$0xA610]  }
0x1c1: {  	[tilespmem:s0+$0x1A530] =	vst v1;
	v1 =	vmul.f32 $8.000000000e+00, v3;
	v3 =	vld [tilespmem:s0+$0xA620]  }
0x1c2: {  	[tilespmem:s0+$0x1A580] =	vst v0;
	v0 =	vmul.f32 $8.000000000e+00, v4;
	v4 =	vld [tilespmem:s0+$0xA630]  }
0x1c3: {  	[tilespmem:s0+$0x1A590] =	vst v1;
	v1 =	vmul.f32 $8.000000000e+00, v5;
	v5 =	vld [tilespmem:s0+$0xA680]  }
0x1c4: {  	[tilespmem:s0+$0x1A5A0] =	vst v0;
	v0 =	vmul.f32 $8.000000000e+00, v6;
	v6 =	vld [tilespmem:s0+$0xA690]  }
0x1c5: {  	[tilespmem:s0+$0x1A5B0] =	vst v1;
	v1 =	vmul.f32 $8.000000000e+00, v2;
	v2 =	vld [tilespmem:s0+$0xA6A0]  }
0x1c6: {  	v7 =	vld [tilespmem:s0+$0xA6B0];
	[tilespmem:s0+$0x1A600] =	vst v0;
	v0 =	vmul.f32 $8.000000000e+00, v3  }
0x1c7: {  	[tilespmem:s0+$0x1A610] =	vst v1;
	v1 =	vmul.f32 $8.000000000e+00, v4;
	v4 =	vld [tilespmem:s0+$0xA700]  }
0x1c8: {  	v3 =	vld [tilespmem:s0+$0xA710];
	[tilespmem:s0+$0x1A620] =	vst v0;
	v5 =	vmul.f32 $8.000000000e+00, v5  }
0x1c9: {  	v0 =	vld [tilespmem:s0+$0xA720];
	[tilespmem:s0+$0x1A630] =	vst v1;
	v6 =	vmul.f32 $8.000000000e+00, v6  }
0x1ca: {  	v1 =	vld [tilespmem:s0+$0xA730];
	[tilespmem:s0+$0x1A680] =	vst v5;
	v5 =	vmul.f32 $8.000000000e+00, v2  }
0x1cb: {  	v2 =	vld [tilespmem:s0+$0xA780];
	[tilespmem:s0+$0x1A690] =	vst v6;
	v6 =	vmul.f32 $8.000000000e+00, v7  }
0x1cc: {  	s8 =	simm.s32 $0x1000;
	s6 =	simm.s32 $0x0;
	[tilespmem:s0+$0x1A6A0] =	vst v5;
	v5 =	vmul.f32 $8.000000000e+00, v4;
	v4 =	vld [tilespmem:s0+$0xA790]  }
.LBB2_13:
0x1cd: {  	s11 =	sshra.s32 s8, $0x2;
	s6 =	sadd.s32 $0x8, s6;
	[tilespmem:s0+$0x1A6B0] =	vst v6;
	v3 =	vmul.f32 $8.000000000e+00, v3;
	v6 =	vld [tilespmem:s0+$0xA7A0]  }
0x1ce: {  	v7 =	vld [tilespmem:s11+$0xA7B0];
	p0 =	slt.u32 s6, $0x78;
	[tilespmem:s0+$0x1A700] =	vst v5;
	v0 =	vmul.f32 $8.000000000e+00, v0  }
0x1cf: {  	v5 =	vld [tilespmem:s11+$0xA400];
	[tilespmem:s0+$0x1A710] =	vst v3;
	v1 =	vmul.f32 $8.000000000e+00, v1  }
0x1d0: {  	v3 =	vld [tilespmem:s11+$0xA410];
	[tilespmem:s0+$0x1A720] =	vst v0;
	v0 =	vmul.f32 $8.000000000e+00, v2  }
0x1d1: {  	v2 =	vld [tilespmem:s11+$0xA420];
	[tilespmem:s0+$0x1A730] =	vst v1;
	v1 =	vmul.f32 $8.000000000e+00, v4  }
0x1d2: {  	v4 =	vld [tilespmem:s11+$0xA430];
	[tilespmem:s0+$0x1A780] =	vst v0;
	v0 =	vmul.f32 $8.000000000e+00, v6  }
0x1d3: {  	v6 =	vld [tilespmem:s11+$0xA480];
	v7 =	vmul.f32 $8.000000000e+00, v7;
	[tilespmem:s0+$0x1A790] =	vst v1  }
0x1d4: {  	v1 =	vmul.f32 $8.000000000e+00, v5;
	v5 =	vld [tilespmem:s11+$0xA490];
	[tilespmem:s0+$0x1A7A0] =	vst v0;
	s0 =	smov.u32 s11  }
0x1d5: {  	v0 =	vmul.f32 $8.000000000e+00, v3;
	v3 =	vld [tilespmem:s0+$0xA4A0];
	[tilespmem:s0+$0x1A7B0] =	vst v7  }
0x1d6: {  	[tilespmem:s0+$0x1A400] =	vst v1;
	v1 =	vmul.f32 $8.000000000e+00, v2;
	v2 =	vld [tilespmem:s0+$0xA4B0]  }
0x1d7: {  	[tilespmem:s0+$0x1A410] =	vst v0;
	v0 =	vmul.f32 $8.000000000e+00, v4;
	v4 =	vld [tilespmem:s0+$0xA500]  }
0x1d8: {  	[tilespmem:s0+$0x1A420] =	vst v1;
	v1 =	vmul.f32 $8.000000000e+00, v6;
	v6 =	vld [tilespmem:s0+$0xA510]  }
0x1d9: {  	[tilespmem:s0+$0x1A430] =	vst v0;
	v0 =	vmul.f32 $8.000000000e+00, v5;
	v5 =	vld [tilespmem:s0+$0xA520]  }
0x1da: {  	[tilespmem:s0+$0x1A480] =	vst v1;
	v1 =	vmul.f32 $8.000000000e+00, v3;
	v3 =	vld [tilespmem:s0+$0xA530]  }
0x1db: {  	[tilespmem:s0+$0x1A490] =	vst v0;
	v0 =	vmul.f32 $8.000000000e+00, v2;
	v2 =	vld [tilespmem:s0+$0xA580]  }
0x1dc: {  	[tilespmem:s0+$0x1A4A0] =	vst v1;
	v1 =	vmul.f32 $8.000000000e+00, v4;
	v4 =	vld [tilespmem:s0+$0xA590]  }
0x1dd: {  	[tilespmem:s0+$0x1A4B0] =	vst v0;
	v0 =	vmul.f32 $8.000000000e+00, v6;
	v6 =	vld [tilespmem:s0+$0xA5A0]  }
0x1de: {  	[tilespmem:s0+$0x1A500] =	vst v1;
	v1 =	vmul.f32 $8.000000000e+00, v5;
	v5 =	vld [tilespmem:s0+$0xA5B0]  }
0x1df: {  	[tilespmem:s0+$0x1A510] =	vst v0;
	v0 =	vmul.f32 $8.000000000e+00, v3;
	v3 =	vld [tilespmem:s0+$0xA600]  }
0x1e0: {  	[tilespmem:s0+$0x1A520] =	vst v1;
	v1 =	vmul.f32 $8.000000000e+00, v2;
	v2 =	vld [tilespmem:s0+$0xA610]  }
0x1e1: {  	[tilespmem:s0+$0x1A530] =	vst v0;
	v0 =	vmul.f32 $8.000000000e+00, v4;
	v4 =	vld [tilespmem:s0+$0xA620]  }
0x1e2: {  	[tilespmem:s0+$0x1A580] =	vst v1;
	v1 =	vmul.f32 $8.000000000e+00, v6;
	v6 =	vld [tilespmem:s0+$0xA630]  }
0x1e3: {  	[tilespmem:s0+$0x1A590] =	vst v0;
	v0 =	vmul.f32 $8.000000000e+00, v5;
	v5 =	vld [tilespmem:s0+$0xA680]  }
0x1e4: {  	[tilespmem:s0+$0x1A5A0] =	vst v1;
	v1 =	vmul.f32 $8.000000000e+00, v3;
	v7 =	vld [tilespmem:s0+$0xA690]  }
0x1e5: {  	[tilespmem:s0+$0x1A5B0] =	vst v0;
	v0 =	vmul.f32 $8.000000000e+00, v2;
	v2 =	vld [tilespmem:s0+$0xA6A0]  }
0x1e6: {  	[tilespmem:s0+$0x1A600] =	vst v1;
	v1 =	vmul.f32 $8.000000000e+00, v4;
	v4 =	vld [tilespmem:s0+$0xA6B0]  }
0x1e7: {  	[tilespmem:s0+$0x1A610] =	vst v0;
	v0 =	vmul.f32 $8.000000000e+00, v6;
	v8 =	vld [tilespmem:s0+$0xA700]  }
.Ltmp5:
0x1e8: {  	[tilespmem:s0+$0x1A620] =	vst v1;
	v1 =	vmul.f32 $8.000000000e+00, v5;
	v3 =	vld [tilespmem:s0+$0xA710];
	(pc) =	sbr.rel @p0 .LBB2_13-.Ltmp5, $4  }
0x1e9: {  	[tilespmem:s0+$0x1A630] =	vst v0;
	v5 =	vmul.f32 $8.000000000e+00, v7;
	v0 =	vld [tilespmem:s0+$0xA720]  }
0x1ea: {  	[tilespmem:s0+$0x1A680] =	vst v1;
	v7 =	vmul.f32 $8.000000000e+00, v2;
	v1 =	vld [tilespmem:s0+$0xA730]  }
0x1eb: {  	[tilespmem:s0+$0x1A690] =	vst v5;
	v6 =	vmul.f32 $8.000000000e+00, v4;
	v2 =	vld [tilespmem:s0+$0xA780]  }
0x1ec: {  	s8 =	sadd.s32 $0x1000, s8;
	[tilespmem:s0+$0x1A6A0] =	vst v7;
	v5 =	vmul.f32 $8.000000000e+00, v8;
	v4 =	vld [tilespmem:s0+$0xA790]  }
0x1ed: {  	[tilespmem:s0+$0x1A6B0] =	vst v6;
	v3 =	vmul.f32 $8.000000000e+00, v3;
	v60 =	vld [tilespmem:s0+$0xA7A0]  }
0x1ee: {  	[tilespmem:s0+$0x1A700] =	vst v5;
	v0 =	vmul.f32 $8.000000000e+00, v0  }
0x1ef: {  	s1 =	sadd.s32 $0x1, s1;
	[tilespmem:s0+$0x1A710] =	vst v3;
	v1 =	vmul.f32 $8.000000000e+00, v1  }
0x1f0: {  	p0 =	sne.s32 s1, $0x31;
	[tilespmem:s0+$0x1A720] =	vst v0;
	v61 =	vmul.f32 $8.000000000e+00, v2  }
.Ltmp6:
0x1f1: {  	[tilespmem:s0+$0x1A730] =	vst v1;
	v62 =	vmul.f32 $8.000000000e+00, v4;
	(pc) =	sbr.rel @p0 .LBB2_6-.Ltmp6, $4  }
0x1f2: {  	s6 =	sadd.s32 s3, s18;
	[tilespmem:s0+$0x1A780] =	vst v61;
	v63 =	vmul.f32 $8.000000000e+00, v60  }
0x1f3: {  	s6 =	sshll.u32 s6, $0x4;
	[tilespmem:s0+$0x1A790] =	vst v62  }
0x1f4: {  	s22 =	sadd.s32 s5, s6;
	[tilespmem:s0+$0x1A7A0] =	vst v63  }
0x1f5: {  	[hbm4b:s22+s2] =	stream.linear.scatter [tilespmem:s25], [sflag:$0x6], $0x4000, $0x38;
	[tilespmem:$0x1E400] =	vst v63  }
0x1f6: {  	_ =	swait.ge [sflag:s26], $0x4000  }
0x1f7: {  	[sflag:s26] =	ssyncset.done $0x0  }
0x1f8: {  	[sflag:s26] =	ssyncadd.s32 $0xFFFFC000  }
0x1f9: {  	_ =	swait.ge [sflag:s28], $0x4000  }
0x1fa: {  	[sflag:s28] =	ssyncset.done $0x0  }
0x1fb: {  	s0 =	simm.s32 $0x0;
	[sflag:s28] =	ssyncadd.s32 $0xFFFFC000  }
0x1fc: {  	v0 =	vld [tilespmem:s0+$0xE7B0]  }
0x1fd: {  	v1 =	vld [tilespmem:s0+$0xE400]  }
0x1fe: {  	v2 =	vld [tilespmem:s0+$0xE410]  }
0x1ff: {  	v3 =	vld [tilespmem:s0+$0xE420]  }
0x200: {  	v4 =	vld [tilespmem:s0+$0xE430]  }
0x201: {  	v5 =	vld [tilespmem:s0+$0xE480];
	v0 =	vmul.f32 $8.000000000e+00, v0  }
0x202: {  	v6 =	vld [tilespmem:s0+$0xE490];
	v1 =	vmul.f32 $8.000000000e+00, v1  }
0x203: {  	v7 =	vld [tilespmem:s0+$0xE4A0];
	v2 =	vmul.f32 $8.000000000e+00, v2;
	[tilespmem:s0+$0x167B0] =	vst v0  }
0x204: {  	[tilespmem:s0+$0x16400] =	vst v1;
	v0 =	vmul.f32 $8.000000000e+00, v3;
	v1 =	vld [tilespmem:s0+$0xE4B0]  }
0x205: {  	[tilespmem:s0+$0x16410] =	vst v2;
	v2 =	vmul.f32 $8.000000000e+00, v4;
	v3 =	vld [tilespmem:s0+$0xE500]  }
0x206: {  	v4 =	vld [tilespmem:s0+$0xE510];
	[tilespmem:s0+$0x16420] =	vst v0;
	v0 =	vmul.f32 $8.000000000e+00, v5  }
0x207: {  	[tilespmem:s0+$0x16430] =	vst v2;
	v2 =	vmul.f32 $8.000000000e+00, v6;
	v5 =	vld [tilespmem:s0+$0xE520]  }
0x208: {  	v6 =	vld [tilespmem:s0+$0xE530];
	[tilespmem:s0+$0x16480] =	vst v0;
	v0 =	vmul.f32 $8.000000000e+00, v7  }
0x209: {  	[tilespmem:s0+$0x16490] =	vst v2;
	v2 =	vld [tilespmem:s0+$0xE580];
	v1 =	vmul.f32 $8.000000000e+00, v1  }
0x20a: {  	[tilespmem:s0+$0x164A0] =	vst v0;
	v0 =	vmul.f32 $8.000000000e+00, v3;
	v3 =	vld [tilespmem:s0+$0xE590]  }
0x20b: {  	[tilespmem:s0+$0x164B0] =	vst v1;
	v1 =	vmul.f32 $8.000000000e+00, v4;
	v4 =	vld [tilespmem:s0+$0xE5A0]  }
0x20c: {  	[tilespmem:s0+$0x16500] =	vst v0;
	v0 =	vmul.f32 $8.000000000e+00, v5;
	v5 =	vld [tilespmem:s0+$0xE5B0]  }
0x20d: {  	[tilespmem:s0+$0x16510] =	vst v1;
	v1 =	vmul.f32 $8.000000000e+00, v6;
	v6 =	vld [tilespmem:s0+$0xE600]  }
0x20e: {  	[tilespmem:s0+$0x16520] =	vst v0;
	v0 =	vmul.f32 $8.000000000e+00, v2;
	v2 =	vld [tilespmem:s0+$0xE610]  }
0x20f: {  	[tilespmem:s0+$0x16530] =	vst v1;
	v1 =	vmul.f32 $8.000000000e+00, v3;
	v3 =	vld [tilespmem:s0+$0xE620]  }
0x210: {  	[tilespmem:s0+$0x16580] =	vst v0;
	v0 =	vmul.f32 $8.000000000e+00, v4;
	v4 =	vld [tilespmem:s0+$0xE630]  }
0x211: {  	[tilespmem:s0+$0x16590] =	vst v1;
	v1 =	vmul.f32 $8.000000000e+00, v5;
	v5 =	vld [tilespmem:s0+$0xE680]  }
0x212: {  	[tilespmem:s0+$0x165A0] =	vst v0;
	v0 =	vmul.f32 $8.000000000e+00, v6;
	v6 =	vld [tilespmem:s0+$0xE690]  }
0x213: {  	[tilespmem:s0+$0x165B0] =	vst v1;
	v1 =	vmul.f32 $8.000000000e+00, v2;
	v2 =	vld [tilespmem:s0+$0xE6A0]  }
0x214: {  	v7 =	vld [tilespmem:s0+$0xE6B0];
	[tilespmem:s0+$0x16600] =	vst v0;
	v0 =	vmul.f32 $8.000000000e+00, v3  }
0x215: {  	[tilespmem:s0+$0x16610] =	vst v1;
	v1 =	vmul.f32 $8.000000000e+00, v4;
	v4 =	vld [tilespmem:s0+$0xE700]  }
0x216: {  	v3 =	vld [tilespmem:s0+$0xE710];
	[tilespmem:s0+$0x16620] =	vst v0;
	v5 =	vmul.f32 $8.000000000e+00, v5  }
0x217: {  	v0 =	vld [tilespmem:s0+$0xE720];
	[tilespmem:s0+$0x16630] =	vst v1;
	v6 =	vmul.f32 $8.000000000e+00, v6  }
0x218: {  	v1 =	vld [tilespmem:s0+$0xE730];
	[tilespmem:s0+$0x16680] =	vst v5;
	v5 =	vmul.f32 $8.000000000e+00, v2  }
0x219: {  	v2 =	vld [tilespmem:s0+$0xE780];
	[tilespmem:s0+$0x16690] =	vst v6;
	v6 =	vmul.f32 $8.000000000e+00, v7  }
0x21a: {  	s1 =	simm.s32 $0x0;
	s6 =	simm.s32 $0x1000;
	[tilespmem:s0+$0x166A0] =	vst v5;
	v5 =	vmul.f32 $8.000000000e+00, v4;
	v4 =	vld [tilespmem:s0+$0xE790]  }
.LBB2_16:
0x21b: {  	s8 =	sshra.s32 s6, $0x2;
	s1 =	sadd.s32 $0x8, s1;
	[tilespmem:s0+$0x166B0] =	vst v6;
	v3 =	vmul.f32 $8.000000000e+00, v3;
	v6 =	vld [tilespmem:s0+$0xE7A0]  }
0x21c: {  	v7 =	vld [tilespmem:s8+$0xE7B0];
	p0 =	slt.u32 s1, $0x78;
	[tilespmem:s0+$0x16700] =	vst v5;
	v0 =	vmul.f32 $8.000000000e+00, v0  }
0x21d: {  	v5 =	vld [tilespmem:s8+$0xE400];
	[tilespmem:s0+$0x16710] =	vst v3;
	v1 =	vmul.f32 $8.000000000e+00, v1  }
0x21e: {  	v3 =	vld [tilespmem:s8+$0xE410];
	[tilespmem:s0+$0x16720] =	vst v0;
	v0 =	vmul.f32 $8.000000000e+00, v2  }
0x21f: {  	v2 =	vld [tilespmem:s8+$0xE420];
	[tilespmem:s0+$0x16730] =	vst v1;
	v1 =	vmul.f32 $8.000000000e+00, v4  }
0x220: {  	v4 =	vld [tilespmem:s8+$0xE430];
	[tilespmem:s0+$0x16780] =	vst v0;
	v0 =	vmul.f32 $8.000000000e+00, v6  }
0x221: {  	v6 =	vld [tilespmem:s8+$0xE480];
	v7 =	vmul.f32 $8.000000000e+00, v7;
	[tilespmem:s0+$0x16790] =	vst v1  }
0x222: {  	v1 =	vmul.f32 $8.000000000e+00, v5;
	v5 =	vld [tilespmem:s8+$0xE490];
	[tilespmem:s0+$0x167A0] =	vst v0;
	s0 =	smov.u32 s8  }
0x223: {  	v0 =	vmul.f32 $8.000000000e+00, v3;
	v3 =	vld [tilespmem:s0+$0xE4A0];
	[tilespmem:s0+$0x167B0] =	vst v7  }
0x224: {  	[tilespmem:s0+$0x16400] =	vst v1;
	v1 =	vmul.f32 $8.000000000e+00, v2;
	v2 =	vld [tilespmem:s0+$0xE4B0]  }
0x225: {  	[tilespmem:s0+$0x16410] =	vst v0;
	v0 =	vmul.f32 $8.000000000e+00, v4;
	v4 =	vld [tilespmem:s0+$0xE500]  }
0x226: {  	[tilespmem:s0+$0x16420] =	vst v1;
	v1 =	vmul.f32 $8.000000000e+00, v6;
	v6 =	vld [tilespmem:s0+$0xE510]  }
0x227: {  	[tilespmem:s0+$0x16430] =	vst v0;
	v0 =	vmul.f32 $8.000000000e+00, v5;
	v5 =	vld [tilespmem:s0+$0xE520]  }
0x228: {  	[tilespmem:s0+$0x16480] =	vst v1;
	v1 =	vmul.f32 $8.000000000e+00, v3;
	v3 =	vld [tilespmem:s0+$0xE530]  }
0x229: {  	[tilespmem:s0+$0x16490] =	vst v0;
	v0 =	vmul.f32 $8.000000000e+00, v2;
	v2 =	vld [tilespmem:s0+$0xE580]  }
0x22a: {  	[tilespmem:s0+$0x164A0] =	vst v1;
	v1 =	vmul.f32 $8.000000000e+00, v4;
	v4 =	vld [tilespmem:s0+$0xE590]  }
0x22b: {  	[tilespmem:s0+$0x164B0] =	vst v0;
	v0 =	vmul.f32 $8.000000000e+00, v6;
	v6 =	vld [tilespmem:s0+$0xE5A0]  }
0x22c: {  	[tilespmem:s0+$0x16500] =	vst v1;
	v1 =	vmul.f32 $8.000000000e+00, v5;
	v5 =	vld [tilespmem:s0+$0xE5B0]  }
0x22d: {  	[tilespmem:s0+$0x16510] =	vst v0;
	v0 =	vmul.f32 $8.000000000e+00, v3;
	v3 =	vld [tilespmem:s0+$0xE600]  }
0x22e: {  	[tilespmem:s0+$0x16520] =	vst v1;
	v1 =	vmul.f32 $8.000000000e+00, v2;
	v2 =	vld [tilespmem:s0+$0xE610]  }
0x22f: {  	[tilespmem:s0+$0x16530] =	vst v0;
	v0 =	vmul.f32 $8.000000000e+00, v4;
	v4 =	vld [tilespmem:s0+$0xE620]  }
0x230: {  	[tilespmem:s0+$0x16580] =	vst v1;
	v1 =	vmul.f32 $8.000000000e+00, v6;
	v6 =	vld [tilespmem:s0+$0xE630]  }
0x231: {  	[tilespmem:s0+$0x16590] =	vst v0;
	v0 =	vmul.f32 $8.000000000e+00, v5;
	v5 =	vld [tilespmem:s0+$0xE680]  }
0x232: {  	[tilespmem:s0+$0x165A0] =	vst v1;
	v1 =	vmul.f32 $8.000000000e+00, v3;
	v7 =	vld [tilespmem:s0+$0xE690]  }
0x233: {  	[tilespmem:s0+$0x165B0] =	vst v0;
	v0 =	vmul.f32 $8.000000000e+00, v2;
	v2 =	vld [tilespmem:s0+$0xE6A0]  }
0x234: {  	[tilespmem:s0+$0x16600] =	vst v1;
	v1 =	vmul.f32 $8.000000000e+00, v4;
	v4 =	vld [tilespmem:s0+$0xE6B0]  }
0x235: {  	[tilespmem:s0+$0x16610] =	vst v0;
	v0 =	vmul.f32 $8.000000000e+00, v6;
	v8 =	vld [tilespmem:s0+$0xE700]  }
.Ltmp7:
0x236: {  	[tilespmem:s0+$0x16620] =	vst v1;
	v1 =	vmul.f32 $8.000000000e+00, v5;
	v3 =	vld [tilespmem:s0+$0xE710];
	(pc) =	sbr.rel @p0 .LBB2_16-.Ltmp7, $4  }
0x237: {  	[tilespmem:s0+$0x16630] =	vst v0;
	v5 =	vmul.f32 $8.000000000e+00, v7;
	v0 =	vld [tilespmem:s0+$0xE720]  }
0x238: {  	[tilespmem:s0+$0x16680] =	vst v1;
	v7 =	vmul.f32 $8.000000000e+00, v2;
	v1 =	vld [tilespmem:s0+$0xE730]  }
0x239: {  	[tilespmem:s0+$0x16690] =	vst v5;
	v6 =	vmul.f32 $8.000000000e+00, v4;
	v2 =	vld [tilespmem:s0+$0xE780]  }
0x23a: {  	s6 =	sadd.s32 $0x1000, s6;
	[tilespmem:s0+$0x166A0] =	vst v7;
	v5 =	vmul.f32 $8.000000000e+00, v8;
	v4 =	vld [tilespmem:s0+$0xE790]  }
0x23b: {  	[tilespmem:s0+$0x166B0] =	vst v6;
	v3 =	vmul.f32 $8.000000000e+00, v3;
	v6 =	vld [tilespmem:s0+$0xE7A0]  }
0x23c: {  	[tilespmem:s0+$0x16700] =	vst v5;
	v0 =	vmul.f32 $8.000000000e+00, v0  }
0x23d: {  	[tilespmem:s0+$0x16710] =	vst v3;
	v1 =	vmul.f32 $8.000000000e+00, v1  }
0x23e: {  	[tilespmem:s0+$0x16720] =	vst v0;
	v0 =	vmul.f32 $8.000000000e+00, v2  }
0x23f: {  	[tilespmem:s0+$0x16730] =	vst v1;
	v1 =	vmul.f32 $8.000000000e+00, v4  }
0x240: {  	[tilespmem:s0+$0x16780] =	vst v0;
	v0 =	vmul.f32 $8.000000000e+00, v6  }
0x241: {  	[tilespmem:s0+$0x16790] =	vst v1  }
0x242: {  	[tilespmem:s0+$0x167A0] =	vst v0  }
0x243: {  	s22 =	simm.s32 $0x0;
	s1 =	rddreg [dreg:$0x5]  }
0x244: {  	[hbm4b:s1+s22] =	stream.linear.scatter [tilespmem:s21], [sflag:$0x5], $0x4000, $0x38;
	[tilespmem:$0x1E400] =	vst v63  }
0x245: {  	_ =	swait.ge [sflag:s29], $0x4000  }
0x246: {  	[sflag:s29] =	ssyncset.done $0x0  }
0x247: {  	[sflag:s29] =	ssyncadd.s32 $0xFFFFC000  }
0x248: {  	_ =	swait.ge [sflag:s30], $0x4000  }
0x249: {  	[sflag:s30] =	ssyncset.done $0x0  }
0x24a: {  	s0 =	simm.s32 $0x0;
	[sflag:s30] =	ssyncadd.s32 $0xFFFFC000  }
0x24b: {  	v0 =	vld [tilespmem:s0+$0x127B0]  }
0x24c: {  	v1 =	vld [tilespmem:s0+$0x12400]  }
0x24d: {  	v2 =	vld [tilespmem:s0+$0x12410]  }
0x24e: {  	v3 =	vld [tilespmem:s0+$0x12420]  }
0x24f: {  	v4 =	vld [tilespmem:s0+$0x12430]  }
0x250: {  	v5 =	vld [tilespmem:s0+$0x12480];
	v0 =	vmul.f32 $8.000000000e+00, v0  }
0x251: {  	v6 =	vld [tilespmem:s0+$0x12490];
	v1 =	vmul.f32 $8.000000000e+00, v1  }
0x252: {  	v7 =	vld [tilespmem:s0+$0x124A0];
	v2 =	vmul.f32 $8.000000000e+00, v2;
	[tilespmem:s0+$0x1A7B0] =	vst v0  }
0x253: {  	[tilespmem:s0+$0x1A400] =	vst v1;
	v0 =	vmul.f32 $8.000000000e+00, v3;
	v1 =	vld [tilespmem:s0+$0x124B0]  }
0x254: {  	[tilespmem:s0+$0x1A410] =	vst v2;
	v2 =	vmul.f32 $8.000000000e+00, v4;
	v3 =	vld [tilespmem:s0+$0x12500]  }
0x255: {  	v4 =	vld [tilespmem:s0+$0x12510];
	[tilespmem:s0+$0x1A420] =	vst v0;
	v0 =	vmul.f32 $8.000000000e+00, v5  }
0x256: {  	[tilespmem:s0+$0x1A430] =	vst v2;
	v2 =	vmul.f32 $8.000000000e+00, v6;
	v5 =	vld [tilespmem:s0+$0x12520]  }
0x257: {  	v6 =	vld [tilespmem:s0+$0x12530];
	[tilespmem:s0+$0x1A480] =	vst v0;
	v0 =	vmul.f32 $8.000000000e+00, v7  }
0x258: {  	[tilespmem:s0+$0x1A490] =	vst v2;
	v2 =	vld [tilespmem:s0+$0x12580];
	v1 =	vmul.f32 $8.000000000e+00, v1  }
0x259: {  	[tilespmem:s0+$0x1A4A0] =	vst v0;
	v0 =	vmul.f32 $8.000000000e+00, v3;
	v3 =	vld [tilespmem:s0+$0x12590]  }
0x25a: {  	[tilespmem:s0+$0x1A4B0] =	vst v1;
	v1 =	vmul.f32 $8.000000000e+00, v4;
	v4 =	vld [tilespmem:s0+$0x125A0]  }
0x25b: {  	[tilespmem:s0+$0x1A500] =	vst v0;
	v0 =	vmul.f32 $8.000000000e+00, v5;
	v5 =	vld [tilespmem:s0+$0x125B0]  }
0x25c: {  	[tilespmem:s0+$0x1A510] =	vst v1;
	v1 =	vmul.f32 $8.000000000e+00, v6;
	v6 =	vld [tilespmem:s0+$0x12600]  }
0x25d: {  	[tilespmem:s0+$0x1A520] =	vst v0;
	v0 =	vmul.f32 $8.000000000e+00, v2;
	v2 =	vld [tilespmem:s0+$0x12610]  }
0x25e: {  	[tilespmem:s0+$0x1A530] =	vst v1;
	v1 =	vmul.f32 $8.000000000e+00, v3;
	v3 =	vld [tilespmem:s0+$0x12620]  }
0x25f: {  	[tilespmem:s0+$0x1A580] =	vst v0;
	v0 =	vmul.f32 $8.000000000e+00, v4;
	v4 =	vld [tilespmem:s0+$0x12630]  }
0x260: {  	[tilespmem:s0+$0x1A590] =	vst v1;
	v1 =	vmul.f32 $8.000000000e+00, v5;
	v5 =	vld [tilespmem:s0+$0x12680]  }
0x261: {  	[tilespmem:s0+$0x1A5A0] =	vst v0;
	v0 =	vmul.f32 $8.000000000e+00, v6;
	v6 =	vld [tilespmem:s0+$0x12690]  }
0x262: {  	[tilespmem:s0+$0x1A5B0] =	vst v1;
	v1 =	vmul.f32 $8.000000000e+00, v2;
	v2 =	vld [tilespmem:s0+$0x126A0]  }
0x263: {  	v7 =	vld [tilespmem:s0+$0x126B0];
	[tilespmem:s0+$0x1A600] =	vst v0;
	v0 =	vmul.f32 $8.000000000e+00, v3  }
0x264: {  	[tilespmem:s0+$0x1A610] =	vst v1;
	v1 =	vmul.f32 $8.000000000e+00, v4;
	v4 =	vld [tilespmem:s0+$0x12700]  }
0x265: {  	v3 =	vld [tilespmem:s0+$0x12710];
	[tilespmem:s0+$0x1A620] =	vst v0;
	v5 =	vmul.f32 $8.000000000e+00, v5  }
0x266: {  	v0 =	vld [tilespmem:s0+$0x12720];
	[tilespmem:s0+$0x1A630] =	vst v1;
	v6 =	vmul.f32 $8.000000000e+00, v6  }
0x267: {  	v1 =	vld [tilespmem:s0+$0x12730];
	[tilespmem:s0+$0x1A680] =	vst v5;
	v5 =	vmul.f32 $8.000000000e+00, v2  }
0x268: {  	v2 =	vld [tilespmem:s0+$0x12780];
	[tilespmem:s0+$0x1A690] =	vst v6;
	v6 =	vmul.f32 $8.000000000e+00, v7  }
0x269: {  	s6 =	simm.s32 $0x1000;
	s1 =	simm.s32 $0x0;
	[tilespmem:s0+$0x1A6A0] =	vst v5;
	v5 =	vmul.f32 $8.000000000e+00, v4;
	v4 =	vld [tilespmem:s0+$0x12790]  }
.LBB2_18:
0x26a: {  	s8 =	sshra.s32 s6, $0x2;
	s1 =	sadd.s32 $0x8, s1;
	[tilespmem:s0+$0x1A6B0] =	vst v6;
	v3 =	vmul.f32 $8.000000000e+00, v3;
	v6 =	vld [tilespmem:s0+$0x127A0]  }
0x26b: {  	v7 =	vld [tilespmem:s8+$0x127B0];
	p0 =	slt.u32 s1, $0x78;
	[tilespmem:s0+$0x1A700] =	vst v5;
	v0 =	vmul.f32 $8.000000000e+00, v0  }
0x26c: {  	v5 =	vld [tilespmem:s8+$0x12400];
	[tilespmem:s0+$0x1A710] =	vst v3;
	v1 =	vmul.f32 $8.000000000e+00, v1  }
0x26d: {  	v3 =	vld [tilespmem:s8+$0x12410];
	[tilespmem:s0+$0x1A720] =	vst v0;
	v0 =	vmul.f32 $8.000000000e+00, v2  }
0x26e: {  	v2 =	vld [tilespmem:s8+$0x12420];
	[tilespmem:s0+$0x1A730] =	vst v1;
	v1 =	vmul.f32 $8.000000000e+00, v4  }
0x26f: {  	v4 =	vld [tilespmem:s8+$0x12430];
	[tilespmem:s0+$0x1A780] =	vst v0;
	v0 =	vmul.f32 $8.000000000e+00, v6  }
0x270: {  	v6 =	vld [tilespmem:s8+$0x12480];
	v7 =	vmul.f32 $8.000000000e+00, v7;
	[tilespmem:s0+$0x1A790] =	vst v1  }
0x271: {  	v1 =	vmul.f32 $8.000000000e+00, v5;
	v5 =	vld [tilespmem:s8+$0x12490];
	[tilespmem:s0+$0x1A7A0] =	vst v0;
	s0 =	smov.u32 s8  }
0x272: {  	v0 =	vmul.f32 $8.000000000e+00, v3;
	v3 =	vld [tilespmem:s0+$0x124A0];
	[tilespmem:s0+$0x1A7B0] =	vst v7  }
0x273: {  	[tilespmem:s0+$0x1A400] =	vst v1;
	v1 =	vmul.f32 $8.000000000e+00, v2;
	v2 =	vld [tilespmem:s0+$0x124B0]  }
0x274: {  	[tilespmem:s0+$0x1A410] =	vst v0;
	v0 =	vmul.f32 $8.000000000e+00, v4;
	v4 =	vld [tilespmem:s0+$0x12500]  }
0x275: {  	[tilespmem:s0+$0x1A420] =	vst v1;
	v1 =	vmul.f32 $8.000000000e+00, v6;
	v6 =	vld [tilespmem:s0+$0x12510]  }
0x276: {  	[tilespmem:s0+$0x1A430] =	vst v0;
	v0 =	vmul.f32 $8.000000000e+00, v5;
	v5 =	vld [tilespmem:s0+$0x12520]  }
0x277: {  	[tilespmem:s0+$0x1A480] =	vst v1;
	v1 =	vmul.f32 $8.000000000e+00, v3;
	v3 =	vld [tilespmem:s0+$0x12530]  }
0x278: {  	[tilespmem:s0+$0x1A490] =	vst v0;
	v0 =	vmul.f32 $8.000000000e+00, v2;
	v2 =	vld [tilespmem:s0+$0x12580]  }
0x279: {  	[tilespmem:s0+$0x1A4A0] =	vst v1;
	v1 =	vmul.f32 $8.000000000e+00, v4;
	v4 =	vld [tilespmem:s0+$0x12590]  }
0x27a: {  	[tilespmem:s0+$0x1A4B0] =	vst v0;
	v0 =	vmul.f32 $8.000000000e+00, v6;
	v6 =	vld [tilespmem:s0+$0x125A0]  }
0x27b: {  	[tilespmem:s0+$0x1A500] =	vst v1;
	v1 =	vmul.f32 $8.000000000e+00, v5;
	v5 =	vld [tilespmem:s0+$0x125B0]  }
0x27c: {  	[tilespmem:s0+$0x1A510] =	vst v0;
	v0 =	vmul.f32 $8.000000000e+00, v3;
	v3 =	vld [tilespmem:s0+$0x12600]  }
0x27d: {  	[tilespmem:s0+$0x1A520] =	vst v1;
	v1 =	vmul.f32 $8.000000000e+00, v2;
	v2 =	vld [tilespmem:s0+$0x12610]  }
0x27e: {  	[tilespmem:s0+$0x1A530] =	vst v0;
	v0 =	vmul.f32 $8.000000000e+00, v4;
	v4 =	vld [tilespmem:s0+$0x12620]  }
0x27f: {  	[tilespmem:s0+$0x1A580] =	vst v1;
	v1 =	vmul.f32 $8.000000000e+00, v6;
	v6 =	vld [tilespmem:s0+$0x12630]  }
0x280: {  	[tilespmem:s0+$0x1A590] =	vst v0;
	v0 =	vmul.f32 $8.000000000e+00, v5;
	v5 =	vld [tilespmem:s0+$0x12680]  }
0x281: {  	[tilespmem:s0+$0x1A5A0] =	vst v1;
	v1 =	vmul.f32 $8.000000000e+00, v3;
	v7 =	vld [tilespmem:s0+$0x12690]  }
0x282: {  	[tilespmem:s0+$0x1A5B0] =	vst v0;
	v0 =	vmul.f32 $8.000000000e+00, v2;
	v2 =	vld [tilespmem:s0+$0x126A0]  }
0x283: {  	[tilespmem:s0+$0x1A600] =	vst v1;
	v1 =	vmul.f32 $8.000000000e+00, v4;
	v4 =	vld [tilespmem:s0+$0x126B0]  }
0x284: {  	[tilespmem:s0+$0x1A610] =	vst v0;
	v0 =	vmul.f32 $8.000000000e+00, v6;
	v8 =	vld [tilespmem:s0+$0x12700]  }
.Ltmp8:
0x285: {  	[tilespmem:s0+$0x1A620] =	vst v1;
	v1 =	vmul.f32 $8.000000000e+00, v5;
	v3 =	vld [tilespmem:s0+$0x12710];
	(pc) =	sbr.rel @p0 .LBB2_18-.Ltmp8, $4  }
0x286: {  	[tilespmem:s0+$0x1A630] =	vst v0;
	v5 =	vmul.f32 $8.000000000e+00, v7;
	v0 =	vld [tilespmem:s0+$0x12720]  }
0x287: {  	[tilespmem:s0+$0x1A680] =	vst v1;
	v7 =	vmul.f32 $8.000000000e+00, v2;
	v1 =	vld [tilespmem:s0+$0x12730]  }
0x288: {  	[tilespmem:s0+$0x1A690] =	vst v5;
	v6 =	vmul.f32 $8.000000000e+00, v4;
	v2 =	vld [tilespmem:s0+$0x12780]  }
0x289: {  	s6 =	sadd.s32 $0x1000, s6;
	[tilespmem:s0+$0x1A6A0] =	vst v7;
	v5 =	vmul.f32 $8.000000000e+00, v8;
	v4 =	vld [tilespmem:s0+$0x12790]  }
0x28a: {  	[tilespmem:s0+$0x1A6B0] =	vst v6;
	v3 =	vmul.f32 $8.000000000e+00, v3;
	v60 =	vld [tilespmem:s0+$0x127A0]  }
0x28b: {  	[tilespmem:s0+$0x1A700] =	vst v5;
	v0 =	vmul.f32 $8.000000000e+00, v0  }
0x28c: {  	[tilespmem:s0+$0x1A710] =	vst v3;
	v1 =	vmul.f32 $8.000000000e+00, v1  }
0x28d: {  	[tilespmem:s0+$0x1A720] =	vst v0;
	v61 =	vmul.f32 $8.000000000e+00, v2  }
0x28e: {  	[tilespmem:s0+$0x1A730] =	vst v1;
	v62 =	vmul.f32 $8.000000000e+00, v4  }
0x28f: {  	[tilespmem:s0+$0x1A780] =	vst v61;
	v63 =	vmul.f32 $8.000000000e+00, v60  }
0x290: {  	[tilespmem:s0+$0x1A790] =	vst v62  }
0x291: {  	[tilespmem:s0+$0x1A7A0] =	vst v63  }
0x292: {  	s31 =	sadd.s32 $0x1, s31;
	s0 =	rddreg [dreg:$0x6]  }
0x293: {  	[hbm4b:s0+s2] =	stream.linear.scatter [tilespmem:s25], [sflag:$0x6], $0x4000, $0x38;
	[tilespmem:$0x1E400] =	vst v63  }
0x294: {  	p0 =	sne.s32 s31, s13;
	_ =	swait.ge [sflag:s28], $0x4000  }
.Ltmp9:
0x295: {  	[sflag:s28] =	ssyncset.done $0x0;
	(pc) =	sbr.rel @p0 .LBB2_1-.Ltmp9, $4  }
0x296: {  	[sflag:s28] =	ssyncadd.s32 $0xFFFFC000  }
0x297: {  	_ =	swait.ge [sflag:s30], $0x4000  }
0x298: {  	[sflag:s30] =	ssyncset.done $0x0  }
0x299: {  	[sflag:s30] =	ssyncadd.s32 $0xFFFFC000  }
0x29a: {  	_ =	sfence.sel $0x180000  }
0x29b: {  	[bflag:$0x0] =	sbarrier.arrive $0xFFFF  }
0x29c: {  	_ =	strace $0x90000047  }
0x29d: {  	s0 =	stileid.u32;
	[bflag:$0x2] =	sbarrier.arrive $0xFFFF  }
0x29e: {  	p0 =	sne.s32 s0, $0x0;
	s0 =	rddreg [dreg:$0x2]  }
0x29f: {  	s0 =	sadd.s32 @!p0 $0x100000, s0  }
0x2a0: {  	[sflag:s0] =	ssyncadd.tile.s32 @!p0 $0x1;
	_ =	shalt  }
.Lfunc_end2:
_tile_overlayer_lowered:
.L_overlay_start_2:
0x2a1: {  	(tag) =	ssettag $0x2  }
0x2a2: {  	s0 =	rddreg [dreg:$0x0];
	s2 =	stileid.u32  }
0x2a3: {  	s1 =	rddreg [dreg:$0x1];
	p0 =	sne.s32 s2, $0x0  }
0x2a4: {  	s3 =	rddreg [dreg:$0x2];
	[bflag:$0x3] =	sbarrier.arrive $0xFFFF;
	s2 =	simm.s32 @!p0 $0x1C07  }
0x2a5: {  	[timem:s3], [sflag:s2] =	dma.local @!p0 [hbm:s0], s1  }
0x2a6: {  	s0 =	simm.s32 @!p0 $0x7  }
0x2a7: {  	_ =	swait.ge @!p0 [sflag:s0], s1  }
0x2a8: {  	s1 =	ssub.s32 @!p0 $0x0, s1;
	[sflag:s0] =	ssyncset.done @!p0 $0x0  }
0x2a9: {  	[sflag:s0] =	ssyncadd.s32 @!p0 s1  }
0x2aa: {  	[bflag:$0x3] =	sbarrier.arrive $0xFFFF  }
0x2ab: {  	_ =	shalt  }

// kernel: sparse-core-data-format-call.cloned.1.call-start
scs
called_computation_lowered:
.L_overlay_start_0:
0x0: {  	s2 =	sld [smem:$0x3FD9]  }
0x1: {  	s3 =	sld [smem:$0x3FFE];
	_ =	sdelay $0x1  }
0x2: {  	s1 =	srdreg.scid  }
0x3: {  	s0 =	sand.u32 $0x1, s1  }
0x4: {  	s18 =	sshll.u32 s0, $0xA;
	s2 =	sadd.s32 s3, s2  }
0x5: {  	s2 =	sadd.s32 s2, s18  }
0x6: {  	[smem:$0x3FC6] =	sst s2  }
0x7: {  	_ = 	snop  }
0x8: {  	s2 =	sld [smem:$0x3FD0];
	(tm) =	ssettm $0x1  }
0x9: {  	s19 =	sld [smem:$0x3FFB];
	_ =	sdelay $0x3  }
0xa: {  	_ =	strace s19  }
0xb: {  	s3 =	sld [smem:$0x3FFC];
	_ =	sdelay $0x3  }
0xc: {  	_ =	strace s3  }
0xd: {  	s3 =	sld [smem:$0x3FFD];
	_ =	sdelay $0x3  }
0xe: {  	_ =	strace s3  }
0xf: {  	_ =	strace $0x8FFFFFFF  }
0x10: {  	s20 =	sld [smem:$0x3FDB];
	_ =	sdelay $0x1  }
0x11: {  	s4 =	simm.s32 $_scs_section_size  }
0x12: {  	s5 =	simm.s32 $_size__tile_overlayer_lowered;
	s6 =	simm.s32 $_tile_overlayer_lowered  }
0x13: {  	s23 =	simm.s32 $0x1BFF;
	s22 =	sshll.u32 s6, $0x1;
	s3 =	sadd.s32 s4, s20  }
0x14: {  	s7 =	simm.s32 $0x0;
	s21 =	sshll.u32 s5, $0x1;
	s5 =	sadd.s32 s22, s3  }
0x15: {  	[timem:s7], [sflag:s23] =	dma.local [hbm:s5], s21  }
0x16: {  	_ =	swait.ge [sflag:s23], s21  }
0x17: {  	s4 =	ssub.s32 $0x0, s21;
	[sflag:s23] =	ssyncset.done $0x0  }
0x18: {  	[sflag:s23] =	ssyncadd.s32 s4;
	_ =	sdelay $0x1  }
0x19: {  	s24 =	simm.s32 $0x1B8B  }
0x1a: {  	_ =	swait.ge [sflag:s24], $0x1  }
0x1b: {  	[sflag:s24] =	ssyncset.done $0x0  }
0x1c: {  	s26 =	simm.s32 $0x1B8E;
	s25 =	sld [smem:$0x3FFE];
	[sflag:s24] =	ssyncadd.s32 $0xFFFFFFFF  }
0x1d: {  	s27 =	simm.s32 $execute0_lowered;
	[smem:$0x3FD2] =	sst s26  }
0x1e: {  	s5 =	sshll.u32 s27, $0x1;
	_ =	strace $0x80000049;
	[dreg:$0x1] =	wrdreg $0xFFFFFFFF  }
0x1f: {  	s28 =	simm.s32 $_size_execute0_lowered;
	s3 =	sadd.s32 s3, s5;
	[dreg:$0x0] =	wrdreg $0x0  }
0x20: {  	s5 =	sshll.u32 s28, $0x1;
	[dreg:$0x2] =	wrdreg s3  }
0x21: {  	[dreg:$0x3] =	wrdreg s5  }
0x22: {  	[dreg:$0x4] =	wrdreg $0xC0  }
0x23: {  	_ =	task [dreg:s7], $0x5FFFF  }
0x24: {  	[dreg:$0x1] =	wrdreg $0xFFFFFFFF  }
0x25: {  	[dreg:$0x0] =	wrdreg $0x60  }
0x26: {  	[dreg:$0x2] =	wrdreg s25  }
0x27: {  	[dreg:$0x3] =	wrdreg s2  }
0x28: {  	[dreg:$0x4] =	wrdreg $0x9  }
0x29: {  	_ =	task.clear_ibuf [dreg:s7], $0x5FFFF;
	_ =	strace $0x90000049  }
0x2a: {  	s29 =	simm.s32 $0x9;
	_ =	strace $0x8000004B  }
0x2b: {  	_ =	swait.ge [sflag:s29], $0x1  }
0x2c: {  	[sflag:s29] =	ssyncadd.s32 $0xFFFFFFFF  }
0x2d: {  	_ =	strace $0x9000004B  }
0x2e: {  	_ =	sfence  }
0x2f: {  	s30 =	sld [smem:$0x0];
	_ =	sdelay $0x2  }
0x30: {  	s31 =	sshll.u32 s1, $0xD;
	s1 =	sshrl.u32 s1, $0x2  }
0x31: {  	s3 =	sand.u32 $0x4000, s31;
	s1 =	sadd.s32 s1, s30  }
0x32: {  	s0 =	sor.u32 s3, s0;
	s1 =	sshll.u32 s1, $0x11  }
0x33: {  	s0 =	sor.u32 s1, s0  }
0x34: {  	s0 =	sadd.s32 $0x8F2B, s0  }
0x35: {  	[sflag:s0] =	ssyncadd.remote.s32 $0x1  }
0x36: {  	_ =	sfence.sel $0xFFFF  }
0x37: {  	[dreg:$0x0] =	wrdreg $0xFFFFFFFF;
	(pc) =	sbr.abs _section_cstart, $3  }
0x38: {  	[dreg:$0x1] =	wrdreg $0xFFFFFFFF  }
0x39: {  	_ =	task.clear_ibuf [dreg:s7], $0x2FFFF;
	_ =	strace $0x9FFFFFFF  }
0x3a: {  	(tm) =	ssettm $0x7FFFFFFF  }
0x3b: {  	_ =	shalt  }
tec
execute0_lowered:
.L_overlay_start_1:
0x0: {  	(tag) =	ssettag $0x1  }
0x1: {  	s0 =	srdreg.scid  }
0x2: {  	s1 =	sshll.u32 s0, $0x4  }
0x3: {  	s0 =	stileid.u32;
	s1 =	sand.u32 $0x10, s1  }
0x4: {  	s1 =	sor.u32 s0, s1  }
0x5: {  	s6 =	rddreg [dreg:$0x0];
	s4 =	simm.s32 $0x1;
	s2 =	sshll.u32 s1, $0x7  }
0x6: {  	s7 =	simm.s32 $0x2;
	s12 =	simm.s32 $0x0;
	s1 =	ssub.s32 $0x1000, s2  }
0x7: {  	s8 =	simm.s32 $0x8000;
	s13 =	simm.s32 $0x0;
	s3 =	sand.u32 $0xF80, s1  }
0x8: {  	s9 =	simm.s32 $0x0;
	s5 =	sshrl.u32 s1, $0xC;
	p0 =	sne.s32 s3, $0x0  }
.Ltmp0:
0x9: {  	s1 =	rddreg [dreg:$0x2];
	s4 =	simm.s32 @!p0 $0x0;
	(pc) =	sbr.rel .LBB1_1-.Ltmp0, $4  }
0xa: {  	s11 =	simm.s32 $0x0;
	s3 =	rddreg [dreg:$0x1];
	s5 =	sadd.s32 s4, s5  }
0xb: {  	_ =	strace $0x8000004A;
	s4 =	simm.s32 $0x1;
	s5 =	smul.u32 $0xC8, s5  }
0xc: {  	s6 =	sadd.s32 $0xA00, s6;
	s10 =	smov.u32 s2;
	[sflag:s4] =	ssyncpa.u1 $0x0  }
0xd: {  	p0 =	por $0x0, $0x0;
	[sflag:s7] =	ssyncpa.u1 $0x0;
	s7 =	sor.u32 $0x1, s5  }
.LBB1_4:
0xe: {  	s16 =	sshll.u32 s13, $0x3;
	s17 =	sand.u32 $0x78, s13  }
0xf: {  	s30 =	sand.u32 $0x7E00, s13;
	s12 =	sshll.u32 s12, $0xF;
	s16 =	sand.u32 $0xC00, s16  }
0x10: {  	[tilespmem:s15+$0x810 ss:$0x81] =	vst.msk $0xffff, v2;
	s31 =	sand.u32 $0x7, s13;
	s16 =	sor.u32 s17, s16;
	s17 =	sadd.s32 s3, s30  }
0x11: {  	[tilespmem:s15+$0x1020 ss:$0x81] =	vst.msk $0xffff, v0;
	s13 =	sshll.u32 s31, $0x12;
	s12 =	sadd.s32 s12, s17;
	s16 =	sshrl.u32 s16, $0x3  }
0x12: {  	[tilespmem:s15+$0x0 ss:$0x81] =	vst.msk $0xffff, v1;
	s13 =	sor.u32 $0x400, s13;
	s12 =	sadd.s32 s16, s12  }
0x13: {  	[hbm4b:s12+s13] =	stream.strided.scatter [tilespmem:s14], [sflag:$0x2], $0x2000, s8, s13, $0x20;
	[tilespmem:$0x8080] =	vst v63  }
.LBB1_5:
0x14: {  	s14 =	sadd.s32 $0x1, s9  }
0x15: {  	s12 =	sadd.s32 $0x1000, s10;
	s16 =	smov.u32 s10;
	p2 =	sgt.s32 s14, $0xC7  }
0x16: {  	s16 =	smov.u32 @p2 s12  }
0x17: {  	s14 =	simm.s32 @p2 $0x0;
	p2 =	sgt.s32 s16, $0xFFF  }
0x18: {  	s16 =	smov.u32 @p2 s2;
	p2 =	sne.s32 s11, s7  }
.Ltmp1:
0x19: {  	p1 =	slt.u32 s11, $0x2;
	(pc) =	sbr.rel @!p2 .LBB1_6-.Ltmp1, $4  }
0x1a: {  	s15 =	simm.s32 @!p1 $0x2  }
0x1b: {  	s13 =	smov.u32 s10;
	p0 =	por !p0, !p0;
	_ =	swait.ge @!p1 [sflag:s15], $0x2000  }
0x1c: {  	s12 =	smov.u32 s9;
	[sflag:s15] =	ssyncset.done @!p1 $0x0;
	s9 =	smov.u32 s14  }
0x1d: {  	s11 =	sadd.s32 $0x1, s11;
	[sflag:s15] =	ssyncadd.s32 @!p1 $0xFFFFE000;
	s10 =	smov.u32 s16  }
.LBB1_1:
0x1e: {  	p1 =	sge.u32 s11, s5  }
0x1f: {  	s14 =	sand.u32 @!p1 $0x1FFFFFF, s9  }
0x20: {  	s15 =	smulhi.u32 @!p1 $0x147AE15, s14;
	_ =	sdelay $0x1  }
0x21: {  	s15 =	smul.u32 @!p1 $0xC8, s15  }
0x22: {  	s16 =	sxor.u32 @!p1 $0xFFFFFFFF, s11;
	s17 =	smul.u32 @!p1 $0xC80, s10  }
0x23: {  	s31 =	sadd.s32 $0xFFFFFFFF, s11;
	s16 =	sshll.u32 @!p1 s16, $0xD;
	s14 =	ssub.s32 @!p1 s14, s15  }
0x24: {  	s15 =	sand.u32 @!p1 $0x2000, s16;
	s16 =	sadd.s32 @!p1 s6, s17;
	s14 =	sshll.u32 @!p1 s14, $0x4  }
0x25: {  	s17 =	simm.s32 @!p1 $0x6400;
	s14 =	sadd.s32 @!p1 s14, s16;
	s16 =	simm.s32 @!p1 $0x40  }
0x26: {  	[tilespmem:s15], [sflag:$0x1] =	stream.strided.gather @!p1 [hbm4b:s14+s16], $0x2000, s17, s16, $0x38;
	[tilespmem:$0x8080] =	vst v63  }
0x27: {  	p1 =	sge.u32 s31, s5  }
.Ltmp2:
0x28: {  	_ = 	snop;
	(pc) =	sbr.rel @p1 .LBB1_5-.Ltmp2, $1  }
0x29: {  	_ =	sdelay $0x3  }
0x2a: {  	s14 =	simm.s32 $0x1  }
0x2b: {  	_ =	swait.ge [sflag:s4], $0x2000;
	s14 =	simm.s32 @!p0 $0x0  }
0x2c: {  	[sflag:s4] =	ssyncset.done $0x0;
	s15 =	sshll.u32 s14, $0xD  }
0x2d: {  	[sflag:s4] =	ssyncadd.s32 $0xFFFFE000;
	s18 =	sor.u32 $0x20, s15  }
0x2e: {  	s14 =	smul.u32 $0x8100, s14;
	v3 =	vld [tilespmem:s18+$0x10]  }
0x2f: {  	s30 =	sand.u32 $0x1, s11;
	v2 =	vld [tilespmem:s18+$0xFFFFFFF0]  }
0x30: {  	s15 =	smul.u32 $0x8100, s30;
	s14 =	sshrl.u32 s14, $0x2;
	v0 =	vld [tilespmem:s18+$0x0]  }
0x31: {  	v1 =	vld [tilespmem:s18+$0xFFFFFFE0];
	s16 =	sor.u32 $0x4000, s14  }
0x32: {  	s31 =	sshrl.u32 s15, $0x2;
	s15 =	sadd.s32 $0x0, s16  }
0x33: {  	s17 =	simm.s32 $0x4;
	s18 =	sadd.s32 $0x40, s18;
	s14 =	sor.u32 $0x4000, s31;
	[tilespmem:s15+$0x1830 ss:$0x81] =	vst.msk $0xffff, v3  }
.LBB1_3:
0x34: {  	v3 =	vld [tilespmem:s18+$0x10];
	p1 =	sne.s32 s17, $0x1FC;
	[tilespmem:s15+$0x810 ss:$0x81] =	vst.msk $0xffff, v2;
	s19 =	smov.u32 s17;
	s17 =	sadd.s32 $0x4, s17  }
.Ltmp3:
0x35: {  	v2 =	vld [tilespmem:s18+$0xFFFFFFF0];
	[tilespmem:s15+$0x1020 ss:$0x81] =	vst.msk $0xffff, v0;
	(pc) =	sbr.rel @p1 .LBB1_3-.Ltmp3, $4  }
0x36: {  	v0 =	vld [tilespmem:s18+$0x0];
	[tilespmem:s15+$0x0 ss:$0x81] =	vst.msk $0xffff, v1  }
0x37: {  	s15 =	sshra.s32 s19, $0x2;
	v1 =	vld [tilespmem:s18+$0xFFFFFFE0]  }
0x38: {  	s15 =	sadd.s32 s15, s16  }
0x39: {  	s18 =	sadd.s32 $0x40, s18;
	[tilespmem:s15+$0x1830 ss:$0x81] =	vst.msk $0xffff, v3  }
.Ltmp4:
0x3a: {  	_ = 	snop;
	(pc) =	sbr.rel .LBB1_4-.Ltmp4, $1  }
0x3b: {  	_ =	sdelay $0x3  }
.LBB1_6:
0x3c: {  	_ =	sfence.sel $0x180000  }
0x3d: {  	s2 =	simm.s32 $0x1;
	[bflag:$0x0] =	sbarrier.arrive $0xFFFF  }
0x3e: {  	s31 =	simm.s32 $0x2;
	[sflag:s2] =	ssyncpa.u1 $0x1  }
0x3f: {  	[sflag:s31] =	ssyncpa.u1 $0x1  }
0x40: {  	p0 =	sne.s32 s0, $0x0;
	_ =	strace $0x9000004A  }
0x41: {  	s0 =	sadd.s32 @!p0 $0x100000, s1;
	[bflag:$0x2] =	sbarrier.arrive $0xFFFF  }
0x42: {  	[sflag:s0] =	ssyncadd.tile.s32 @!p0 $0x1;
	_ =	shalt  }
.Lfunc_end1:
_tile_overlayer_lowered:
.L_overlay_start_2:
0x43: {  	(tag) =	ssettag $0x2  }
0x44: {  	s0 =	rddreg [dreg:$0x0];
	s2 =	stileid.u32  }
0x45: {  	s1 =	rddreg [dreg:$0x1];
	p0 =	sne.s32 s2, $0x0  }
0x46: {  	s3 =	rddreg [dreg:$0x2];
	[bflag:$0x3] =	sbarrier.arrive $0xFFFF;
	s2 =	simm.s32 @!p0 $0x1C01  }
0x47: {  	[timem:s3], [sflag:s2] =	dma.local @!p0 [hbm:s0], s1  }
0x48: {  	s0 =	simm.s32 @!p0 $0x1  }
0x49: {  	_ =	swait.ge @!p0 [sflag:s0], s1  }
0x4a: {  	s1 =	ssub.s32 @!p0 $0x0, s1;
	[sflag:s0] =	ssyncset.done @!p0 $0x0  }
0x4b: {  	[sflag:s0] =	ssyncadd.s32 @!p0 s1  }
0x4c: {  	[bflag:$0x3] =	sbarrier.arrive $0xFFFF  }
0x4d: {  	_ =	shalt  }

</sc_bundles>
